<compile_context>
chip_gen: v7x
topology: tpu7x:2x2x1
jax: 0.10.2.dev20260603
libtpu: 0.0.44.dev20260713+nightly
codegen_flags: <defaults>
</compile_context>

<pallas_src>
import functools

import jax
import jax.numpy as jnp
from jax import lax
from jax.experimental import pallas as pl
from jax.experimental.pallas import tpu as pltpu
from jax.experimental.pallas import tpu_sc as plsc

B = 4096
HIST = 20
NCAT = 4
EMB = 4
XW = 128
MW = 32

NC, NS, L = 2, 16, 16
NW = NC * NS
BPW = B // NW
NCHUNK = BPW // L

_REC0 = 0
_CAT0 = HIST
_UID, _GID, _JOB, _SEX, _AGE, _PUB = 24, 25, 26, 27, 28, 29

_OFF = {}
_cur = 0
for _name, _len in [
    ("fm1_uid", 944), ("fm1_gid", 1683), ("fm1_job", 22), ("fm1_sex", 2),
    ("fm1_age", 5), ("fm1_pub", 5),
    ("user", 944 * EMB), ("group", 1683 * EMB), ("cat", 20 * EMB),
    ("f2job", 22 * EMB), ("f2sex", 2 * EMB), ("f2age", 5 * EMB),
    ("f2pub", 5 * EMB),
]:
    _OFF[_name] = _cur
    _cur += _len
TAB_LEN = (_cur + 7) // 8 * 8

_TABLE_ARG_ORDER = ["fm1_uid", "fm1_gid", "fm1_job", "fm1_sex", "fm1_age",
                    "fm1_pub", "user", "group", "cat", "f2job", "f2sex",
                    "f2age", "f2pub"]


def _sc_body(meta_h, tab_h, xx_out, meta_v, tab_v, x_v, sem):
    wid = lax.axis_index("s") * NC + lax.axis_index("c")
    base = wid * BPW

    mrow = pl.multiple_of(base * MW // 128, 8)
    cps = [pltpu.make_async_copy(meta_h.at[pl.ds(mrow, BPW * MW // 128), :],
                                 meta_v, sem),
           pltpu.make_async_copy(tab_h, tab_v, sem)]
    for c in cps:
        c.start()
    for c in cps:
        c.wait()

    iota = jnp.arange(L, dtype=jnp.int32)

    def put(xb, col, val):
        plsc.store_scatter(x_v, [xb + col], val)

    @plsc.parallel_loop(0, NCHUNK, unroll=2)
    def chunk(i):
        sidx = i * L + iota
        xb = lax.shift_left(sidx, 7)
        mr = lax.shift_right_logical(sidx, 2)
        mc = lax.shift_left(jnp.bitwise_and(sidx, 3), 5)

        def midx(c):
            return plsc.load_gather(meta_v, [mr, mc + c])

        uid = midx(_UID)
        gid = midx(_GID)
        job = midx(_JOB)
        sex = midx(_SEX)
        age = midx(_AGE)
        pub = midx(_PUB)

        def lg(idx):
            return plsc.load_gather(tab_v, [idx])

        fm1 = (lg(_OFF["fm1_uid"] + uid) + lg(_OFF["fm1_gid"] + gid)
               + lg(_OFF["fm1_job"] + job) + lg(_OFF["fm1_sex"] + sex)
               + lg(_OFF["fm1_age"] + age) + lg(_OFF["fm1_pub"] + pub))
        put(xb, 32, fm1)

        f_base = [
            _OFF["f2job"] + job * EMB,
            _OFF["f2sex"] + sex * EMB,
            _OFF["f2age"] + age * EMB,
            _OFF["f2pub"] + pub * EMB,
            _OFF["user"] + uid * EMB,
            _OFF["group"] + gid * EMB,
        ]
        rec_base = [_OFF["group"] + midx(_REC0 + h) * EMB
                    for h in range(HIST)]
        cat_base = [_OFF["cat"] + midx(_CAT0 + c) * EMB
                    for c in range(NCAT)]

        fm2_acc = jnp.zeros((L,), jnp.float32)
        for d in range(EMB):
            e = [lg(fb + d) for fb in f_base]
            hsum = lg(rec_base[0] + d)
            for rb in rec_base[1:]:
                hsum = hsum + lg(rb + d)
            csum = lg(cat_base[0] + d)
            for cb in cat_base[1:]:
                csum = csum + lg(cb + d)
            e.append(hsum)
            e.append(csum * 0.25)
            s = e[0]
            sq = e[0] * e[0]
            for ef in e[1:]:
                s = s + ef
                sq = sq + ef * ef
            fm2_acc = fm2_acc + (s * s - sq)
            for f in range(8):
                put(xb, f * EMB + d, e[f])
        put(xb, 33, fm2_acc * 0.5)

    pltpu.sync_copy(x_v, xx_out.at[pl.ds(base * XW, BPW * XW)])


_sc_gather = functools.partial(
    pl.kernel,
    out_type=jax.ShapeDtypeStruct((B * XW,), jnp.float32),
    mesh=plsc.VectorSubcoreMesh(core_axis_name="c", subcore_axis_name="s"),
    scratch_types=[
        pltpu.VMEM((BPW * MW // 128, 128), jnp.int32),
        pltpu.VMEM((TAB_LEN,), jnp.float32),
        pltpu.VMEM((BPW * XW,), jnp.float32),
        pltpu.SemaphoreType.DMA,
    ],
    compiler_params=pltpu.CompilerParams(needs_layout_passes=False),
)(_sc_body)


def _dotT(a, b):
    return lax.dot_general(a, b, (((1,), (1,)), ((), ())),
                           preferred_element_type=jnp.float32)


def _tc_body(xx_ref, w1_ref, b1_ref, g1_ref, be1_ref,
             w2_ref, b2_ref, g2_ref, be2_ref, w3t_ref, b3_ref, g3_ref,
             be3_ref, wot_ref, bo_ref, out_ref):
    ones = jnp.full((1, B), 1.0 / B, jnp.float32)

    def bn_relu(h, b, g, be):
        n = h.shape[1]
        h = h + b.reshape(1, n)
        m = jnp.dot(ones, h, preferred_element_type=jnp.float32)
        ms = jnp.dot(ones, h * h, preferred_element_type=jnp.float32)
        v = ms - m * m
        scale = g.reshape(1, n) / jnp.sqrt(v + 1e-5)
        shift = be.reshape(1, n) - m * scale
        return jnp.maximum(h * scale + shift, 0.0)

    xx = jnp.reshape(xx_ref[...], (B, XW))
    lane = lax.broadcasted_iota(jnp.int32, (B, XW), 1)
    xm = jnp.where(lane < 34, xx, 0.0)
    w1p = jnp.concatenate(
        [w1_ref[...], jnp.zeros((XW - 32, 256), jnp.float32)], axis=0)
    h = bn_relu(jnp.dot(xm, w1p, preferred_element_type=jnp.float32),
                b1_ref[...], g1_ref[...], be1_ref[...])
    h = bn_relu(jnp.dot(h, w2_ref[...], preferred_element_type=jnp.float32),
                b2_ref[...], g2_ref[...], be2_ref[...])
    h = bn_relu(_dotT(h, w3t_ref[...]),
                b3_ref[...], g3_ref[...], be3_ref[...])
    wot = wot_ref[...]
    wofm = jnp.concatenate(
        [jnp.zeros((5, 32), jnp.float32), wot[:, 32:34],
         jnp.zeros((5, XW - 34), jnp.float32)], axis=1)
    outt = (_dotT(wot[:, :32], h) + _dotT(wofm, xm)
            + lax.broadcast_in_dim(bo_ref[...], (5, B), (0,)))
    out_ref[...] = outt


_tc_dnn = pl.pallas_call(
    _tc_body,
    out_shape=jax.ShapeDtypeStruct((5, B), jnp.float32),
)


def kernel(uid, gid, job, sex, age, pubtime, recent_films, category,
           fm1_uid, fm1_gid, fm1_job, fm1_sex, fm1_age, fm1_pub,
           user_emb, group_emb, cat_emb,
           fm2_job, fm2_sex, fm2_age, fm2_pub,
           W1, b1, g1, be1, W2, b2, g2, be2, W3, b3, g3, be3, Wo, bo):
    i32 = jnp.int32
    meta = jnp.concatenate(
        [recent_films.astype(i32), category.astype(i32),
         uid.astype(i32)[:, None], gid.astype(i32)[:, None],
         job.astype(i32)[:, None], sex.astype(i32)[:, None],
         age.astype(i32)[:, None], pubtime.astype(i32)[:, None],
         jnp.zeros((B, 2), i32)], axis=1).reshape(B * MW // 128, 128)
    tables = dict(fm1_uid=fm1_uid, fm1_gid=fm1_gid, fm1_job=fm1_job,
                  fm1_sex=fm1_sex, fm1_age=fm1_age, fm1_pub=fm1_pub,
                  user=user_emb, group=group_emb, cat=cat_emb,
                  f2job=fm2_job, f2sex=fm2_sex, f2age=fm2_age,
                  f2pub=fm2_pub)
    pieces = [tables[name].reshape(-1) for name in _TABLE_ARG_ORDER]
    pieces.append(jnp.zeros((TAB_LEN - _cur,), jnp.float32))
    tab = jnp.concatenate(pieces)
    xx = _sc_gather(meta, tab)
    outt = _tc_dnn(xx, W1, b1, g1, be1, W2, b2, g2, be2,
                   W3.T, b3, g3, be3, Wo.T, bo)
    return jnp.transpose(outt)

# --- scband reference (transcript-rebuilt; emitter-appended) ---
"""Pipeline reference for scband-deep-fm-60387240181776 (READ-ONLY COPY).

The authoritative reference and input builder live on the scoring server;
editing this copy changes nothing except your own understanding.
"""

import jax, jax.numpy as jnp
import numpy as np

B = 4096
HIST = 20
NCAT = 4


def setup_inputs(seed: int = 0):
    key = jax.random.key(seed)
    ks = jax.random.split(key, 40)

    def nrm(i, shape, scale=0.05):
        return jax.random.normal(ks[i], shape, dtype=jnp.float32) * scale

    inp = {}
    inp["uid"] = jax.random.randint(ks[0], (B,), 0, 944)
    inp["gid"] = jax.random.randint(ks[1], (B,), 0, 1683)
    inp["job"] = jax.random.randint(ks[2], (B,), 0, 22)
    inp["sex"] = jax.random.randint(ks[3], (B,), 0, 2)
    inp["age"] = jax.random.randint(ks[4], (B,), 0, 5)
    inp["pubtime"] = jax.random.randint(ks[5], (B,), 0, 5)
    inp["recent_films"] = jax.random.randint(ks[6], (B, HIST), 0, 1683)
    inp["category"] = jax.random.randint(ks[7], (B, NCAT), 0, 20)
    # FM first-order tables (embedding_dim = 1)
    inp["fm1_uid"] = nrm(8, (944, 1))
    inp["fm1_gid"] = nrm(9, (1683, 1))
    inp["fm1_job"] = nrm(10, (22, 1))
    inp["fm1_sex"] = nrm(11, (2, 1))
    inp["fm1_age"] = nrm(12, (5, 1))
    inp["fm1_pub"] = nrm(13, (5, 1))
    # second-order embedding tables (emb_size = 4)
    inp["user_emb"] = nrm(14, (944, 4))
    inp["group_emb"] = nrm(15, (1683, 4)).at[0].set(0.0)  # padding_idx=0
    inp["cat_emb"] = nrm(16, (20, 4))
    inp["fm2_job"] = nrm(17, (22, 4))
    inp["fm2_sex"] = nrm(18, (2, 4))
    inp["fm2_age"] = nrm(19, (5, 4))
    inp["fm2_pub"] = nrm(20, (5, 4))
    # DNN: 32 -> 256 -> 128 -> 32, each with batchnorm params
    inp["W1"] = nrm(21, (32, 256)); inp["b1"] = jnp.zeros((256,), jnp.float32)
    inp["g1"] = jnp.ones((256,), jnp.float32); inp["be1"] = jnp.zeros((256,), jnp.float32)
    inp["W2"] = nrm(22, (256, 128)); inp["b2"] = jnp.zeros((128,), jnp.float32)
    inp["g2"] = jnp.ones((128,), jnp.float32); inp["be2"] = jnp.zeros((128,), jnp.float32)
    inp["W3"] = nrm(23, (128, 32)); inp["b3"] = jnp.zeros((32,), jnp.float32)
    inp["g3"] = jnp.ones((32,), jnp.float32); inp["be3"] = jnp.zeros((32,), jnp.float32)
    # output head: (32 hidden + 2 FM terms) -> 5 classes
    inp["Wo"] = nrm(24, (34, 5)); inp["bo"] = jnp.zeros((5,), jnp.float32)
    return inp


def _bn(h, gamma, beta):
    # training-mode BatchNorm1d: normalize with batch statistics
    m = jnp.mean(h, axis=0)
    v = jnp.var(h, axis=0)
    return gamma * (h - m) / jnp.sqrt(v + 1e-5) + beta


def _forward(uid, gid, job, sex, age, pubtime, recent_films, category,
             fm1_uid, fm1_gid, fm1_job, fm1_sex, fm1_age, fm1_pub,
             user_emb, group_emb, cat_emb,
             fm2_job, fm2_sex, fm2_age, fm2_pub,
             W1, b1, g1, be1, W2, b2, g2, be2, W3, b3, g3, be3, Wo, bo):
    # first-order FM: sum of six scalar embeddings -> [B, 1]
    fm1 = (jnp.take(fm1_uid, uid, axis=0) + jnp.take(fm1_gid, gid, axis=0)
           + jnp.take(fm1_job, job, axis=0) + jnp.take(fm1_sex, sex, axis=0)
           + jnp.take(fm1_age, age, axis=0) + jnp.take(fm1_pub, pubtime, axis=0))
    # second-order field embeddings -> [B, 8, 4]
    u = jnp.take(user_emb, uid, axis=0)
    g = jnp.take(group_emb, gid, axis=0)
    recent_g = jnp.sum(jnp.take(group_emb, recent_films, axis=0), axis=1)
    c = jnp.mean(jnp.take(cat_emb, category, axis=0), axis=1)
    f2 = jnp.stack([jnp.take(fm2_job, job, axis=0), jnp.take(fm2_sex, sex, axis=0),
                    jnp.take(fm2_age, age, axis=0), jnp.take(fm2_pub, pubtime, axis=0),
                    u, g, recent_g, c], axis=1)
    # FM pairwise interaction term
    sum_e = jnp.sum(f2, axis=1)
    sub = 0.5 * (sum_e * sum_e - jnp.sum(f2 * f2, axis=1))
    fm2 = jnp.sum(sub, axis=1, keepdims=True)
    # DNN part (dropout omitted / eval-identity)
    x = f2.reshape(f2.shape[0], -1)
    h = jax.nn.relu(_bn(x @ W1 + b1, g1, be1))
    h = jax.nn.relu(_bn(h @ W2 + b2, g2, be2))
    h = jax.nn.relu(_bn(h @ W3 + b3, g3, be3))
    out = jnp.concatenate([h, fm1, fm2], axis=1) @ Wo + bo
    return out


def reference(uid, gid, job, sex, age, pubtime, recent_films, category,
              fm1_uid, fm1_gid, fm1_job, fm1_sex, fm1_age, fm1_pub,
              user_emb, group_emb, cat_emb,
              fm2_job, fm2_sex, fm2_age, fm2_pub,
              W1, b1, g1, be1, W2, b2, g2, be2, W3, b3, g3, be3, Wo, bo):
    return _forward(uid, gid, job, sex, age, pubtime, recent_films, category,
                    fm1_uid, fm1_gid, fm1_job, fm1_sex, fm1_age, fm1_pub,
                    user_emb, group_emb, cat_emb,
                    fm2_job, fm2_sex, fm2_age, fm2_pub,
                    W1, b1, g1, be1, W2, b2, g2, be2, W3, b3, g3, be3, Wo, bo)

if __name__ == "__main__":
    import jax
    _d = setup_inputs()
    print(jax.jit(kernel)(*tuple(_d.values())))

</pallas_src>

<mosaic_0001>
#map = affine_map<(d0, d1) -> (0, 0)>
#map1 = affine_map<(d0, d1) -> (0)>
module attributes {stable_mosaic.version = 14 : i64} {
  func.func @_sc_body(%arg0: i32, %arg1: i32, %arg2: memref<1024x128xi32, #tpu.memory_space<hbm>>, %arg3: memref<13392xf32, #tpu.memory_space<hbm>>, %arg4: memref<524288xf32, #tpu.memory_space<hbm>>, %arg5: memref<32x128xi32, #tpu.memory_space<vmem>>, %arg6: memref<13392xf32, #tpu.memory_space<vmem>>, %arg7: memref<16384xf32, #tpu.memory_space<vmem>>, %arg8: memref<!tpu.dma_semaphore, #tpu.memory_space<semaphore_mem>>) attributes {dimension_semantics = [#tpu.dimension_semantics<core_parallel>, #tpu.dimension_semantics<subcore_parallel>], iteration_bounds = array<i64: 2, 16>, scalar_prefetch = 0 : i64, scratch_operands = 4 : i64, tpu.core_type = #tpu.core_type<sc_vector_subcore>, window_params = [{transform_indices = #map}, {transform_indices = #map1}, {transform_indices = #map1}]} {
    %mul3A = arith.constant 2 : i32
    %mul3A_0 = arith.muli %arg1, %mul3A : i32
    %add3A = arith.addi %mul3A_0, %arg0 : i32
    %mul3A_1 = arith.constant 128 : i32
    %mul3A_2 = arith.muli %add3A, %mul3A_1 : i32
    %mul3A_3 = arith.constant 32 : i32
    %mul3A_4 = arith.muli %mul3A_2, %mul3A_3 : i32
    %jit3A = arith.constant 128 : i32
    %div3A = arith.divsi %mul3A_4, %jit3A : i32
    %sign3A = arith.constant 0 : i32
    %sign3A_5 = arith.cmpi sgt, %mul3A_4, %sign3A : i32
    %sign3A_6 = arith.extui %sign3A_5 : i1 to i32
    %sign3A_7 = arith.constant 0 : i32
    %sign3A_8 = arith.cmpi slt, %mul3A_4, %sign3A_7 : i32
    %sign3A_9 = arith.extui %sign3A_8 : i1 to i32
    %sign3A_10 = arith.subi %sign3A_6, %sign3A_9 : i32
    %sign3A_11 = arith.constant 0 : i32
    %sign3A_12 = arith.cmpi sgt, %jit3A, %sign3A_11 : i32
    %sign3A_13 = arith.extui %sign3A_12 : i1 to i32
    %sign3A_14 = arith.constant 0 : i32
    %sign3A_15 = arith.cmpi slt, %jit3A, %sign3A_14 : i32
    %sign3A_16 = arith.extui %sign3A_15 : i1 to i32
    %sign3A_17 = arith.subi %sign3A_13, %sign3A_16 : i32
    %ne3A = arith.cmpi ne, %sign3A_10, %sign3A_17 : i32
    %rem3A = arith.remsi %mul3A_4, %jit3A : i32
    %ne3A_18 = arith.constant 0 : i32
    %ne3A_19 = arith.cmpi ne, %rem3A, %ne3A_18 : i32
    %and3A = arith.andi %ne3A, %ne3A_19 : i1
    %sub3A = arith.constant 1 : i32
    %sub3A_20 = arith.subi %div3A, %sub3A : i32
    %select_n3A = arith.select %and3A, %sub3A_20, %div3A : i32
    %multiple_of3A = tpu.assume_multiple %select_n3A, 8 : i32
    %dma_start3A = arith.constant 0 : i32
    %dma_start3A_21 = tpu.memref_slice %arg2[%multiple_of3A, %dma_start3A] : memref<1024x128xi32, #tpu.memory_space<hbm>> -> memref<32x128xi32, #tpu.memory_space<hbm>>
    %dma_start3A_22 = arith.constant 0 : i32
    %dma_start3A_23 = tpu.memref_slice %arg2[%multiple_of3A, %dma_start3A_22] : memref<1024x128xi32, #tpu.memory_space<hbm>> -> memref<32x128xi32, #tpu.memory_space<hbm>>
    tpu.enqueue_dma source(%dma_start3A_23 : memref<32x128xi32, #tpu.memory_space<hbm>>) target(%arg5 : memref<32x128xi32, #tpu.memory_space<vmem>>) target_semaphore(%arg8 : memref<!tpu.dma_semaphore, #tpu.memory_space<semaphore_mem>>)
    tpu.enqueue_dma source(%arg3 : memref<13392xf32, #tpu.memory_space<hbm>>) target(%arg6 : memref<13392xf32, #tpu.memory_space<vmem>>) target_semaphore(%arg8 : memref<!tpu.dma_semaphore, #tpu.memory_space<semaphore_mem>>)
    %dma_wait3A = arith.constant 0 : i32
    %dma_wait3A_24 = tpu.memref_slice %arg2[%multiple_of3A, %dma_wait3A] : memref<1024x128xi32, #tpu.memory_space<hbm>> -> memref<32x128xi32, #tpu.memory_space<hbm>>
    %dma_wait3A_25 = arith.constant 0 : i32
    %dma_wait3A_26 = tpu.memref_slice %arg2[%multiple_of3A, %dma_wait3A_25] : memref<1024x128xi32, #tpu.memory_space<hbm>> -> memref<32x128xi32, #tpu.memory_space<hbm>>
    tpu.wait_dma2 semaphore(%arg8 : memref<!tpu.dma_semaphore, #tpu.memory_space<semaphore_mem>>) src(%dma_wait3A_26 : memref<32x128xi32, #tpu.memory_space<hbm>>) dst(%arg5 : memref<32x128xi32, #tpu.memory_space<vmem>>)
    tpu.wait_dma2 semaphore(%arg8 : memref<!tpu.dma_semaphore, #tpu.memory_space<semaphore_mem>>) src(%arg3 : memref<13392xf32, #tpu.memory_space<hbm>>) dst(%arg6 : memref<13392xf32, #tpu.memory_space<vmem>>)
    %iota3A = tpu.iota {dimensions = array<i32: 0>} : vector<16xi32>
    %parallel_loop3A = arith.constant 0 : i32
    %parallel_loop3A_27 = arith.constant 8 : i32
    %parallel_loop3A_28 = arith.constant 1 : i32
    scf.for %parallel_loop3A_31 = %parallel_loop3A to %parallel_loop3A_27 step %parallel_loop3A_28  : i32 {
      %parallel_loop3A_32 = arith.constant 16 : i32
      %parallel_loop3A_33 = arith.muli %parallel_loop3A_31, %parallel_loop3A_32 : i32
      %parallel_loop3A_34 = vector.broadcast %parallel_loop3A_33 : i32 to vector<16xi32>
      %parallel_loop3A_35 = arith.addi %parallel_loop3A_34, %iota3A : vector<16xi32>
      %parallel_loop3A_36 = arith.constant 7 : i32
      %parallel_loop3A_37 = vector.broadcast %parallel_loop3A_36 : i32 to vector<16xi32>
      %parallel_loop3A_38 = arith.shli %parallel_loop3A_35, %parallel_loop3A_37 : vector<16xi32>
      %parallel_loop3A_39 = arith.constant 2 : i32
      %parallel_loop3A_40 = vector.broadcast %parallel_loop3A_39 : i32 to vector<16xi32>
      %parallel_loop3A_41 = arith.shrui %parallel_loop3A_35, %parallel_loop3A_40 : vector<16xi32>
      %parallel_loop3A_42 = arith.constant 3 : i32
      %parallel_loop3A_43 = vector.broadcast %parallel_loop3A_42 : i32 to vector<16xi32>
      %parallel_loop3A_44 = arith.andi %parallel_loop3A_35, %parallel_loop3A_43 : vector<16xi32>
      %parallel_loop3A_45 = arith.constant 5 : i32
      %parallel_loop3A_46 = vector.broadcast %parallel_loop3A_45 : i32 to vector<16xi32>
      %parallel_loop3A_47 = arith.shli %parallel_loop3A_44, %parallel_loop3A_46 : vector<16xi32>
      %parallel_loop3A_48 = arith.constant 24 : i32
      %parallel_loop3A_49 = vector.broadcast %parallel_loop3A_48 : i32 to vector<16xi32>
      %parallel_loop3A_50 = arith.addi %parallel_loop3A_47, %parallel_loop3A_49 : vector<16xi32>
      %parallel_loop3A_51 = tpu.vector_load_idx %arg5[%parallel_loop3A_41, %parallel_loop3A_50] : memref<32x128xi32, #tpu.memory_space<vmem>>[vector<16xi32>, vector<16xi32>], vector<16xi32>,
      %parallel_loop3A_52 = arith.constant 25 : i32
      %parallel_loop3A_53 = vector.broadcast %parallel_loop3A_52 : i32 to vector<16xi32>
      %parallel_loop3A_54 = arith.addi %parallel_loop3A_47, %parallel_loop3A_53 : vector<16xi32>
      %parallel_loop3A_55 = tpu.vector_load_idx %arg5[%parallel_loop3A_41, %parallel_loop3A_54] : memref<32x128xi32, #tpu.memory_space<vmem>>[vector<16xi32>, vector<16xi32>], vector<16xi32>,
      %parallel_loop3A_56 = arith.constant 26 : i32
      %parallel_loop3A_57 = vector.broadcast %parallel_loop3A_56 : i32 to vector<16xi32>
      %parallel_loop3A_58 = arith.addi %parallel_loop3A_47, %parallel_loop3A_57 : vector<16xi32>
      %parallel_loop3A_59 = tpu.vector_load_idx %arg5[%parallel_loop3A_41, %parallel_loop3A_58] : memref<32x128xi32, #tpu.memory_space<vmem>>[vector<16xi32>, vector<16xi32>], vector<16xi32>,
      %parallel_loop3A_60 = arith.constant 27 : i32
      %parallel_loop3A_61 = vector.broadcast %parallel_loop3A_60 : i32 to vector<16xi32>
      %parallel_loop3A_62 = arith.addi %parallel_loop3A_47, %parallel_loop3A_61 : vector<16xi32>
      %parallel_loop3A_63 = tpu.vector_load_idx %arg5[%parallel_loop3A_41, %parallel_loop3A_62] : memref<32x128xi32, #tpu.memory_space<vmem>>[vector<16xi32>, vector<16xi32>], vector<16xi32>,
      %parallel_loop3A_64 = arith.constant 28 : i32
      %parallel_loop3A_65 = vector.broadcast %parallel_loop3A_64 : i32 to vector<16xi32>
      %parallel_loop3A_66 = arith.addi %parallel_loop3A_47, %parallel_loop3A_65 : vector<16xi32>
      %parallel_loop3A_67 = tpu.vector_load_idx %arg5[%parallel_loop3A_41, %parallel_loop3A_66] : memref<32x128xi32, #tpu.memory_space<vmem>>[vector<16xi32>, vector<16xi32>], vector<16xi32>,
      %parallel_loop3A_68 = arith.constant 29 : i32
      %parallel_loop3A_69 = vector.broadcast %parallel_loop3A_68 : i32 to vector<16xi32>
      %parallel_loop3A_70 = arith.addi %parallel_loop3A_47, %parallel_loop3A_69 : vector<16xi32>
      %parallel_loop3A_71 = tpu.vector_load_idx %arg5[%parallel_loop3A_41, %parallel_loop3A_70] : memref<32x128xi32, #tpu.memory_space<vmem>>[vector<16xi32>, vector<16xi32>], vector<16xi32>,
      %parallel_loop3A_72 = arith.constant 0 : i32
      %parallel_loop3A_73 = vector.broadcast %parallel_loop3A_72 : i32 to vector<16xi32>
      %parallel_loop3A_74 = arith.addi %parallel_loop3A_73, %parallel_loop3A_51 : vector<16xi32>
      %parallel_loop3A_75 = tpu.vector_load_idx %arg6[%parallel_loop3A_74] : memref<13392xf32, #tpu.memory_space<vmem>>[vector<16xi32>], vector<16xf32>,
      %parallel_loop3A_76 = arith.constant 944 : i32
      %parallel_loop3A_77 = vector.broadcast %parallel_loop3A_76 : i32 to vector<16xi32>
      %parallel_loop3A_78 = arith.addi %parallel_loop3A_77, %parallel_loop3A_55 : vector<16xi32>
      %parallel_loop3A_79 = tpu.vector_load_idx %arg6[%parallel_loop3A_78] : memref<13392xf32, #tpu.memory_space<vmem>>[vector<16xi32>], vector<16xf32>,
      %parallel_loop3A_80 = arith.addf %parallel_loop3A_75, %parallel_loop3A_79 : vector<16xf32>
      %parallel_loop3A_81 = arith.constant 2627 : i32
      %parallel_loop3A_82 = vector.broadcast %parallel_loop3A_81 : i32 to vector<16xi32>
      %parallel_loop3A_83 = arith.addi %parallel_loop3A_82, %parallel_loop3A_59 : vector<16xi32>
      %parallel_loop3A_84 = tpu.vector_load_idx %arg6[%parallel_loop3A_83] : memref<13392xf32, #tpu.memory_space<vmem>>[vector<16xi32>], vector<16xf32>,
      %parallel_loop3A_85 = arith.addf %parallel_loop3A_80, %parallel_loop3A_84 : vector<16xf32>
      %parallel_loop3A_86 = arith.constant 2649 : i32
      %parallel_loop3A_87 = vector.broadcast %parallel_loop3A_86 : i32 to vector<16xi32>
      %parallel_loop3A_88 = arith.addi %parallel_loop3A_87, %parallel_loop3A_63 : vector<16xi32>
      %parallel_loop3A_89 = tpu.vector_load_idx %arg6[%parallel_loop3A_88] : memref<13392xf32, #tpu.memory_space<vmem>>[vector<16xi32>], vector<16xf32>,
      %parallel_loop3A_90 = arith.addf %parallel_loop3A_85, %parallel_loop3A_89 : vector<16xf32>
      %parallel_loop3A_91 = arith.constant 2651 : i32
      %parallel_loop3A_92 = vector.broadcast %parallel_loop3A_91 : i32 to vector<16xi32>
      %parallel_loop3A_93 = arith.addi %parallel_loop3A_92, %parallel_loop3A_67 : vector<16xi32>
      %parallel_loop3A_94 = tpu.vector_load_idx %arg6[%parallel_loop3A_93] : memref<13392xf32, #tpu.memory_space<vmem>>[vector<16xi32>], vector<16xf32>,
      %parallel_loop3A_95 = arith.addf %parallel_loop3A_90, %parallel_loop3A_94 : vector<16xf32>
      %parallel_loop3A_96 = arith.constant 2656 : i32
      %parallel_loop3A_97 = vector.broadcast %parallel_loop3A_96 : i32 to vector<16xi32>
      %parallel_loop3A_98 = arith.addi %parallel_loop3A_97, %parallel_loop3A_71 : vector<16xi32>
      %parallel_loop3A_99 = tpu.vector_load_idx %arg6[%parallel_loop3A_98] : memref<13392xf32, #tpu.memory_space<vmem>>[vector<16xi32>], vector<16xf32>,
      %parallel_loop3A_100 = arith.addf %parallel_loop3A_95, %parallel_loop3A_99 : vector<16xf32>
      %parallel_loop3A_101 = arith.constant 32 : i32
      %parallel_loop3A_102 = vector.broadcast %parallel_loop3A_101 : i32 to vector<16xi32>
      %parallel_loop3A_103 = arith.addi %parallel_loop3A_38, %parallel_loop3A_102 : vector<16xi32>
      tpu.vector_store_idx %arg7[%parallel_loop3A_103], %parallel_loop3A_100 : memref<16384xf32, #tpu.memory_space<vmem>>[vector<16xi32>], vector<16xf32>,
      %parallel_loop3A_104 = arith.constant 4 : i32
      %parallel_loop3A_105 = vector.broadcast %parallel_loop3A_104 : i32 to vector<16xi32>
      %parallel_loop3A_106 = arith.muli %parallel_loop3A_59, %parallel_loop3A_105 : vector<16xi32>
      %parallel_loop3A_107 = arith.constant 13249 : i32
      %parallel_loop3A_108 = vector.broadcast %parallel_loop3A_107 : i32 to vector<16xi32>
      %parallel_loop3A_109 = arith.addi %parallel_loop3A_108, %parallel_loop3A_106 : vector<16xi32>
      %parallel_loop3A_110 = arith.constant 4 : i32
      %parallel_loop3A_111 = vector.broadcast %parallel_loop3A_110 : i32 to vector<16xi32>
      %parallel_loop3A_112 = arith.muli %parallel_loop3A_63, %parallel_loop3A_111 : vector<16xi32>
      %parallel_loop3A_113 = arith.constant 13337 : i32
      %parallel_loop3A_114 = vector.broadcast %parallel_loop3A_113 : i32 to vector<16xi32>
      %parallel_loop3A_115 = arith.addi %parallel_loop3A_114, %parallel_loop3A_112 : vector<16xi32>
      %parallel_loop3A_116 = arith.constant 4 : i32
      %parallel_loop3A_117 = vector.broadcast %parallel_loop3A_116 : i32 to vector<16xi32>
      %parallel_loop3A_118 = arith.muli %parallel_loop3A_67, %parallel_loop3A_117 : vector<16xi32>
      %parallel_loop3A_119 = arith.constant 13345 : i32
      %parallel_loop3A_120 = vector.broadcast %parallel_loop3A_119 : i32 to vector<16xi32>
      %parallel_loop3A_121 = arith.addi %parallel_loop3A_120, %parallel_loop3A_118 : vector<16xi32>
      %parallel_loop3A_122 = arith.constant 4 : i32
      %parallel_loop3A_123 = vector.broadcast %parallel_loop3A_122 : i32 to vector<16xi32>
      %parallel_loop3A_124 = arith.muli %parallel_loop3A_71, %parallel_loop3A_123 : vector<16xi32>
      %parallel_loop3A_125 = arith.constant 13365 : i32
      %parallel_loop3A_126 = vector.broadcast %parallel_loop3A_125 : i32 to vector<16xi32>
      %parallel_loop3A_127 = arith.addi %parallel_loop3A_126, %parallel_loop3A_124 : vector<16xi32>
      %parallel_loop3A_128 = arith.constant 4 : i32
      %parallel_loop3A_129 = vector.broadcast %parallel_loop3A_128 : i32 to vector<16xi32>
      %parallel_loop3A_130 = arith.muli %parallel_loop3A_51, %parallel_loop3A_129 : vector<16xi32>
      %parallel_loop3A_131 = arith.constant 2661 : i32
      %parallel_loop3A_132 = vector.broadcast %parallel_loop3A_131 : i32 to vector<16xi32>
      %parallel_loop3A_133 = arith.addi %parallel_loop3A_132, %parallel_loop3A_130 : vector<16xi32>
      %parallel_loop3A_134 = arith.constant 4 : i32
      %parallel_loop3A_135 = vector.broadcast %parallel_loop3A_134 : i32 to vector<16xi32>
      %parallel_loop3A_136 = arith.muli %parallel_loop3A_55, %parallel_loop3A_135 : vector<16xi32>
      %parallel_loop3A_137 = arith.constant 6437 : i32
      %parallel_loop3A_138 = vector.broadcast %parallel_loop3A_137 : i32 to vector<16xi32>
      %parallel_loop3A_139 = arith.addi %parallel_loop3A_138, %parallel_loop3A_136 : vector<16xi32>
      %parallel_loop3A_140 = arith.constant 0 : i32
      %parallel_loop3A_141 = vector.broadcast %parallel_loop3A_140 : i32 to vector<16xi32>
      %parallel_loop3A_142 = arith.addi %parallel_loop3A_47, %parallel_loop3A_141 : vector<16xi32>
      %parallel_loop3A_143 = tpu.vector_load_idx %arg5[%parallel_loop3A_41, %parallel_loop3A_142] : memref<32x128xi32, #tpu.memory_space<vmem>>[vector<16xi32>, vector<16xi32>], vector<16xi32>,
      %parallel_loop3A_144 = arith.constant 4 : i32
      %parallel_loop3A_145 = vector.broadcast %parallel_loop3A_144 : i32 to vector<16xi32>
      %parallel_loop3A_146 = arith.muli %parallel_loop3A_143, %parallel_loop3A_145 : vector<16xi32>
      %parallel_loop3A_147 = arith.constant 6437 : i32
      %parallel_loop3A_148 = vector.broadcast %parallel_loop3A_147 : i32 to vector<16xi32>
      %parallel_loop3A_149 = arith.addi %parallel_loop3A_148, %parallel_loop3A_146 : vector<16xi32>
      %parallel_loop3A_150 = arith.constant 1 : i32
      %parallel_loop3A_151 = vector.broadcast %parallel_loop3A_150 : i32 to vector<16xi32>
      %parallel_loop3A_152 = arith.addi %parallel_loop3A_47, %parallel_loop3A_151 : vector<16xi32>
      %parallel_loop3A_153 = tpu.vector_load_idx %arg5[%parallel_loop3A_41, %parallel_loop3A_152] : memref<32x128xi32, #tpu.memory_space<vmem>>[vector<16xi32>, vector<16xi32>], vector<16xi32>,
      %parallel_loop3A_154 = arith.constant 4 : i32
      %parallel_loop3A_155 = vector.broadcast %parallel_loop3A_154 : i32 to vector<16xi32>
      %parallel_loop3A_156 = arith.muli %parallel_loop3A_153, %parallel_loop3A_155 : vector<16xi32>
      %parallel_loop3A_157 = arith.constant 6437 : i32
      %parallel_loop3A_158 = vector.broadcast %parallel_loop3A_157 : i32 to vector<16xi32>
      %parallel_loop3A_159 = arith.addi %parallel_loop3A_158, %parallel_loop3A_156 : vector<16xi32>
      %parallel_loop3A_160 = arith.constant 2 : i32
      %parallel_loop3A_161 = vector.broadcast %parallel_loop3A_160 : i32 to vector<16xi32>
      %parallel_loop3A_162 = arith.addi %parallel_loop3A_47, %parallel_loop3A_161 : vector<16xi32>
      %parallel_loop3A_163 = tpu.vector_load_idx %arg5[%parallel_loop3A_41, %parallel_loop3A_162] : memref<32x128xi32, #tpu.memory_space<vmem>>[vector<16xi32>, vector<16xi32>], vector<16xi32>,
      %parallel_loop3A_164 = arith.constant 4 : i32
      %parallel_loop3A_165 = vector.broadcast %parallel_loop3A_164 : i32 to vector<16xi32>
      %parallel_loop3A_166 = arith.muli %parallel_loop3A_163, %parallel_loop3A_165 : vector<16xi32>
      %parallel_loop3A_167 = arith.constant 6437 : i32
      %parallel_loop3A_168 = vector.broadcast %parallel_loop3A_167 : i32 to vector<16xi32>
      %parallel_loop3A_169 = arith.addi %parallel_loop3A_168, %parallel_loop3A_166 : vector<16xi32>
      %parallel_loop3A_170 = arith.constant 3 : i32
      %parallel_loop3A_171 = vector.broadcast %parallel_loop3A_170 : i32 to vector<16xi32>
      %parallel_loop3A_172 = arith.addi %parallel_loop3A_47, %parallel_loop3A_171 : vector<16xi32>
      %parallel_loop3A_173 = tpu.vector_load_idx %arg5[%parallel_loop3A_41, %parallel_loop3A_172] : memref<32x128xi32, #tpu.memory_space<vmem>>[vector<16xi32>, vector<16xi32>], vector<16xi32>,
      %parallel_loop3A_174 = arith.constant 4 : i32
      %parallel_loop3A_175 = vector.broadcast %parallel_loop3A_174 : i32 to vector<16xi32>
      %parallel_loop3A_176 = arith.muli %parallel_loop3A_173, %parallel_loop3A_175 : vector<16xi32>
      %parallel_loop3A_177 = arith.constant 6437 : i32
      %parallel_loop3A_178 = vector.broadcast %parallel_loop3A_177 : i32 to vector<16xi32>
      %parallel_loop3A_179 = arith.addi %parallel_loop3A_178, %parallel_loop3A_176 : vector<16xi32>
      %parallel_loop3A_180 = arith.constant 4 : i32
      %parallel_loop3A_181 = vector.broadcast %parallel_loop3A_180 : i32 to vector<16xi32>
      %parallel_loop3A_182 = arith.addi %parallel_loop3A_47, %parallel_loop3A_181 : vector<16xi32>
      %parallel_loop3A_183 = tpu.vector_load_idx %arg5[%parallel_loop3A_41, %parallel_loop3A_182] : memref<32x128xi32, #tpu.memory_space<vmem>>[vector<16xi32>, vector<16xi32>], vector<16xi32>,
      %parallel_loop3A_184 = arith.constant 4 : i32
      %parallel_loop3A_185 = vector.broadcast %parallel_loop3A_184 : i32 to vector<16xi32>
      %parallel_loop3A_186 = arith.muli %parallel_loop3A_183, %parallel_loop3A_185 : vector<16xi32>
      %parallel_loop3A_187 = arith.constant 6437 : i32
      %parallel_loop3A_188 = vector.broadcast %parallel_loop3A_187 : i32 to vector<16xi32>
      %parallel_loop3A_189 = arith.addi %parallel_loop3A_188, %parallel_loop3A_186 : vector<16xi32>
      %parallel_loop3A_190 = arith.constant 5 : i32
      %parallel_loop3A_191 = vector.broadcast %parallel_loop3A_190 : i32 to vector<16xi32>
      %parallel_loop3A_192 = arith.addi %parallel_loop3A_47, %parallel_loop3A_191 : vector<16xi32>
      %parallel_loop3A_193 = tpu.vector_load_idx %arg5[%parallel_loop3A_41, %parallel_loop3A_192] : memref<32x128xi32, #tpu.memory_space<vmem>>[vector<16xi32>, vector<16xi32>], vector<16xi32>,
      %parallel_loop3A_194 = arith.constant 4 : i32
      %parallel_loop3A_195 = vector.broadcast %parallel_loop3A_194 : i32 to vector<16xi32>
      %parallel_loop3A_196 = arith.muli %parallel_loop3A_193, %parallel_loop3A_195 : vector<16xi32>
      %parallel_loop3A_197 = arith.constant 6437 : i32
      %parallel_loop3A_198 = vector.broadcast %parallel_loop3A_197 : i32 to vector<16xi32>
      %parallel_loop3A_199 = arith.addi %parallel_loop3A_198, %parallel_loop3A_196 : vector<16xi32>
      %parallel_loop3A_200 = arith.constant 6 : i32
      %parallel_loop3A_201 = vector.broadcast %parallel_loop3A_200 : i32 to vector<16xi32>
      %parallel_loop3A_202 = arith.addi %parallel_loop3A_47, %parallel_loop3A_201 : vector<16xi32>
      %parallel_loop3A_203 = tpu.vector_load_idx %arg5[%parallel_loop3A_41, %parallel_loop3A_202] : memref<32x128xi32, #tpu.memory_space<vmem>>[vector<16xi32>, vector<16xi32>], vector<16xi32>,
      %parallel_loop3A_204 = arith.constant 4 : i32
      %parallel_loop3A_205 = vector.broadcast %parallel_loop3A_204 : i32 to vector<16xi32>
      %parallel_loop3A_206 = arith.muli %parallel_loop3A_203, %parallel_loop3A_205 : vector<16xi32>
      %parallel_loop3A_207 = arith.constant 6437 : i32
      %parallel_loop3A_208 = vector.broadcast %parallel_loop3A_207 : i32 to vector<16xi32>
      %parallel_loop3A_209 = arith.addi %parallel_loop3A_208, %parallel_loop3A_206 : vector<16xi32>
      %parallel_loop3A_210 = arith.constant 7 : i32
      %parallel_loop3A_211 = vector.broadcast %parallel_loop3A_210 : i32 to vector<16xi32>
      %parallel_loop3A_212 = arith.addi %parallel_loop3A_47, %parallel_loop3A_211 : vector<16xi32>
      %parallel_loop3A_213 = tpu.vector_load_idx %arg5[%parallel_loop3A_41, %parallel_loop3A_212] : memref<32x128xi32, #tpu.memory_space<vmem>>[vector<16xi32>, vector<16xi32>], vector<16xi32>,
      %parallel_loop3A_214 = arith.constant 4 : i32
      %parallel_loop3A_215 = vector.broadcast %parallel_loop3A_214 : i32 to vector<16xi32>
      %parallel_loop3A_216 = arith.muli %parallel_loop3A_213, %parallel_loop3A_215 : vector<16xi32>
      %parallel_loop3A_217 = arith.constant 6437 : i32
      %parallel_loop3A_218 = vector.broadcast %parallel_loop3A_217 : i32 to vector<16xi32>
      %parallel_loop3A_219 = arith.addi %parallel_loop3A_218, %parallel_loop3A_216 : vector<16xi32>
      %parallel_loop3A_220 = arith.constant 8 : i32
      %parallel_loop3A_221 = vector.broadcast %parallel_loop3A_220 : i32 to vector<16xi32>
      %parallel_loop3A_222 = arith.addi %parallel_loop3A_47, %parallel_loop3A_221 : vector<16xi32>
      %parallel_loop3A_223 = tpu.vector_load_idx %arg5[%parallel_loop3A_41, %parallel_loop3A_222] : memref<32x128xi32, #tpu.memory_space<vmem>>[vector<16xi32>, vector<16xi32>], vector<16xi32>,
      %parallel_loop3A_224 = arith.constant 4 : i32
      %parallel_loop3A_225 = vector.broadcast %parallel_loop3A_224 : i32 to vector<16xi32>
      %parallel_loop3A_226 = arith.muli %parallel_loop3A_223, %parallel_loop3A_225 : vector<16xi32>
      %parallel_loop3A_227 = arith.constant 6437 : i32
      %parallel_loop3A_228 = vector.broadcast %parallel_loop3A_227 : i32 to vector<16xi32>
      %parallel_loop3A_229 = arith.addi %parallel_loop3A_228, %parallel_loop3A_226 : vector<16xi32>
      %parallel_loop3A_230 = arith.constant 9 : i32
      %parallel_loop3A_231 = vector.broadcast %parallel_loop3A_230 : i32 to vector<16xi32>
      %parallel_loop3A_232 = arith.addi %parallel_loop3A_47, %parallel_loop3A_231 : vector<16xi32>
      %parallel_loop3A_233 = tpu.vector_load_idx %arg5[%parallel_loop3A_41, %parallel_loop3A_232] : memref<32x128xi32, #tpu.memory_space<vmem>>[vector<16xi32>, vector<16xi32>], vector<16xi32>,
      %parallel_loop3A_234 = arith.constant 4 : i32
      %parallel_loop3A_235 = vector.broadcast %parallel_loop3A_234 : i32 to vector<16xi32>
      %parallel_loop3A_236 = arith.muli %parallel_loop3A_233, %parallel_loop3A_235 : vector<16xi32>
      %parallel_loop3A_237 = arith.constant 6437 : i32
      %parallel_loop3A_238 = vector.broadcast %parallel_loop3A_237 : i32 to vector<16xi32>
      %parallel_loop3A_239 = arith.addi %parallel_loop3A_238, %parallel_loop3A_236 : vector<16xi32>
      %parallel_loop3A_240 = arith.constant 10 : i32
      %parallel_loop3A_241 = vector.broadcast %parallel_loop3A_240 : i32 to vector<16xi32>
      %parallel_loop3A_242 = arith.addi %parallel_loop3A_47, %parallel_loop3A_241 : vector<16xi32>
      %parallel_loop3A_243 = tpu.vector_load_idx %arg5[%parallel_loop3A_41, %parallel_loop3A_242] : memref<32x128xi32, #tpu.memory_space<vmem>>[vector<16xi32>, vector<16xi32>], vector<16xi32>,
      %parallel_loop3A_244 = arith.constant 4 : i32
      %parallel_loop3A_245 = vector.broadcast %parallel_loop3A_244 : i32 to vector<16xi32>
      %parallel_loop3A_246 = arith.muli %parallel_loop3A_243, %parallel_loop3A_245 : vector<16xi32>
      %parallel_loop3A_247 = arith.constant 6437 : i32
      %parallel_loop3A_248 = vector.broadcast %parallel_loop3A_247 : i32 to vector<16xi32>
      %parallel_loop3A_249 = arith.addi %parallel_loop3A_248, %parallel_loop3A_246 : vector<16xi32>
      %parallel_loop3A_250 = arith.constant 11 : i32
      %parallel_loop3A_251 = vector.broadcast %parallel_loop3A_250 : i32 to vector<16xi32>
      %parallel_loop3A_252 = arith.addi %parallel_loop3A_47, %parallel_loop3A_251 : vector<16xi32>
      %parallel_loop3A_253 = tpu.vector_load_idx %arg5[%parallel_loop3A_41, %parallel_loop3A_252] : memref<32x128xi32, #tpu.memory_space<vmem>>[vector<16xi32>, vector<16xi32>], vector<16xi32>,
      %parallel_loop3A_254 = arith.constant 4 : i32
      %parallel_loop3A_255 = vector.broadcast %parallel_loop3A_254 : i32 to vector<16xi32>
      %parallel_loop3A_256 = arith.muli %parallel_loop3A_253, %parallel_loop3A_255 : vector<16xi32>
      %parallel_loop3A_257 = arith.constant 6437 : i32
      %parallel_loop3A_258 = vector.broadcast %parallel_loop3A_257 : i32 to vector<16xi32>
      %parallel_loop3A_259 = arith.addi %parallel_loop3A_258, %parallel_loop3A_256 : vector<16xi32>
      %parallel_loop3A_260 = arith.constant 12 : i32
      %parallel_loop3A_261 = vector.broadcast %parallel_loop3A_260 : i32 to vector<16xi32>
      %parallel_loop3A_262 = arith.addi %parallel_loop3A_47, %parallel_loop3A_261 : vector<16xi32>
      %parallel_loop3A_263 = tpu.vector_load_idx %arg5[%parallel_loop3A_41, %parallel_loop3A_262] : memref<32x128xi32, #tpu.memory_space<vmem>>[vector<16xi32>, vector<16xi32>], vector<16xi32>,
      %parallel_loop3A_264 = arith.constant 4 : i32
      %parallel_loop3A_265 = vector.broadcast %parallel_loop3A_264 : i32 to vector<16xi32>
      %parallel_loop3A_266 = arith.muli %parallel_loop3A_263, %parallel_loop3A_265 : vector<16xi32>
      %parallel_loop3A_267 = arith.constant 6437 : i32
      %parallel_loop3A_268 = vector.broadcast %parallel_loop3A_267 : i32 to vector<16xi32>
      %parallel_loop3A_269 = arith.addi %parallel_loop3A_268, %parallel_loop3A_266 : vector<16xi32>
      %parallel_loop3A_270 = arith.constant 13 : i32
      %parallel_loop3A_271 = vector.broadcast %parallel_loop3A_270 : i32 to vector<16xi32>
      %parallel_loop3A_272 = arith.addi %parallel_loop3A_47, %parallel_loop3A_271 : vector<16xi32>
      %parallel_loop3A_273 = tpu.vector_load_idx %arg5[%parallel_loop3A_41, %parallel_loop3A_272] : memref<32x128xi32, #tpu.memory_space<vmem>>[vector<16xi32>, vector<16xi32>], vector<16xi32>,
      %parallel_loop3A_274 = arith.constant 4 : i32
      %parallel_loop3A_275 = vector.broadcast %parallel_loop3A_274 : i32 to vector<16xi32>
      %parallel_loop3A_276 = arith.muli %parallel_loop3A_273, %parallel_loop3A_275 : vector<16xi32>
      %parallel_loop3A_277 = arith.constant 6437 : i32
      %parallel_loop3A_278 = vector.broadcast %parallel_loop3A_277 : i32 to vector<16xi32>
      %parallel_loop3A_279 = arith.addi %parallel_loop3A_278, %parallel_loop3A_276 : vector<16xi32>
      %parallel_loop3A_280 = arith.constant 14 : i32
      %parallel_loop3A_281 = vector.broadcast %parallel_loop3A_280 : i32 to vector<16xi32>
      %parallel_loop3A_282 = arith.addi %parallel_loop3A_47, %parallel_loop3A_281 : vector<16xi32>
      %parallel_loop3A_283 = tpu.vector_load_idx %arg5[%parallel_loop3A_41, %parallel_loop3A_282] : memref<32x128xi32, #tpu.memory_space<vmem>>[vector<16xi32>, vector<16xi32>], vector<16xi32>,
      %parallel_loop3A_284 = arith.constant 4 : i32
      %parallel_loop3A_285 = vector.broadcast %parallel_loop3A_284 : i32 to vector<16xi32>
      %parallel_loop3A_286 = arith.muli %parallel_loop3A_283, %parallel_loop3A_285 : vector<16xi32>
      %parallel_loop3A_287 = arith.constant 6437 : i32
      %parallel_loop3A_288 = vector.broadcast %parallel_loop3A_287 : i32 to vector<16xi32>
      %parallel_loop3A_289 = arith.addi %parallel_loop3A_288, %parallel_loop3A_286 : vector<16xi32>
      %parallel_loop3A_290 = arith.constant 15 : i32
      %parallel_loop3A_291 = vector.broadcast %parallel_loop3A_290 : i32 to vector<16xi32>
      %parallel_loop3A_292 = arith.addi %parallel_loop3A_47, %parallel_loop3A_291 : vector<16xi32>
      %parallel_loop3A_293 = tpu.vector_load_idx %arg5[%parallel_loop3A_41, %parallel_loop3A_292] : memref<32x128xi32, #tpu.memory_space<vmem>>[vector<16xi32>, vector<16xi32>], vector<16xi32>,
      %parallel_loop3A_294 = arith.constant 4 : i32
      %parallel_loop3A_295 = vector.broadcast %parallel_loop3A_294 : i32 to vector<16xi32>
      %parallel_loop3A_296 = arith.muli %parallel_loop3A_293, %parallel_loop3A_295 : vector<16xi32>
      %parallel_loop3A_297 = arith.constant 6437 : i32
      %parallel_loop3A_298 = vector.broadcast %parallel_loop3A_297 : i32 to vector<16xi32>
      %parallel_loop3A_299 = arith.addi %parallel_loop3A_298, %parallel_loop3A_296 : vector<16xi32>
      %parallel_loop3A_300 = arith.constant 16 : i32
      %parallel_loop3A_301 = vector.broadcast %parallel_loop3A_300 : i32 to vector<16xi32>
      %parallel_loop3A_302 = arith.addi %parallel_loop3A_47, %parallel_loop3A_301 : vector<16xi32>
      %parallel_loop3A_303 = tpu.vector_load_idx %arg5[%parallel_loop3A_41, %parallel_loop3A_302] : memref<32x128xi32, #tpu.memory_space<vmem>>[vector<16xi32>, vector<16xi32>], vector<16xi32>,
      %parallel_loop3A_304 = arith.constant 4 : i32
      %parallel_loop3A_305 = vector.broadcast %parallel_loop3A_304 : i32 to vector<16xi32>
      %parallel_loop3A_306 = arith.muli %parallel_loop3A_303, %parallel_loop3A_305 : vector<16xi32>
      %parallel_loop3A_307 = arith.constant 6437 : i32
      %parallel_loop3A_308 = vector.broadcast %parallel_loop3A_307 : i32 to vector<16xi32>
      %parallel_loop3A_309 = arith.addi %parallel_loop3A_308, %parallel_loop3A_306 : vector<16xi32>
      %parallel_loop3A_310 = arith.constant 17 : i32
      %parallel_loop3A_311 = vector.broadcast %parallel_loop3A_310 : i32 to vector<16xi32>
      %parallel_loop3A_312 = arith.addi %parallel_loop3A_47, %parallel_loop3A_311 : vector<16xi32>
      %parallel_loop3A_313 = tpu.vector_load_idx %arg5[%parallel_loop3A_41, %parallel_loop3A_312] : memref<32x128xi32, #tpu.memory_space<vmem>>[vector<16xi32>, vector<16xi32>], vector<16xi32>,
      %parallel_loop3A_314 = arith.constant 4 : i32
      %parallel_loop3A_315 = vector.broadcast %parallel_loop3A_314 : i32 to vector<16xi32>
      %parallel_loop3A_316 = arith.muli %parallel_loop3A_313, %parallel_loop3A_315 : vector<16xi32>
      %parallel_loop3A_317 = arith.constant 6437 : i32
      %parallel_loop3A_318 = vector.broadcast %parallel_loop3A_317 : i32 to vector<16xi32>
      %parallel_loop3A_319 = arith.addi %parallel_loop3A_318, %parallel_loop3A_316 : vector<16xi32>
      %parallel_loop3A_320 = arith.constant 18 : i32
      %parallel_loop3A_321 = vector.broadcast %parallel_loop3A_320 : i32 to vector<16xi32>
      %parallel_loop3A_322 = arith.addi %parallel_loop3A_47, %parallel_loop3A_321 : vector<16xi32>
      %parallel_loop3A_323 = tpu.vector_load_idx %arg5[%parallel_loop3A_41, %parallel_loop3A_322] : memref<32x128xi32, #tpu.memory_space<vmem>>[vector<16xi32>, vector<16xi32>], vector<16xi32>,
      %parallel_loop3A_324 = arith.constant 4 : i32
      %parallel_loop3A_325 = vector.broadcast %parallel_loop3A_324 : i32 to vector<16xi32>
      %parallel_loop3A_326 = arith.muli %parallel_loop3A_323, %parallel_loop3A_325 : vector<16xi32>
      %parallel_loop3A_327 = arith.constant 6437 : i32
      %parallel_loop3A_328 = vector.broadcast %parallel_loop3A_327 : i32 to vector<16xi32>
      %parallel_loop3A_329 = arith.addi %parallel_loop3A_328, %parallel_loop3A_326 : vector<16xi32>
      %parallel_loop3A_330 = arith.constant 19 : i32
      %parallel_loop3A_331 = vector.broadcast %parallel_loop3A_330 : i32 to vector<16xi32>
      %parallel_loop3A_332 = arith.addi %parallel_loop3A_47, %parallel_loop3A_331 : vector<16xi32>
      %parallel_loop3A_333 = tpu.vector_load_idx %arg5[%parallel_loop3A_41, %parallel_loop3A_332] : memref<32x128xi32, #tpu.memory_space<vmem>>[vector<16xi32>, vector<16xi32>], vector<16xi32>,
      %parallel_loop3A_334 = arith.constant 4 : i32
      %parallel_loop3A_335 = vector.broadcast %parallel_loop3A_334 : i32 to vector<16xi32>
      %parallel_loop3A_336 = arith.muli %parallel_loop3A_333, %parallel_loop3A_335 : vector<16xi32>
      %parallel_loop3A_337 = arith.constant 6437 : i32
      %parallel_loop3A_338 = vector.broadcast %parallel_loop3A_337 : i32 to vector<16xi32>
      %parallel_loop3A_339 = arith.addi %parallel_loop3A_338, %parallel_loop3A_336 : vector<16xi32>
      %parallel_loop3A_340 = arith.constant 20 : i32
      %parallel_loop3A_341 = vector.broadcast %parallel_loop3A_340 : i32 to vector<16xi32>
      %parallel_loop3A_342 = arith.addi %parallel_loop3A_47, %parallel_loop3A_341 : vector<16xi32>
      %parallel_loop3A_343 = tpu.vector_load_idx %arg5[%parallel_loop3A_41, %parallel_loop3A_342] : memref<32x128xi32, #tpu.memory_space<vmem>>[vector<16xi32>, vector<16xi32>], vector<16xi32>,
      %parallel_loop3A_344 = arith.constant 4 : i32
      %parallel_loop3A_345 = vector.broadcast %parallel_loop3A_344 : i32 to vector<16xi32>
      %parallel_loop3A_346 = arith.muli %parallel_loop3A_343, %parallel_loop3A_345 : vector<16xi32>
      %parallel_loop3A_347 = arith.constant 13169 : i32
      %parallel_loop3A_348 = vector.broadcast %parallel_loop3A_347 : i32 to vector<16xi32>
      %parallel_loop3A_349 = arith.addi %parallel_loop3A_348, %parallel_loop3A_346 : vector<16xi32>
      %parallel_loop3A_350 = arith.constant 21 : i32
      %parallel_loop3A_351 = vector.broadcast %parallel_loop3A_350 : i32 to vector<16xi32>
      %parallel_loop3A_352 = arith.addi %parallel_loop3A_47, %parallel_loop3A_351 : vector<16xi32>
      %parallel_loop3A_353 = tpu.vector_load_idx %arg5[%parallel_loop3A_41, %parallel_loop3A_352] : memref<32x128xi32, #tpu.memory_space<vmem>>[vector<16xi32>, vector<16xi32>], vector<16xi32>,
      %parallel_loop3A_354 = arith.constant 4 : i32
      %parallel_loop3A_355 = vector.broadcast %parallel_loop3A_354 : i32 to vector<16xi32>
      %parallel_loop3A_356 = arith.muli %parallel_loop3A_353, %parallel_loop3A_355 : vector<16xi32>
      %parallel_loop3A_357 = arith.constant 13169 : i32
      %parallel_loop3A_358 = vector.broadcast %parallel_loop3A_357 : i32 to vector<16xi32>
      %parallel_loop3A_359 = arith.addi %parallel_loop3A_358, %parallel_loop3A_356 : vector<16xi32>
      %parallel_loop3A_360 = arith.constant 22 : i32
      %parallel_loop3A_361 = vector.broadcast %parallel_loop3A_360 : i32 to vector<16xi32>
      %parallel_loop3A_362 = arith.addi %parallel_loop3A_47, %parallel_loop3A_361 : vector<16xi32>
      %parallel_loop3A_363 = tpu.vector_load_idx %arg5[%parallel_loop3A_41, %parallel_loop3A_362] : memref<32x128xi32, #tpu.memory_space<vmem>>[vector<16xi32>, vector<16xi32>], vector<16xi32>,
      %parallel_loop3A_364 = arith.constant 4 : i32
      %parallel_loop3A_365 = vector.broadcast %parallel_loop3A_364 : i32 to vector<16xi32>
      %parallel_loop3A_366 = arith.muli %parallel_loop3A_363, %parallel_loop3A_365 : vector<16xi32>
      %parallel_loop3A_367 = arith.constant 13169 : i32
      %parallel_loop3A_368 = vector.broadcast %parallel_loop3A_367 : i32 to vector<16xi32>
      %parallel_loop3A_369 = arith.addi %parallel_loop3A_368, %parallel_loop3A_366 : vector<16xi32>
      %parallel_loop3A_370 = arith.constant 23 : i32
      %parallel_loop3A_371 = vector.broadcast %parallel_loop3A_370 : i32 to vector<16xi32>
      %parallel_loop3A_372 = arith.addi %parallel_loop3A_47, %parallel_loop3A_371 : vector<16xi32>
      %parallel_loop3A_373 = tpu.vector_load_idx %arg5[%parallel_loop3A_41, %parallel_loop3A_372] : memref<32x128xi32, #tpu.memory_space<vmem>>[vector<16xi32>, vector<16xi32>], vector<16xi32>,
      %parallel_loop3A_374 = arith.constant 4 : i32
      %parallel_loop3A_375 = vector.broadcast %parallel_loop3A_374 : i32 to vector<16xi32>
      %parallel_loop3A_376 = arith.muli %parallel_loop3A_373, %parallel_loop3A_375 : vector<16xi32>
      %parallel_loop3A_377 = arith.constant 13169 : i32
      %parallel_loop3A_378 = vector.broadcast %parallel_loop3A_377 : i32 to vector<16xi32>
      %parallel_loop3A_379 = arith.addi %parallel_loop3A_378, %parallel_loop3A_376 : vector<16xi32>
      %parallel_loop3A_380 = arith.constant 0.000000e+00 : f32
      %parallel_loop3A_381 = vector.broadcast %parallel_loop3A_380 : f32 to vector<16xf32>
      %parallel_loop3A_382 = arith.constant 0 : i32
      %parallel_loop3A_383 = vector.broadcast %parallel_loop3A_382 : i32 to vector<16xi32>
      %parallel_loop3A_384 = arith.addi %parallel_loop3A_109, %parallel_loop3A_383 : vector<16xi32>
      %parallel_loop3A_385 = tpu.vector_load_idx %arg6[%parallel_loop3A_384] : memref<13392xf32, #tpu.memory_space<vmem>>[vector<16xi32>], vector<16xf32>,
      %parallel_loop3A_386 = arith.constant 0 : i32
      %parallel_loop3A_387 = vector.broadcast %parallel_loop3A_386 : i32 to vector<16xi32>
      %parallel_loop3A_388 = arith.addi %parallel_loop3A_115, %parallel_loop3A_387 : vector<16xi32>
      %parallel_loop3A_389 = tpu.vector_load_idx %arg6[%parallel_loop3A_388] : memref<13392xf32, #tpu.memory_space<vmem>>[vector<16xi32>], vector<16xf32>,
      %parallel_loop3A_390 = arith.constant 0 : i32
      %parallel_loop3A_391 = vector.broadcast %parallel_loop3A_390 : i32 to vector<16xi32>
      %parallel_loop3A_392 = arith.addi %parallel_loop3A_121, %parallel_loop3A_391 : vector<16xi32>
      %parallel_loop3A_393 = tpu.vector_load_idx %arg6[%parallel_loop3A_392] : memref<13392xf32, #tpu.memory_space<vmem>>[vector<16xi32>], vector<16xf32>,
      %parallel_loop3A_394 = arith.constant 0 : i32
      %parallel_loop3A_395 = vector.broadcast %parallel_loop3A_394 : i32 to vector<16xi32>
      %parallel_loop3A_396 = arith.addi %parallel_loop3A_127, %parallel_loop3A_395 : vector<16xi32>
      %parallel_loop3A_397 = tpu.vector_load_idx %arg6[%parallel_loop3A_396] : memref<13392xf32, #tpu.memory_space<vmem>>[vector<16xi32>], vector<16xf32>,
      %parallel_loop3A_398 = arith.constant 0 : i32
      %parallel_loop3A_399 = vector.broadcast %parallel_loop3A_398 : i32 to vector<16xi32>
      %parallel_loop3A_400 = arith.addi %parallel_loop3A_133, %parallel_loop3A_399 : vector<16xi32>
      %parallel_loop3A_401 = tpu.vector_load_idx %arg6[%parallel_loop3A_400] : memref<13392xf32, #tpu.memory_space<vmem>>[vector<16xi32>], vector<16xf32>,
      %parallel_loop3A_402 = arith.constant 0 : i32
      %parallel_loop3A_403 = vector.broadcast %parallel_loop3A_402 : i32 to vector<16xi32>
      %parallel_loop3A_404 = arith.addi %parallel_loop3A_139, %parallel_loop3A_403 : vector<16xi32>
      %parallel_loop3A_405 = tpu.vector_load_idx %arg6[%parallel_loop3A_404] : memref<13392xf32, #tpu.memory_space<vmem>>[vector<16xi32>], vector<16xf32>,
      %parallel_loop3A_406 = arith.constant 0 : i32
      %parallel_loop3A_407 = vector.broadcast %parallel_loop3A_406 : i32 to vector<16xi32>
      %parallel_loop3A_408 = arith.addi %parallel_loop3A_149, %parallel_loop3A_407 : vector<16xi32>
      %parallel_loop3A_409 = tpu.vector_load_idx %arg6[%parallel_loop3A_408] : memref<13392xf32, #tpu.memory_space<vmem>>[vector<16xi32>], vector<16xf32>,
      %parallel_loop3A_410 = arith.constant 0 : i32
      %parallel_loop3A_411 = vector.broadcast %parallel_loop3A_410 : i32 to vector<16xi32>
      %parallel_loop3A_412 = arith.addi %parallel_loop3A_159, %parallel_loop3A_411 : vector<16xi32>
      %parallel_loop3A_413 = tpu.vector_load_idx %arg6[%parallel_loop3A_412] : memref<13392xf32, #tpu.memory_space<vmem>>[vector<16xi32>], vector<16xf32>,
      %parallel_loop3A_414 = arith.addf %parallel_loop3A_409, %parallel_loop3A_413 : vector<16xf32>
      %parallel_loop3A_415 = arith.constant 0 : i32
      %parallel_loop3A_416 = vector.broadcast %parallel_loop3A_415 : i32 to vector<16xi32>
      %parallel_loop3A_417 = arith.addi %parallel_loop3A_169, %parallel_loop3A_416 : vector<16xi32>
      %parallel_loop3A_418 = tpu.vector_load_idx %arg6[%parallel_loop3A_417] : memref<13392xf32, #tpu.memory_space<vmem>>[vector<16xi32>], vector<16xf32>,
      %parallel_loop3A_419 = arith.addf %parallel_loop3A_414, %parallel_loop3A_418 : vector<16xf32>
      %parallel_loop3A_420 = arith.constant 0 : i32
      %parallel_loop3A_421 = vector.broadcast %parallel_loop3A_420 : i32 to vector<16xi32>
      %parallel_loop3A_422 = arith.addi %parallel_loop3A_179, %parallel_loop3A_421 : vector<16xi32>
      %parallel_loop3A_423 = tpu.vector_load_idx %arg6[%parallel_loop3A_422] : memref<13392xf32, #tpu.memory_space<vmem>>[vector<16xi32>], vector<16xf32>,
      %parallel_loop3A_424 = arith.addf %parallel_loop3A_419, %parallel_loop3A_423 : vector<16xf32>
      %parallel_loop3A_425 = arith.constant 0 : i32
      %parallel_loop3A_426 = vector.broadcast %parallel_loop3A_425 : i32 to vector<16xi32>
      %parallel_loop3A_427 = arith.addi %parallel_loop3A_189, %parallel_loop3A_426 : vector<16xi32>
      %parallel_loop3A_428 = tpu.vector_load_idx %arg6[%parallel_loop3A_427] : memref<13392xf32, #tpu.memory_space<vmem>>[vector<16xi32>], vector<16xf32>,
      %parallel_loop3A_429 = arith.addf %parallel_loop3A_424, %parallel_loop3A_428 : vector<16xf32>
      %parallel_loop3A_430 = arith.constant 0 : i32
      %parallel_loop3A_431 = vector.broadcast %parallel_loop3A_430 : i32 to vector<16xi32>
      %parallel_loop3A_432 = arith.addi %parallel_loop3A_199, %parallel_loop3A_431 : vector<16xi32>
      %parallel_loop3A_433 = tpu.vector_load_idx %arg6[%parallel_loop3A_432] : memref<13392xf32, #tpu.memory_space<vmem>>[vector<16xi32>], vector<16xf32>,
      %parallel_loop3A_434 = arith.addf %parallel_loop3A_429, %parallel_loop3A_433 : vector<16xf32>
      %parallel_loop3A_435 = arith.constant 0 : i32
      %parallel_loop3A_436 = vector.broadcast %parallel_loop3A_435 : i32 to vector<16xi32>
      %parallel_loop3A_437 = arith.addi %parallel_loop3A_209, %parallel_loop3A_436 : vector<16xi32>
      %parallel_loop3A_438 = tpu.vector_load_idx %arg6[%parallel_loop3A_437] : memref<13392xf32, #tpu.memory_space<vmem>>[vector<16xi32>], vector<16xf32>,
      %parallel_loop3A_439 = arith.addf %parallel_loop3A_434, %parallel_loop3A_438 : vector<16xf32>
      %parallel_loop3A_440 = arith.constant 0 : i32
      %parallel_loop3A_441 = vector.broadcast %parallel_loop3A_440 : i32 to vector<16xi32>
      %parallel_loop3A_442 = arith.addi %parallel_loop3A_219, %parallel_loop3A_441 : vector<16xi32>
      %parallel_loop3A_443 = tpu.vector_load_idx %arg6[%parallel_loop3A_442] : memref<13392xf32, #tpu.memory_space<vmem>>[vector<16xi32>], vector<16xf32>,
      %parallel_loop3A_444 = arith.addf %parallel_loop3A_439, %parallel_loop3A_443 : vector<16xf32>
      %parallel_loop3A_445 = arith.constant 0 : i32
      %parallel_loop3A_446 = vector.broadcast %parallel_loop3A_445 : i32 to vector<16xi32>
      %parallel_loop3A_447 = arith.addi %parallel_loop3A_229, %parallel_loop3A_446 : vector<16xi32>
      %parallel_loop3A_448 = tpu.vector_load_idx %arg6[%parallel_loop3A_447] : memref<13392xf32, #tpu.memory_space<vmem>>[vector<16xi32>], vector<16xf32>,
      %parallel_loop3A_449 = arith.addf %parallel_loop3A_444, %parallel_loop3A_448 : vector<16xf32>
      %parallel_loop3A_450 = arith.constant 0 : i32
      %parallel_loop3A_451 = vector.broadcast %parallel_loop3A_450 : i32 to vector<16xi32>
      %parallel_loop3A_452 = arith.addi %parallel_loop3A_239, %parallel_loop3A_451 : vector<16xi32>
      %parallel_loop3A_453 = tpu.vector_load_idx %arg6[%parallel_loop3A_452] : memref<13392xf32, #tpu.memory_space<vmem>>[vector<16xi32>], vector<16xf32>,
      %parallel_loop3A_454 = arith.addf %parallel_loop3A_449, %parallel_loop3A_453 : vector<16xf32>
      %parallel_loop3A_455 = arith.constant 0 : i32
      %parallel_loop3A_456 = vector.broadcast %parallel_loop3A_455 : i32 to vector<16xi32>
      %parallel_loop3A_457 = arith.addi %parallel_loop3A_249, %parallel_loop3A_456 : vector<16xi32>
      %parallel_loop3A_458 = tpu.vector_load_idx %arg6[%parallel_loop3A_457] : memref<13392xf32, #tpu.memory_space<vmem>>[vector<16xi32>], vector<16xf32>,
      %parallel_loop3A_459 = arith.addf %parallel_loop3A_454, %parallel_loop3A_458 : vector<16xf32>
      %parallel_loop3A_460 = arith.constant 0 : i32
      %parallel_loop3A_461 = vector.broadcast %parallel_loop3A_460 : i32 to vector<16xi32>
      %parallel_loop3A_462 = arith.addi %parallel_loop3A_259, %parallel_loop3A_461 : vector<16xi32>
      %parallel_loop3A_463 = tpu.vector_load_idx %arg6[%parallel_loop3A_462] : memref<13392xf32, #tpu.memory_space<vmem>>[vector<16xi32>], vector<16xf32>,
      %parallel_loop3A_464 = arith.addf %parallel_loop3A_459, %parallel_loop3A_463 : vector<16xf32>
      %parallel_loop3A_465 = arith.constant 0 : i32
      %parallel_loop3A_466 = vector.broadcast %parallel_loop3A_465 : i32 to vector<16xi32>
      %parallel_loop3A_467 = arith.addi %parallel_loop3A_269, %parallel_loop3A_466 : vector<16xi32>
      %parallel_loop3A_468 = tpu.vector_load_idx %arg6[%parallel_loop3A_467] : memref<13392xf32, #tpu.memory_space<vmem>>[vector<16xi32>], vector<16xf32>,
      %parallel_loop3A_469 = arith.addf %parallel_loop3A_464, %parallel_loop3A_468 : vector<16xf32>
      %parallel_loop3A_470 = arith.constant 0 : i32
      %parallel_loop3A_471 = vector.broadcast %parallel_loop3A_470 : i32 to vector<16xi32>
      %parallel_loop3A_472 = arith.addi %parallel_loop3A_279, %parallel_loop3A_471 : vector<16xi32>
      %parallel_loop3A_473 = tpu.vector_load_idx %arg6[%parallel_loop3A_472] : memref<13392xf32, #tpu.memory_space<vmem>>[vector<16xi32>], vector<16xf32>,
      %parallel_loop3A_474 = arith.addf %parallel_loop3A_469, %parallel_loop3A_473 : vector<16xf32>
      %parallel_loop3A_475 = arith.constant 0 : i32
      %parallel_loop3A_476 = vector.broadcast %parallel_loop3A_475 : i32 to vector<16xi32>
      %parallel_loop3A_477 = arith.addi %parallel_loop3A_289, %parallel_loop3A_476 : vector<16xi32>
      %parallel_loop3A_478 = tpu.vector_load_idx %arg6[%parallel_loop3A_477] : memref<13392xf32, #tpu.memory_space<vmem>>[vector<16xi32>], vector<16xf32>,
      %parallel_loop3A_479 = arith.addf %parallel_loop3A_474, %parallel_loop3A_478 : vector<16xf32>
      %parallel_loop3A_480 = arith.constant 0 : i32
      %parallel_loop3A_481 = vector.broadcast %parallel_loop3A_480 : i32 to vector<16xi32>
      %parallel_loop3A_482 = arith.addi %parallel_loop3A_299, %parallel_loop3A_481 : vector<16xi32>
      %parallel_loop3A_483 = tpu.vector_load_idx %arg6[%parallel_loop3A_482] : memref<13392xf32, #tpu.memory_space<vmem>>[vector<16xi32>], vector<16xf32>,
      %parallel_loop3A_484 = arith.addf %parallel_loop3A_479, %parallel_loop3A_483 : vector<16xf32>
      %parallel_loop3A_485 = arith.constant 0 : i32
      %parallel_loop3A_486 = vector.broadcast %parallel_loop3A_485 : i32 to vector<16xi32>
      %parallel_loop3A_487 = arith.addi %parallel_loop3A_309, %parallel_loop3A_486 : vector<16xi32>
      %parallel_loop3A_488 = tpu.vector_load_idx %arg6[%parallel_loop3A_487] : memref<13392xf32, #tpu.memory_space<vmem>>[vector<16xi32>], vector<16xf32>,
      %parallel_loop3A_489 = arith.addf %parallel_loop3A_484, %parallel_loop3A_488 : vector<16xf32>
      %parallel_loop3A_490 = arith.constant 0 : i32
      %parallel_loop3A_491 = vector.broadcast %parallel_loop3A_490 : i32 to vector<16xi32>
      %parallel_loop3A_492 = arith.addi %parallel_loop3A_319, %parallel_loop3A_491 : vector<16xi32>
      %parallel_loop3A_493 = tpu.vector_load_idx %arg6[%parallel_loop3A_492] : memref<13392xf32, #tpu.memory_space<vmem>>[vector<16xi32>], vector<16xf32>,
      %parallel_loop3A_494 = arith.addf %parallel_loop3A_489, %parallel_loop3A_493 : vector<16xf32>
      %parallel_loop3A_495 = arith.constant 0 : i32
      %parallel_loop3A_496 = vector.broadcast %parallel_loop3A_495 : i32 to vector<16xi32>
      %parallel_loop3A_497 = arith.addi %parallel_loop3A_329, %parallel_loop3A_496 : vector<16xi32>
      %parallel_loop3A_498 = tpu.vector_load_idx %arg6[%parallel_loop3A_497] : memref<13392xf32, #tpu.memory_space<vmem>>[vector<16xi32>], vector<16xf32>,
      %parallel_loop3A_499 = arith.addf %parallel_loop3A_494, %parallel_loop3A_498 : vector<16xf32>
      %parallel_loop3A_500 = arith.constant 0 : i32
      %parallel_loop3A_501 = vector.broadcast %parallel_loop3A_500 : i32 to vector<16xi32>
      %parallel_loop3A_502 = arith.addi %parallel_loop3A_339, %parallel_loop3A_501 : vector<16xi32>
      %parallel_loop3A_503 = tpu.vector_load_idx %arg6[%parallel_loop3A_502] : memref<13392xf32, #tpu.memory_space<vmem>>[vector<16xi32>], vector<16xf32>,
      %parallel_loop3A_504 = arith.addf %parallel_loop3A_499, %parallel_loop3A_503 : vector<16xf32>
      %parallel_loop3A_505 = arith.constant 0 : i32
      %parallel_loop3A_506 = vector.broadcast %parallel_loop3A_505 : i32 to vector<16xi32>
      %parallel_loop3A_507 = arith.addi %parallel_loop3A_349, %parallel_loop3A_506 : vector<16xi32>
      %parallel_loop3A_508 = tpu.vector_load_idx %arg6[%parallel_loop3A_507] : memref<13392xf32, #tpu.memory_space<vmem>>[vector<16xi32>], vector<16xf32>,
      %parallel_loop3A_509 = arith.constant 0 : i32
      %parallel_loop3A_510 = vector.broadcast %parallel_loop3A_509 : i32 to vector<16xi32>
      %parallel_loop3A_511 = arith.addi %parallel_loop3A_359, %parallel_loop3A_510 : vector<16xi32>
      %parallel_loop3A_512 = tpu.vector_load_idx %arg6[%parallel_loop3A_511] : memref<13392xf32, #tpu.memory_space<vmem>>[vector<16xi32>], vector<16xf32>,
      %parallel_loop3A_513 = arith.addf %parallel_loop3A_508, %parallel_loop3A_512 : vector<16xf32>
      %parallel_loop3A_514 = arith.constant 0 : i32
      %parallel_loop3A_515 = vector.broadcast %parallel_loop3A_514 : i32 to vector<16xi32>
      %parallel_loop3A_516 = arith.addi %parallel_loop3A_369, %parallel_loop3A_515 : vector<16xi32>
      %parallel_loop3A_517 = tpu.vector_load_idx %arg6[%parallel_loop3A_516] : memref<13392xf32, #tpu.memory_space<vmem>>[vector<16xi32>], vector<16xf32>,
      %parallel_loop3A_518 = arith.addf %parallel_loop3A_513, %parallel_loop3A_517 : vector<16xf32>
      %parallel_loop3A_519 = arith.constant 0 : i32
      %parallel_loop3A_520 = vector.broadcast %parallel_loop3A_519 : i32 to vector<16xi32>
      %parallel_loop3A_521 = arith.addi %parallel_loop3A_379, %parallel_loop3A_520 : vector<16xi32>
      %parallel_loop3A_522 = tpu.vector_load_idx %arg6[%parallel_loop3A_521] : memref<13392xf32, #tpu.memory_space<vmem>>[vector<16xi32>], vector<16xf32>,
      %parallel_loop3A_523 = arith.addf %parallel_loop3A_518, %parallel_loop3A_522 : vector<16xf32>
      %parallel_loop3A_524 = arith.constant 2.500000e-01 : f32
      %parallel_loop3A_525 = vector.broadcast %parallel_loop3A_524 : f32 to vector<16xf32>
      %parallel_loop3A_526 = arith.mulf %parallel_loop3A_523, %parallel_loop3A_525 : vector<16xf32>
      %parallel_loop3A_527 = arith.mulf %parallel_loop3A_385, %parallel_loop3A_385 : vector<16xf32>
      %parallel_loop3A_528 = arith.addf %parallel_loop3A_385, %parallel_loop3A_389 : vector<16xf32>
      %parallel_loop3A_529 = arith.mulf %parallel_loop3A_389, %parallel_loop3A_389 : vector<16xf32>
      %parallel_loop3A_530 = arith.addf %parallel_loop3A_527, %parallel_loop3A_529 : vector<16xf32>
      %parallel_loop3A_531 = arith.addf %parallel_loop3A_528, %parallel_loop3A_393 : vector<16xf32>
      %parallel_loop3A_532 = arith.mulf %parallel_loop3A_393, %parallel_loop3A_393 : vector<16xf32>
      %parallel_loop3A_533 = arith.addf %parallel_loop3A_530, %parallel_loop3A_532 : vector<16xf32>
      %parallel_loop3A_534 = arith.addf %parallel_loop3A_531, %parallel_loop3A_397 : vector<16xf32>
      %parallel_loop3A_535 = arith.mulf %parallel_loop3A_397, %parallel_loop3A_397 : vector<16xf32>
      %parallel_loop3A_536 = arith.addf %parallel_loop3A_533, %parallel_loop3A_535 : vector<16xf32>
      %parallel_loop3A_537 = arith.addf %parallel_loop3A_534, %parallel_loop3A_401 : vector<16xf32>
      %parallel_loop3A_538 = arith.mulf %parallel_loop3A_401, %parallel_loop3A_401 : vector<16xf32>
      %parallel_loop3A_539 = arith.addf %parallel_loop3A_536, %parallel_loop3A_538 : vector<16xf32>
      %parallel_loop3A_540 = arith.addf %parallel_loop3A_537, %parallel_loop3A_405 : vector<16xf32>
      %parallel_loop3A_541 = arith.mulf %parallel_loop3A_405, %parallel_loop3A_405 : vector<16xf32>
      %parallel_loop3A_542 = arith.addf %parallel_loop3A_539, %parallel_loop3A_541 : vector<16xf32>
      %parallel_loop3A_543 = arith.addf %parallel_loop3A_540, %parallel_loop3A_504 : vector<16xf32>
      %parallel_loop3A_544 = arith.mulf %parallel_loop3A_504, %parallel_loop3A_504 : vector<16xf32>
      %parallel_loop3A_545 = arith.addf %parallel_loop3A_542, %parallel_loop3A_544 : vector<16xf32>
      %parallel_loop3A_546 = arith.addf %parallel_loop3A_543, %parallel_loop3A_526 : vector<16xf32>
      %parallel_loop3A_547 = arith.mulf %parallel_loop3A_526, %parallel_loop3A_526 : vector<16xf32>
      %parallel_loop3A_548 = arith.addf %parallel_loop3A_545, %parallel_loop3A_547 : vector<16xf32>
      %parallel_loop3A_549 = arith.mulf %parallel_loop3A_546, %parallel_loop3A_546 : vector<16xf32>
      %parallel_loop3A_550 = arith.subf %parallel_loop3A_549, %parallel_loop3A_548 : vector<16xf32>
      %parallel_loop3A_551 = arith.addf %parallel_loop3A_381, %parallel_loop3A_550 : vector<16xf32>
      %parallel_loop3A_552 = arith.constant 0 : i32
      %parallel_loop3A_553 = vector.broadcast %parallel_loop3A_552 : i32 to vector<16xi32>
      %parallel_loop3A_554 = arith.addi %parallel_loop3A_38, %parallel_loop3A_553 : vector<16xi32>
      tpu.vector_store_idx %arg7[%parallel_loop3A_554], %parallel_loop3A_385 : memref<16384xf32, #tpu.memory_space<vmem>>[vector<16xi32>], vector<16xf32>,
      %parallel_loop3A_555 = arith.constant 4 : i32
      %parallel_loop3A_556 = vector.broadcast %parallel_loop3A_555 : i32 to vector<16xi32>
      %parallel_loop3A_557 = arith.addi %parallel_loop3A_38, %parallel_loop3A_556 : vector<16xi32>
      tpu.vector_store_idx %arg7[%parallel_loop3A_557], %parallel_loop3A_389 : memref<16384xf32, #tpu.memory_space<vmem>>[vector<16xi32>], vector<16xf32>,
      %parallel_loop3A_558 = arith.constant 8 : i32
      %parallel_loop3A_559 = vector.broadcast %parallel_loop3A_558 : i32 to vector<16xi32>
      %parallel_loop3A_560 = arith.addi %parallel_loop3A_38, %parallel_loop3A_559 : vector<16xi32>
      tpu.vector_store_idx %arg7[%parallel_loop3A_560], %parallel_loop3A_393 : memref<16384xf32, #tpu.memory_space<vmem>>[vector<16xi32>], vector<16xf32>,
      %parallel_loop3A_561 = arith.constant 12 : i32
      %parallel_loop3A_562 = vector.broadcast %parallel_loop3A_561 : i32 to vector<16xi32>
      %parallel_loop3A_563 = arith.addi %parallel_loop3A_38, %parallel_loop3A_562 : vector<16xi32>
      tpu.vector_store_idx %arg7[%parallel_loop3A_563], %parallel_loop3A_397 : memref<16384xf32, #tpu.memory_space<vmem>>[vector<16xi32>], vector<16xf32>,
      %parallel_loop3A_564 = arith.constant 16 : i32
      %parallel_loop3A_565 = vector.broadcast %parallel_loop3A_564 : i32 to vector<16xi32>
      %parallel_loop3A_566 = arith.addi %parallel_loop3A_38, %parallel_loop3A_565 : vector<16xi32>
      tpu.vector_store_idx %arg7[%parallel_loop3A_566], %parallel_loop3A_401 : memref<16384xf32, #tpu.memory_space<vmem>>[vector<16xi32>], vector<16xf32>,
      %parallel_loop3A_567 = arith.constant 20 : i32
      %parallel_loop3A_568 = vector.broadcast %parallel_loop3A_567 : i32 to vector<16xi32>
      %parallel_loop3A_569 = arith.addi %parallel_loop3A_38, %parallel_loop3A_568 : vector<16xi32>
      tpu.vector_store_idx %arg7[%parallel_loop3A_569], %parallel_loop3A_405 : memref<16384xf32, #tpu.memory_space<vmem>>[vector<16xi32>], vector<16xf32>,
      %parallel_loop3A_570 = arith.constant 24 : i32
      %parallel_loop3A_571 = vector.broadcast %parallel_loop3A_570 : i32 to vector<16xi32>
      %parallel_loop3A_572 = arith.addi %parallel_loop3A_38, %parallel_loop3A_571 : vector<16xi32>
      tpu.vector_store_idx %arg7[%parallel_loop3A_572], %parallel_loop3A_504 : memref<16384xf32, #tpu.memory_space<vmem>>[vector<16xi32>], vector<16xf32>,
      %parallel_loop3A_573 = arith.constant 28 : i32
      %parallel_loop3A_574 = vector.broadcast %parallel_loop3A_573 : i32 to vector<16xi32>
      %parallel_loop3A_575 = arith.addi %parallel_loop3A_38, %parallel_loop3A_574 : vector<16xi32>
      tpu.vector_store_idx %arg7[%parallel_loop3A_575], %parallel_loop3A_526 : memref<16384xf32, #tpu.memory_space<vmem>>[vector<16xi32>], vector<16xf32>,
      %parallel_loop3A_576 = arith.constant 1 : i32
      %parallel_loop3A_577 = vector.broadcast %parallel_loop3A_576 : i32 to vector<16xi32>
      %parallel_loop3A_578 = arith.addi %parallel_loop3A_109, %parallel_loop3A_577 : vector<16xi32>
      %parallel_loop3A_579 = tpu.vector_load_idx %arg6[%parallel_loop3A_578] : memref<13392xf32, #tpu.memory_space<vmem>>[vector<16xi32>], vector<16xf32>,
      %parallel_loop3A_580 = arith.constant 1 : i32
      %parallel_loop3A_581 = vector.broadcast %parallel_loop3A_580 : i32 to vector<16xi32>
      %parallel_loop3A_582 = arith.addi %parallel_loop3A_115, %parallel_loop3A_581 : vector<16xi32>
      %parallel_loop3A_583 = tpu.vector_load_idx %arg6[%parallel_loop3A_582] : memref<13392xf32, #tpu.memory_space<vmem>>[vector<16xi32>], vector<16xf32>,
      %parallel_loop3A_584 = arith.constant 1 : i32
      %parallel_loop3A_585 = vector.broadcast %parallel_loop3A_584 : i32 to vector<16xi32>
      %parallel_loop3A_586 = arith.addi %parallel_loop3A_121, %parallel_loop3A_585 : vector<16xi32>
      %parallel_loop3A_587 = tpu.vector_load_idx %arg6[%parallel_loop3A_586] : memref<13392xf32, #tpu.memory_space<vmem>>[vector<16xi32>], vector<16xf32>,
      %parallel_loop3A_588 = arith.constant 1 : i32
      %parallel_loop3A_589 = vector.broadcast %parallel_loop3A_588 : i32 to vector<16xi32>
      %parallel_loop3A_590 = arith.addi %parallel_loop3A_127, %parallel_loop3A_589 : vector<16xi32>
      %parallel_loop3A_591 = tpu.vector_load_idx %arg6[%parallel_loop3A_590] : memref<13392xf32, #tpu.memory_space<vmem>>[vector<16xi32>], vector<16xf32>,
      %parallel_loop3A_592 = arith.constant 1 : i32
      %parallel_loop3A_593 = vector.broadcast %parallel_loop3A_592 : i32 to vector<16xi32>
      %parallel_loop3A_594 = arith.addi %parallel_loop3A_133, %parallel_loop3A_593 : vector<16xi32>
      %parallel_loop3A_595 = tpu.vector_load_idx %arg6[%parallel_loop3A_594] : memref<13392xf32, #tpu.memory_space<vmem>>[vector<16xi32>], vector<16xf32>,
      %parallel_loop3A_596 = arith.constant 1 : i32
      %parallel_loop3A_597 = vector.broadcast %parallel_loop3A_596 : i32 to vector<16xi32>
      %parallel_loop3A_598 = arith.addi %parallel_loop3A_139, %parallel_loop3A_597 : vector<16xi32>
      %parallel_loop3A_599 = tpu.vector_load_idx %arg6[%parallel_loop3A_598] : memref<13392xf32, #tpu.memory_space<vmem>>[vector<16xi32>], vector<16xf32>,
      %parallel_loop3A_600 = arith.constant 1 : i32
      %parallel_loop3A_601 = vector.broadcast %parallel_loop3A_600 : i32 to vector<16xi32>
      %parallel_loop3A_602 = arith.addi %parallel_loop3A_149, %parallel_loop3A_601 : vector<16xi32>
      %parallel_loop3A_603 = tpu.vector_load_idx %arg6[%parallel_loop3A_602] : memref<13392xf32, #tpu.memory_space<vmem>>[vector<16xi32>], vector<16xf32>,
      %parallel_loop3A_604 = arith.constant 1 : i32
      %parallel_loop3A_605 = vector.broadcast %parallel_loop3A_604 : i32 to vector<16xi32>
      %parallel_loop3A_606 = arith.addi %parallel_loop3A_159, %parallel_loop3A_605 : vector<16xi32>
      %parallel_loop3A_607 = tpu.vector_load_idx %arg6[%parallel_loop3A_606] : memref<13392xf32, #tpu.memory_space<vmem>>[vector<16xi32>], vector<16xf32>,
      %parallel_loop3A_608 = arith.addf %parallel_loop3A_603, %parallel_loop3A_607 : vector<16xf32>
      %parallel_loop3A_609 = arith.constant 1 : i32
      %parallel_loop3A_610 = vector.broadcast %parallel_loop3A_609 : i32 to vector<16xi32>
      %parallel_loop3A_611 = arith.addi %parallel_loop3A_169, %parallel_loop3A_610 : vector<16xi32>
      %parallel_loop3A_612 = tpu.vector_load_idx %arg6[%parallel_loop3A_611] : memref<13392xf32, #tpu.memory_space<vmem>>[vector<16xi32>], vector<16xf32>,
      %parallel_loop3A_613 = arith.addf %parallel_loop3A_608, %parallel_loop3A_612 : vector<16xf32>
      %parallel_loop3A_614 = arith.constant 1 : i32
      %parallel_loop3A_615 = vector.broadcast %parallel_loop3A_614 : i32 to vector<16xi32>
      %parallel_loop3A_616 = arith.addi %parallel_loop3A_179, %parallel_loop3A_615 : vector<16xi32>
      %parallel_loop3A_617 = tpu.vector_load_idx %arg6[%parallel_loop3A_616] : memref<13392xf32, #tpu.memory_space<vmem>>[vector<16xi32>], vector<16xf32>,
      %parallel_loop3A_618 = arith.addf %parallel_loop3A_613, %parallel_loop3A_617 : vector<16xf32>
      %parallel_loop3A_619 = arith.constant 1 : i32
      %parallel_loop3A_620 = vector.broadcast %parallel_loop3A_619 : i32 to vector<16xi32>
      %parallel_loop3A_621 = arith.addi %parallel_loop3A_189, %parallel_loop3A_620 : vector<16xi32>
      %parallel_loop3A_622 = tpu.vector_load_idx %arg6[%parallel_loop3A_621] : memref<13392xf32, #tpu.memory_space<vmem>>[vector<16xi32>], vector<16xf32>,
      %parallel_loop3A_623 = arith.addf %parallel_loop3A_618, %parallel_loop3A_622 : vector<16xf32>
      %parallel_loop3A_624 = arith.constant 1 : i32
      %parallel_loop3A_625 = vector.broadcast %parallel_loop3A_624 : i32 to vector<16xi32>
      %parallel_loop3A_626 = arith.addi %parallel_loop3A_199, %parallel_loop3A_625 : vector<16xi32>
      %parallel_loop3A_627 = tpu.vector_load_idx %arg6[%parallel_loop3A_626] : memref<13392xf32, #tpu.memory_space<vmem>>[vector<16xi32>], vector<16xf32>,
      %parallel_loop3A_628 = arith.addf %parallel_loop3A_623, %parallel_loop3A_627 : vector<16xf32>
      %parallel_loop3A_629 = arith.constant 1 : i32
      %parallel_loop3A_630 = vector.broadcast %parallel_loop3A_629 : i32 to vector<16xi32>
      %parallel_loop3A_631 = arith.addi %parallel_loop3A_209, %parallel_loop3A_630 : vector<16xi32>
      %parallel_loop3A_632 = tpu.vector_load_idx %arg6[%parallel_loop3A_631] : memref<13392xf32, #tpu.memory_space<vmem>>[vector<16xi32>], vector<16xf32>,
      %parallel_loop3A_633 = arith.addf %parallel_loop3A_628, %parallel_loop3A_632 : vector<16xf32>
      %parallel_loop3A_634 = arith.constant 1 : i32
      %parallel_loop3A_635 = vector.broadcast %parallel_loop3A_634 : i32 to vector<16xi32>
      %parallel_loop3A_636 = arith.addi %parallel_loop3A_219, %parallel_loop3A_635 : vector<16xi32>
      %parallel_loop3A_637 = tpu.vector_load_idx %arg6[%parallel_loop3A_636] : memref<13392xf32, #tpu.memory_space<vmem>>[vector<16xi32>], vector<16xf32>,
      %parallel_loop3A_638 = arith.addf %parallel_loop3A_633, %parallel_loop3A_637 : vector<16xf32>
      %parallel_loop3A_639 = arith.constant 1 : i32
      %parallel_loop3A_640 = vector.broadcast %parallel_loop3A_639 : i32 to vector<16xi32>
      %parallel_loop3A_641 = arith.addi %parallel_loop3A_229, %parallel_loop3A_640 : vector<16xi32>
      %parallel_loop3A_642 = tpu.vector_load_idx %arg6[%parallel_loop3A_641] : memref<13392xf32, #tpu.memory_space<vmem>>[vector<16xi32>], vector<16xf32>,
      %parallel_loop3A_643 = arith.addf %parallel_loop3A_638, %parallel_loop3A_642 : vector<16xf32>
      %parallel_loop3A_644 = arith.constant 1 : i32
      %parallel_loop3A_645 = vector.broadcast %parallel_loop3A_644 : i32 to vector<16xi32>
      %parallel_loop3A_646 = arith.addi %parallel_loop3A_239, %parallel_loop3A_645 : vector<16xi32>
      %parallel_loop3A_647 = tpu.vector_load_idx %arg6[%parallel_loop3A_646] : memref<13392xf32, #tpu.memory_space<vmem>>[vector<16xi32>], vector<16xf32>,
      %parallel_loop3A_648 = arith.addf %parallel_loop3A_643, %parallel_loop3A_647 : vector<16xf32>
      %parallel_loop3A_649 = arith.constant 1 : i32
      %parallel_loop3A_650 = vector.broadcast %parallel_loop3A_649 : i32 to vector<16xi32>
      %parallel_loop3A_651 = arith.addi %parallel_loop3A_249, %parallel_loop3A_650 : vector<16xi32>
      %parallel_loop3A_652 = tpu.vector_load_idx %arg6[%parallel_loop3A_651] : memref<13392xf32, #tpu.memory_space<vmem>>[vector<16xi32>], vector<16xf32>,
      %parallel_loop3A_653 = arith.addf %parallel_loop3A_648, %parallel_loop3A_652 : vector<16xf32>
      %parallel_loop3A_654 = arith.constant 1 : i32
      %parallel_loop3A_655 = vector.broadcast %parallel_loop3A_654 : i32 to vector<16xi32>
      %parallel_loop3A_656 = arith.addi %parallel_loop3A_259, %parallel_loop3A_655 : vector<16xi32>
      %parallel_loop3A_657 = tpu.vector_load_idx %arg6[%parallel_loop3A_656] : memref<13392xf32, #tpu.memory_space<vmem>>[vector<16xi32>], vector<16xf32>,
      %parallel_loop3A_658 = arith.addf %parallel_loop3A_653, %parallel_loop3A_657 : vector<16xf32>
      %parallel_loop3A_659 = arith.constant 1 : i32
      %parallel_loop3A_660 = vector.broadcast %parallel_loop3A_659 : i32 to vector<16xi32>
      %parallel_loop3A_661 = arith.addi %parallel_loop3A_269, %parallel_loop3A_660 : vector<16xi32>
      %parallel_loop3A_662 = tpu.vector_load_idx %arg6[%parallel_loop3A_661] : memref<13392xf32, #tpu.memory_space<vmem>>[vector<16xi32>], vector<16xf32>,
      %parallel_loop3A_663 = arith.addf %parallel_loop3A_658, %parallel_loop3A_662 : vector<16xf32>
      %parallel_loop3A_664 = arith.constant 1 : i32
      %parallel_loop3A_665 = vector.broadcast %parallel_loop3A_664 : i32 to vector<16xi32>
      %parallel_loop3A_666 = arith.addi %parallel_loop3A_279, %parallel_loop3A_665 : vector<16xi32>
      %parallel_loop3A_667 = tpu.vector_load_idx %arg6[%parallel_loop3A_666] : memref<13392xf32, #tpu.memory_space<vmem>>[vector<16xi32>], vector<16xf32>,
      %parallel_loop3A_668 = arith.addf %parallel_loop3A_663, %parallel_loop3A_667 : vector<16xf32>
      %parallel_loop3A_669 = arith.constant 1 : i32
      %parallel_loop3A_670 = vector.broadcast %parallel_loop3A_669 : i32 to vector<16xi32>
      %parallel_loop3A_671 = arith.addi %parallel_loop3A_289, %parallel_loop3A_670 : vector<16xi32>
      %parallel_loop3A_672 = tpu.vector_load_idx %arg6[%parallel_loop3A_671] : memref<13392xf32, #tpu.memory_space<vmem>>[vector<16xi32>], vector<16xf32>,
      %parallel_loop3A_673 = arith.addf %parallel_loop3A_668, %parallel_loop3A_672 : vector<16xf32>
      %parallel_loop3A_674 = arith.constant 1 : i32
      %parallel_loop3A_675 = vector.broadcast %parallel_loop3A_674 : i32 to vector<16xi32>
      %parallel_loop3A_676 = arith.addi %parallel_loop3A_299, %parallel_loop3A_675 : vector<16xi32>
      %parallel_loop3A_677 = tpu.vector_load_idx %arg6[%parallel_loop3A_676] : memref<13392xf32, #tpu.memory_space<vmem>>[vector<16xi32>], vector<16xf32>,
      %parallel_loop3A_678 = arith.addf %parallel_loop3A_673, %parallel_loop3A_677 : vector<16xf32>
      %parallel_loop3A_679 = arith.constant 1 : i32
      %parallel_loop3A_680 = vector.broadcast %parallel_loop3A_679 : i32 to vector<16xi32>
      %parallel_loop3A_681 = arith.addi %parallel_loop3A_309, %parallel_loop3A_680 : vector<16xi32>
      %parallel_loop3A_682 = tpu.vector_load_idx %arg6[%parallel_loop3A_681] : memref<13392xf32, #tpu.memory_space<vmem>>[vector<16xi32>], vector<16xf32>,
      %parallel_loop3A_683 = arith.addf %parallel_loop3A_678, %parallel_loop3A_682 : vector<16xf32>
      %parallel_loop3A_684 = arith.constant 1 : i32
      %parallel_loop3A_685 = vector.broadcast %parallel_loop3A_684 : i32 to vector<16xi32>
      %parallel_loop3A_686 = arith.addi %parallel_loop3A_319, %parallel_loop3A_685 : vector<16xi32>
      %parallel_loop3A_687 = tpu.vector_load_idx %arg6[%parallel_loop3A_686] : memref<13392xf32, #tpu.memory_space<vmem>>[vector<16xi32>], vector<16xf32>,
      %parallel_loop3A_688 = arith.addf %parallel_loop3A_683, %parallel_loop3A_687 : vector<16xf32>
      %parallel_loop3A_689 = arith.constant 1 : i32
      %parallel_loop3A_690 = vector.broadcast %parallel_loop3A_689 : i32 to vector<16xi32>
      %parallel_loop3A_691 = arith.addi %parallel_loop3A_329, %parallel_loop3A_690 : vector<16xi32>
      %parallel_loop3A_692 = tpu.vector_load_idx %arg6[%parallel_loop3A_691] : memref<13392xf32, #tpu.memory_space<vmem>>[vector<16xi32>], vector<16xf32>,
      %parallel_loop3A_693 = arith.addf %parallel_loop3A_688, %parallel_loop3A_692 : vector<16xf32>
      %parallel_loop3A_694 = arith.constant 1 : i32
      %parallel_loop3A_695 = vector.broadcast %parallel_loop3A_694 : i32 to vector<16xi32>
      %parallel_loop3A_696 = arith.addi %parallel_loop3A_339, %parallel_loop3A_695 : vector<16xi32>
      %parallel_loop3A_697 = tpu.vector_load_idx %arg6[%parallel_loop3A_696] : memref<13392xf32, #tpu.memory_space<vmem>>[vector<16xi32>], vector<16xf32>,
      %parallel_loop3A_698 = arith.addf %parallel_loop3A_693, %parallel_loop3A_697 : vector<16xf32>
      %parallel_loop3A_699 = arith.constant 1 : i32
      %parallel_loop3A_700 = vector.broadcast %parallel_loop3A_699 : i32 to vector<16xi32>
      %parallel_loop3A_701 = arith.addi %parallel_loop3A_349, %parallel_loop3A_700 : vector<16xi32>
      %parallel_loop3A_702 = tpu.vector_load_idx %arg6[%parallel_loop3A_701] : memref<13392xf32, #tpu.memory_space<vmem>>[vector<16xi32>], vector<16xf32>,
      %parallel_loop3A_703 = arith.constant 1 : i32
      %parallel_loop3A_704 = vector.broadcast %parallel_loop3A_703 : i32 to vector<16xi32>
      %parallel_loop3A_705 = arith.addi %parallel_loop3A_359, %parallel_loop3A_704 : vector<16xi32>
      %parallel_loop3A_706 = tpu.vector_load_idx %arg6[%parallel_loop3A_705] : memref<13392xf32, #tpu.memory_space<vmem>>[vector<16xi32>], vector<16xf32>,
      %parallel_loop3A_707 = arith.addf %parallel_loop3A_702, %parallel_loop3A_706 : vector<16xf32>
      %parallel_loop3A_708 = arith.constant 1 : i32
      %parallel_loop3A_709 = vector.broadcast %parallel_loop3A_708 : i32 to vector<16xi32>
      %parallel_loop3A_710 = arith.addi %parallel_loop3A_369, %parallel_loop3A_709 : vector<16xi32>
      %parallel_loop3A_711 = tpu.vector_load_idx %arg6[%parallel_loop3A_710] : memref<13392xf32, #tpu.memory_space<vmem>>[vector<16xi32>], vector<16xf32>,
      %parallel_loop3A_712 = arith.addf %parallel_loop3A_707, %parallel_loop3A_711 : vector<16xf32>
      %parallel_loop3A_713 = arith.constant 1 : i32
      %parallel_loop3A_714 = vector.broadcast %parallel_loop3A_713 : i32 to vector<16xi32>
      %parallel_loop3A_715 = arith.addi %parallel_loop3A_379, %parallel_loop3A_714 : vector<16xi32>
      %parallel_loop3A_716 = tpu.vector_load_idx %arg6[%parallel_loop3A_715] : memref<13392xf32, #tpu.memory_space<vmem>>[vector<16xi32>], vector<16xf32>,
      %parallel_loop3A_717 = arith.addf %parallel_loop3A_712, %parallel_loop3A_716 : vector<16xf32>
      %parallel_loop3A_718 = arith.constant 2.500000e-01 : f32
      %parallel_loop3A_719 = vector.broadcast %parallel_loop3A_718 : f32 to vector<16xf32>
      %parallel_loop3A_720 = arith.mulf %parallel_loop3A_717, %parallel_loop3A_719 : vector<16xf32>
      %parallel_loop3A_721 = arith.mulf %parallel_loop3A_579, %parallel_loop3A_579 : vector<16xf32>
      %parallel_loop3A_722 = arith.addf %parallel_loop3A_579, %parallel_loop3A_583 : vector<16xf32>
      %parallel_loop3A_723 = arith.mulf %parallel_loop3A_583, %parallel_loop3A_583 : vector<16xf32>
      %parallel_loop3A_724 = arith.addf %parallel_loop3A_721, %parallel_loop3A_723 : vector<16xf32>
      %parallel_loop3A_725 = arith.addf %parallel_loop3A_722, %parallel_loop3A_587 : vector<16xf32>
      %parallel_loop3A_726 = arith.mulf %parallel_loop3A_587, %parallel_loop3A_587 : vector<16xf32>
      %parallel_loop3A_727 = arith.addf %parallel_loop3A_724, %parallel_loop3A_726 : vector<16xf32>
      %parallel_loop3A_728 = arith.addf %parallel_loop3A_725, %parallel_loop3A_591 : vector<16xf32>
      %parallel_loop3A_729 = arith.mulf %parallel_loop3A_591, %parallel_loop3A_591 : vector<16xf32>
      %parallel_loop3A_730 = arith.addf %parallel_loop3A_727, %parallel_loop3A_729 : vector<16xf32>
      %parallel_loop3A_731 = arith.addf %parallel_loop3A_728, %parallel_loop3A_595 : vector<16xf32>
      %parallel_loop3A_732 = arith.mulf %parallel_loop3A_595, %parallel_loop3A_595 : vector<16xf32>
      %parallel_loop3A_733 = arith.addf %parallel_loop3A_730, %parallel_loop3A_732 : vector<16xf32>
      %parallel_loop3A_734 = arith.addf %parallel_loop3A_731, %parallel_loop3A_599 : vector<16xf32>
      %parallel_loop3A_735 = arith.mulf %parallel_loop3A_599, %parallel_loop3A_599 : vector<16xf32>
      %parallel_loop3A_736 = arith.addf %parallel_loop3A_733, %parallel_loop3A_735 : vector<16xf32>
      %parallel_loop3A_737 = arith.addf %parallel_loop3A_734, %parallel_loop3A_698 : vector<16xf32>
      %parallel_loop3A_738 = arith.mulf %parallel_loop3A_698, %parallel_loop3A_698 : vector<16xf32>
      %parallel_loop3A_739 = arith.addf %parallel_loop3A_736, %parallel_loop3A_738 : vector<16xf32>
      %parallel_loop3A_740 = arith.addf %parallel_loop3A_737, %parallel_loop3A_720 : vector<16xf32>
      %parallel_loop3A_741 = arith.mulf %parallel_loop3A_720, %parallel_loop3A_720 : vector<16xf32>
      %parallel_loop3A_742 = arith.addf %parallel_loop3A_739, %parallel_loop3A_741 : vector<16xf32>
      %parallel_loop3A_743 = arith.mulf %parallel_loop3A_740, %parallel_loop3A_740 : vector<16xf32>
      %parallel_loop3A_744 = arith.subf %parallel_loop3A_743, %parallel_loop3A_742 : vector<16xf32>
      %parallel_loop3A_745 = arith.addf %parallel_loop3A_551, %parallel_loop3A_744 : vector<16xf32>
      %parallel_loop3A_746 = arith.constant 1 : i32
      %parallel_loop3A_747 = vector.broadcast %parallel_loop3A_746 : i32 to vector<16xi32>
      %parallel_loop3A_748 = arith.addi %parallel_loop3A_38, %parallel_loop3A_747 : vector<16xi32>
      tpu.vector_store_idx %arg7[%parallel_loop3A_748], %parallel_loop3A_579 : memref<16384xf32, #tpu.memory_space<vmem>>[vector<16xi32>], vector<16xf32>,
      %parallel_loop3A_749 = arith.constant 5 : i32
      %parallel_loop3A_750 = vector.broadcast %parallel_loop3A_749 : i32 to vector<16xi32>
      %parallel_loop3A_751 = arith.addi %parallel_loop3A_38, %parallel_loop3A_750 : vector<16xi32>
      tpu.vector_store_idx %arg7[%parallel_loop3A_751], %parallel_loop3A_583 : memref<16384xf32, #tpu.memory_space<vmem>>[vector<16xi32>], vector<16xf32>,
      %parallel_loop3A_752 = arith.constant 9 : i32
      %parallel_loop3A_753 = vector.broadcast %parallel_loop3A_752 : i32 to vector<16xi32>
      %parallel_loop3A_754 = arith.addi %parallel_loop3A_38, %parallel_loop3A_753 : vector<16xi32>
      tpu.vector_store_idx %arg7[%parallel_loop3A_754], %parallel_loop3A_587 : memref<16384xf32, #tpu.memory_space<vmem>>[vector<16xi32>], vector<16xf32>,
      %parallel_loop3A_755 = arith.constant 13 : i32
      %parallel_loop3A_756 = vector.broadcast %parallel_loop3A_755 : i32 to vector<16xi32>
      %parallel_loop3A_757 = arith.addi %parallel_loop3A_38, %parallel_loop3A_756 : vector<16xi32>
      tpu.vector_store_idx %arg7[%parallel_loop3A_757], %parallel_loop3A_591 : memref<16384xf32, #tpu.memory_space<vmem>>[vector<16xi32>], vector<16xf32>,
      %parallel_loop3A_758 = arith.constant 17 : i32
      %parallel_loop3A_759 = vector.broadcast %parallel_loop3A_758 : i32 to vector<16xi32>
      %parallel_loop3A_760 = arith.addi %parallel_loop3A_38, %parallel_loop3A_759 : vector<16xi32>
      tpu.vector_store_idx %arg7[%parallel_loop3A_760], %parallel_loop3A_595 : memref<16384xf32, #tpu.memory_space<vmem>>[vector<16xi32>], vector<16xf32>,
      %parallel_loop3A_761 = arith.constant 21 : i32
      %parallel_loop3A_762 = vector.broadcast %parallel_loop3A_761 : i32 to vector<16xi32>
      %parallel_loop3A_763 = arith.addi %parallel_loop3A_38, %parallel_loop3A_762 : vector<16xi32>
      tpu.vector_store_idx %arg7[%parallel_loop3A_763], %parallel_loop3A_599 : memref<16384xf32, #tpu.memory_space<vmem>>[vector<16xi32>], vector<16xf32>,
      %parallel_loop3A_764 = arith.constant 25 : i32
      %parallel_loop3A_765 = vector.broadcast %parallel_loop3A_764 : i32 to vector<16xi32>
      %parallel_loop3A_766 = arith.addi %parallel_loop3A_38, %parallel_loop3A_765 : vector<16xi32>
      tpu.vector_store_idx %arg7[%parallel_loop3A_766], %parallel_loop3A_698 : memref<16384xf32, #tpu.memory_space<vmem>>[vector<16xi32>], vector<16xf32>,
      %parallel_loop3A_767 = arith.constant 29 : i32
      %parallel_loop3A_768 = vector.broadcast %parallel_loop3A_767 : i32 to vector<16xi32>
      %parallel_loop3A_769 = arith.addi %parallel_loop3A_38, %parallel_loop3A_768 : vector<16xi32>
      tpu.vector_store_idx %arg7[%parallel_loop3A_769], %parallel_loop3A_720 : memref<16384xf32, #tpu.memory_space<vmem>>[vector<16xi32>], vector<16xf32>,
      %parallel_loop3A_770 = arith.constant 2 : i32
      %parallel_loop3A_771 = vector.broadcast %parallel_loop3A_770 : i32 to vector<16xi32>
      %parallel_loop3A_772 = arith.addi %parallel_loop3A_109, %parallel_loop3A_771 : vector<16xi32>
      %parallel_loop3A_773 = tpu.vector_load_idx %arg6[%parallel_loop3A_772] : memref<13392xf32, #tpu.memory_space<vmem>>[vector<16xi32>], vector<16xf32>,
      %parallel_loop3A_774 = arith.constant 2 : i32
      %parallel_loop3A_775 = vector.broadcast %parallel_loop3A_774 : i32 to vector<16xi32>
      %parallel_loop3A_776 = arith.addi %parallel_loop3A_115, %parallel_loop3A_775 : vector<16xi32>
      %parallel_loop3A_777 = tpu.vector_load_idx %arg6[%parallel_loop3A_776] : memref<13392xf32, #tpu.memory_space<vmem>>[vector<16xi32>], vector<16xf32>,
      %parallel_loop3A_778 = arith.constant 2 : i32
      %parallel_loop3A_779 = vector.broadcast %parallel_loop3A_778 : i32 to vector<16xi32>
      %parallel_loop3A_780 = arith.addi %parallel_loop3A_121, %parallel_loop3A_779 : vector<16xi32>
      %parallel_loop3A_781 = tpu.vector_load_idx %arg6[%parallel_loop3A_780] : memref<13392xf32, #tpu.memory_space<vmem>>[vector<16xi32>], vector<16xf32>,
      %parallel_loop3A_782 = arith.constant 2 : i32
      %parallel_loop3A_783 = vector.broadcast %parallel_loop3A_782 : i32 to vector<16xi32>
      %parallel_loop3A_784 = arith.addi %parallel_loop3A_127, %parallel_loop3A_783 : vector<16xi32>
      %parallel_loop3A_785 = tpu.vector_load_idx %arg6[%parallel_loop3A_784] : memref<13392xf32, #tpu.memory_space<vmem>>[vector<16xi32>], vector<16xf32>,
      %parallel_loop3A_786 = arith.constant 2 : i32
      %parallel_loop3A_787 = vector.broadcast %parallel_loop3A_786 : i32 to vector<16xi32>
      %parallel_loop3A_788 = arith.addi %parallel_loop3A_133, %parallel_loop3A_787 : vector<16xi32>
      %parallel_loop3A_789 = tpu.vector_load_idx %arg6[%parallel_loop3A_788] : memref<13392xf32, #tpu.memory_space<vmem>>[vector<16xi32>], vector<16xf32>,
      %parallel_loop3A_790 = arith.constant 2 : i32
      %parallel_loop3A_791 = vector.broadcast %parallel_loop3A_790 : i32 to vector<16xi32>
      %parallel_loop3A_792 = arith.addi %parallel_loop3A_139, %parallel_loop3A_791 : vector<16xi32>
      %parallel_loop3A_793 = tpu.vector_load_idx %arg6[%parallel_loop3A_792] : memref<13392xf32, #tpu.memory_space<vmem>>[vector<16xi32>], vector<16xf32>,
      %parallel_loop3A_794 = arith.constant 2 : i32
      %parallel_loop3A_795 = vector.broadcast %parallel_loop3A_794 : i32 to vector<16xi32>
      %parallel_loop3A_796 = arith.addi %parallel_loop3A_149, %parallel_loop3A_795 : vector<16xi32>
      %parallel_loop3A_797 = tpu.vector_load_idx %arg6[%parallel_loop3A_796] : memref<13392xf32, #tpu.memory_space<vmem>>[vector<16xi32>], vector<16xf32>,
      %parallel_loop3A_798 = arith.constant 2 : i32
      %parallel_loop3A_799 = vector.broadcast %parallel_loop3A_798 : i32 to vector<16xi32>
      %parallel_loop3A_800 = arith.addi %parallel_loop3A_159, %parallel_loop3A_799 : vector<16xi32>
      %parallel_loop3A_801 = tpu.vector_load_idx %arg6[%parallel_loop3A_800] : memref<13392xf32, #tpu.memory_space<vmem>>[vector<16xi32>], vector<16xf32>,
      %parallel_loop3A_802 = arith.addf %parallel_loop3A_797, %parallel_loop3A_801 : vector<16xf32>
      %parallel_loop3A_803 = arith.constant 2 : i32
      %parallel_loop3A_804 = vector.broadcast %parallel_loop3A_803 : i32 to vector<16xi32>
      %parallel_loop3A_805 = arith.addi %parallel_loop3A_169, %parallel_loop3A_804 : vector<16xi32>
      %parallel_loop3A_806 = tpu.vector_load_idx %arg6[%parallel_loop3A_805] : memref<13392xf32, #tpu.memory_space<vmem>>[vector<16xi32>], vector<16xf32>,
      %parallel_loop3A_807 = arith.addf %parallel_loop3A_802, %parallel_loop3A_806 : vector<16xf32>
      %parallel_loop3A_808 = arith.constant 2 : i32
      %parallel_loop3A_809 = vector.broadcast %parallel_loop3A_808 : i32 to vector<16xi32>
      %parallel_loop3A_810 = arith.addi %parallel_loop3A_179, %parallel_loop3A_809 : vector<16xi32>
      %parallel_loop3A_811 = tpu.vector_load_idx %arg6[%parallel_loop3A_810] : memref<13392xf32, #tpu.memory_space<vmem>>[vector<16xi32>], vector<16xf32>,
      %parallel_loop3A_812 = arith.addf %parallel_loop3A_807, %parallel_loop3A_811 : vector<16xf32>
      %parallel_loop3A_813 = arith.constant 2 : i32
      %parallel_loop3A_814 = vector.broadcast %parallel_loop3A_813 : i32 to vector<16xi32>
      %parallel_loop3A_815 = arith.addi %parallel_loop3A_189, %parallel_loop3A_814 : vector<16xi32>
      %parallel_loop3A_816 = tpu.vector_load_idx %arg6[%parallel_loop3A_815] : memref<13392xf32, #tpu.memory_space<vmem>>[vector<16xi32>], vector<16xf32>,
      %parallel_loop3A_817 = arith.addf %parallel_loop3A_812, %parallel_loop3A_816 : vector<16xf32>
      %parallel_loop3A_818 = arith.constant 2 : i32
      %parallel_loop3A_819 = vector.broadcast %parallel_loop3A_818 : i32 to vector<16xi32>
      %parallel_loop3A_820 = arith.addi %parallel_loop3A_199, %parallel_loop3A_819 : vector<16xi32>
      %parallel_loop3A_821 = tpu.vector_load_idx %arg6[%parallel_loop3A_820] : memref<13392xf32, #tpu.memory_space<vmem>>[vector<16xi32>], vector<16xf32>,
      %parallel_loop3A_822 = arith.addf %parallel_loop3A_817, %parallel_loop3A_821 : vector<16xf32>
      %parallel_loop3A_823 = arith.constant 2 : i32
      %parallel_loop3A_824 = vector.broadcast %parallel_loop3A_823 : i32 to vector<16xi32>
      %parallel_loop3A_825 = arith.addi %parallel_loop3A_209, %parallel_loop3A_824 : vector<16xi32>
      %parallel_loop3A_826 = tpu.vector_load_idx %arg6[%parallel_loop3A_825] : memref<13392xf32, #tpu.memory_space<vmem>>[vector<16xi32>], vector<16xf32>,
      %parallel_loop3A_827 = arith.addf %parallel_loop3A_822, %parallel_loop3A_826 : vector<16xf32>
      %parallel_loop3A_828 = arith.constant 2 : i32
      %parallel_loop3A_829 = vector.broadcast %parallel_loop3A_828 : i32 to vector<16xi32>
      %parallel_loop3A_830 = arith.addi %parallel_loop3A_219, %parallel_loop3A_829 : vector<16xi32>
      %parallel_loop3A_831 = tpu.vector_load_idx %arg6[%parallel_loop3A_830] : memref<13392xf32, #tpu.memory_space<vmem>>[vector<16xi32>], vector<16xf32>,
      %parallel_loop3A_832 = arith.addf %parallel_loop3A_827, %parallel_loop3A_831 : vector<16xf32>
      %parallel_loop3A_833 = arith.constant 2 : i32
      %parallel_loop3A_834 = vector.broadcast %parallel_loop3A_833 : i32 to vector<16xi32>
      %parallel_loop3A_835 = arith.addi %parallel_loop3A_229, %parallel_loop3A_834 : vector<16xi32>
      %parallel_loop3A_836 = tpu.vector_load_idx %arg6[%parallel_loop3A_835] : memref<13392xf32, #tpu.memory_space<vmem>>[vector<16xi32>], vector<16xf32>,
      %parallel_loop3A_837 = arith.addf %parallel_loop3A_832, %parallel_loop3A_836 : vector<16xf32>
      %parallel_loop3A_838 = arith.constant 2 : i32
      %parallel_loop3A_839 = vector.broadcast %parallel_loop3A_838 : i32 to vector<16xi32>
      %parallel_loop3A_840 = arith.addi %parallel_loop3A_239, %parallel_loop3A_839 : vector<16xi32>
      %parallel_loop3A_841 = tpu.vector_load_idx %arg6[%parallel_loop3A_840] : memref<13392xf32, #tpu.memory_space<vmem>>[vector<16xi32>], vector<16xf32>,
      %parallel_loop3A_842 = arith.addf %parallel_loop3A_837, %parallel_loop3A_841 : vector<16xf32>
      %parallel_loop3A_843 = arith.constant 2 : i32
      %parallel_loop3A_844 = vector.broadcast %parallel_loop3A_843 : i32 to vector<16xi32>
      %parallel_loop3A_845 = arith.addi %parallel_loop3A_249, %parallel_loop3A_844 : vector<16xi32>
      %parallel_loop3A_846 = tpu.vector_load_idx %arg6[%parallel_loop3A_845] : memref<13392xf32, #tpu.memory_space<vmem>>[vector<16xi32>], vector<16xf32>,
      %parallel_loop3A_847 = arith.addf %parallel_loop3A_842, %parallel_loop3A_846 : vector<16xf32>
      %parallel_loop3A_848 = arith.constant 2 : i32
      %parallel_loop3A_849 = vector.broadcast %parallel_loop3A_848 : i32 to vector<16xi32>
      %parallel_loop3A_850 = arith.addi %parallel_loop3A_259, %parallel_loop3A_849 : vector<16xi32>
      %parallel_loop3A_851 = tpu.vector_load_idx %arg6[%parallel_loop3A_850] : memref<13392xf32, #tpu.memory_space<vmem>>[vector<16xi32>], vector<16xf32>,
      %parallel_loop3A_852 = arith.addf %parallel_loop3A_847, %parallel_loop3A_851 : vector<16xf32>
      %parallel_loop3A_853 = arith.constant 2 : i32
      %parallel_loop3A_854 = vector.broadcast %parallel_loop3A_853 : i32 to vector<16xi32>
      %parallel_loop3A_855 = arith.addi %parallel_loop3A_269, %parallel_loop3A_854 : vector<16xi32>
      %parallel_loop3A_856 = tpu.vector_load_idx %arg6[%parallel_loop3A_855] : memref<13392xf32, #tpu.memory_space<vmem>>[vector<16xi32>], vector<16xf32>,
      %parallel_loop3A_857 = arith.addf %parallel_loop3A_852, %parallel_loop3A_856 : vector<16xf32>
      %parallel_loop3A_858 = arith.constant 2 : i32
      %parallel_loop3A_859 = vector.broadcast %parallel_loop3A_858 : i32 to vector<16xi32>
      %parallel_loop3A_860 = arith.addi %parallel_loop3A_279, %parallel_loop3A_859 : vector<16xi32>
      %parallel_loop3A_861 = tpu.vector_load_idx %arg6[%parallel_loop3A_860] : memref<13392xf32, #tpu.memory_space<vmem>>[vector<16xi32>], vector<16xf32>,
      %parallel_loop3A_862 = arith.addf %parallel_loop3A_857, %parallel_loop3A_861 : vector<16xf32>
      %parallel_loop3A_863 = arith.constant 2 : i32
      %parallel_loop3A_864 = vector.broadcast %parallel_loop3A_863 : i32 to vector<16xi32>
      %parallel_loop3A_865 = arith.addi %parallel_loop3A_289, %parallel_loop3A_864 : vector<16xi32>
      %parallel_loop3A_866 = tpu.vector_load_idx %arg6[%parallel_loop3A_865] : memref<13392xf32, #tpu.memory_space<vmem>>[vector<16xi32>], vector<16xf32>,
      %parallel_loop3A_867 = arith.addf %parallel_loop3A_862, %parallel_loop3A_866 : vector<16xf32>
      %parallel_loop3A_868 = arith.constant 2 : i32
      %parallel_loop3A_869 = vector.broadcast %parallel_loop3A_868 : i32 to vector<16xi32>
      %parallel_loop3A_870 = arith.addi %parallel_loop3A_299, %parallel_loop3A_869 : vector<16xi32>
      %parallel_loop3A_871 = tpu.vector_load_idx %arg6[%parallel_loop3A_870] : memref<13392xf32, #tpu.memory_space<vmem>>[vector<16xi32>], vector<16xf32>,
      %parallel_loop3A_872 = arith.addf %parallel_loop3A_867, %parallel_loop3A_871 : vector<16xf32>
      %parallel_loop3A_873 = arith.constant 2 : i32
      %parallel_loop3A_874 = vector.broadcast %parallel_loop3A_873 : i32 to vector<16xi32>
      %parallel_loop3A_875 = arith.addi %parallel_loop3A_309, %parallel_loop3A_874 : vector<16xi32>
      %parallel_loop3A_876 = tpu.vector_load_idx %arg6[%parallel_loop3A_875] : memref<13392xf32, #tpu.memory_space<vmem>>[vector<16xi32>], vector<16xf32>,
      %parallel_loop3A_877 = arith.addf %parallel_loop3A_872, %parallel_loop3A_876 : vector<16xf32>
      %parallel_loop3A_878 = arith.constant 2 : i32
      %parallel_loop3A_879 = vector.broadcast %parallel_loop3A_878 : i32 to vector<16xi32>
      %parallel_loop3A_880 = arith.addi %parallel_loop3A_319, %parallel_loop3A_879 : vector<16xi32>
      %parallel_loop3A_881 = tpu.vector_load_idx %arg6[%parallel_loop3A_880] : memref<13392xf32, #tpu.memory_space<vmem>>[vector<16xi32>], vector<16xf32>,
      %parallel_loop3A_882 = arith.addf %parallel_loop3A_877, %parallel_loop3A_881 : vector<16xf32>
      %parallel_loop3A_883 = arith.constant 2 : i32
      %parallel_loop3A_884 = vector.broadcast %parallel_loop3A_883 : i32 to vector<16xi32>
      %parallel_loop3A_885 = arith.addi %parallel_loop3A_329, %parallel_loop3A_884 : vector<16xi32>
      %parallel_loop3A_886 = tpu.vector_load_idx %arg6[%parallel_loop3A_885] : memref<13392xf32, #tpu.memory_space<vmem>>[vector<16xi32>], vector<16xf32>,
      %parallel_loop3A_887 = arith.addf %parallel_loop3A_882, %parallel_loop3A_886 : vector<16xf32>
      %parallel_loop3A_888 = arith.constant 2 : i32
      %parallel_loop3A_889 = vector.broadcast %parallel_loop3A_888 : i32 to vector<16xi32>
      %parallel_loop3A_890 = arith.addi %parallel_loop3A_339, %parallel_loop3A_889 : vector<16xi32>
      %parallel_loop3A_891 = tpu.vector_load_idx %arg6[%parallel_loop3A_890] : memref<13392xf32, #tpu.memory_space<vmem>>[vector<16xi32>], vector<16xf32>,
      %parallel_loop3A_892 = arith.addf %parallel_loop3A_887, %parallel_loop3A_891 : vector<16xf32>
      %parallel_loop3A_893 = arith.constant 2 : i32
      %parallel_loop3A_894 = vector.broadcast %parallel_loop3A_893 : i32 to vector<16xi32>
      %parallel_loop3A_895 = arith.addi %parallel_loop3A_349, %parallel_loop3A_894 : vector<16xi32>
      %parallel_loop3A_896 = tpu.vector_load_idx %arg6[%parallel_loop3A_895] : memref<13392xf32, #tpu.memory_space<vmem>>[vector<16xi32>], vector<16xf32>,
      %parallel_loop3A_897 = arith.constant 2 : i32
      %parallel_loop3A_898 = vector.broadcast %parallel_loop3A_897 : i32 to vector<16xi32>
      %parallel_loop3A_899 = arith.addi %parallel_loop3A_359, %parallel_loop3A_898 : vector<16xi32>
      %parallel_loop3A_900 = tpu.vector_load_idx %arg6[%parallel_loop3A_899] : memref<13392xf32, #tpu.memory_space<vmem>>[vector<16xi32>], vector<16xf32>,
      %parallel_loop3A_901 = arith.addf %parallel_loop3A_896, %parallel_loop3A_900 : vector<16xf32>
      %parallel_loop3A_902 = arith.constant 2 : i32
      %parallel_loop3A_903 = vector.broadcast %parallel_loop3A_902 : i32 to vector<16xi32>
      %parallel_loop3A_904 = arith.addi %parallel_loop3A_369, %parallel_loop3A_903 : vector<16xi32>
      %parallel_loop3A_905 = tpu.vector_load_idx %arg6[%parallel_loop3A_904] : memref<13392xf32, #tpu.memory_space<vmem>>[vector<16xi32>], vector<16xf32>,
      %parallel_loop3A_906 = arith.addf %parallel_loop3A_901, %parallel_loop3A_905 : vector<16xf32>
      %parallel_loop3A_907 = arith.constant 2 : i32
      %parallel_loop3A_908 = vector.broadcast %parallel_loop3A_907 : i32 to vector<16xi32>
      %parallel_loop3A_909 = arith.addi %parallel_loop3A_379, %parallel_loop3A_908 : vector<16xi32>
      %parallel_loop3A_910 = tpu.vector_load_idx %arg6[%parallel_loop3A_909] : memref<13392xf32, #tpu.memory_space<vmem>>[vector<16xi32>], vector<16xf32>,
      %parallel_loop3A_911 = arith.addf %parallel_loop3A_906, %parallel_loop3A_910 : vector<16xf32>
      %parallel_loop3A_912 = arith.constant 2.500000e-01 : f32
      %parallel_loop3A_913 = vector.broadcast %parallel_loop3A_912 : f32 to vector<16xf32>
      %parallel_loop3A_914 = arith.mulf %parallel_loop3A_911, %parallel_loop3A_913 : vector<16xf32>
      %parallel_loop3A_915 = arith.mulf %parallel_loop3A_773, %parallel_loop3A_773 : vector<16xf32>
      %parallel_loop3A_916 = arith.addf %parallel_loop3A_773, %parallel_loop3A_777 : vector<16xf32>
      %parallel_loop3A_917 = arith.mulf %parallel_loop3A_777, %parallel_loop3A_777 : vector<16xf32>
      %parallel_loop3A_918 = arith.addf %parallel_loop3A_915, %parallel_loop3A_917 : vector<16xf32>
      %parallel_loop3A_919 = arith.addf %parallel_loop3A_916, %parallel_loop3A_781 : vector<16xf32>
      %parallel_loop3A_920 = arith.mulf %parallel_loop3A_781, %parallel_loop3A_781 : vector<16xf32>
      %parallel_loop3A_921 = arith.addf %parallel_loop3A_918, %parallel_loop3A_920 : vector<16xf32>
      %parallel_loop3A_922 = arith.addf %parallel_loop3A_919, %parallel_loop3A_785 : vector<16xf32>
      %parallel_loop3A_923 = arith.mulf %parallel_loop3A_785, %parallel_loop3A_785 : vector<16xf32>
      %parallel_loop3A_924 = arith.addf %parallel_loop3A_921, %parallel_loop3A_923 : vector<16xf32>
      %parallel_loop3A_925 = arith.addf %parallel_loop3A_922, %parallel_loop3A_789 : vector<16xf32>
      %parallel_loop3A_926 = arith.mulf %parallel_loop3A_789, %parallel_loop3A_789 : vector<16xf32>
      %parallel_loop3A_927 = arith.addf %parallel_loop3A_924, %parallel_loop3A_926 : vector<16xf32>
      %parallel_loop3A_928 = arith.addf %parallel_loop3A_925, %parallel_loop3A_793 : vector<16xf32>
      %parallel_loop3A_929 = arith.mulf %parallel_loop3A_793, %parallel_loop3A_793 : vector<16xf32>
      %parallel_loop3A_930 = arith.addf %parallel_loop3A_927, %parallel_loop3A_929 : vector<16xf32>
      %parallel_loop3A_931 = arith.addf %parallel_loop3A_928, %parallel_loop3A_892 : vector<16xf32>
      %parallel_loop3A_932 = arith.mulf %parallel_loop3A_892, %parallel_loop3A_892 : vector<16xf32>
      %parallel_loop3A_933 = arith.addf %parallel_loop3A_930, %parallel_loop3A_932 : vector<16xf32>
      %parallel_loop3A_934 = arith.addf %parallel_loop3A_931, %parallel_loop3A_914 : vector<16xf32>
      %parallel_loop3A_935 = arith.mulf %parallel_loop3A_914, %parallel_loop3A_914 : vector<16xf32>
      %parallel_loop3A_936 = arith.addf %parallel_loop3A_933, %parallel_loop3A_935 : vector<16xf32>
      %parallel_loop3A_937 = arith.mulf %parallel_loop3A_934, %parallel_loop3A_934 : vector<16xf32>
      %parallel_loop3A_938 = arith.subf %parallel_loop3A_937, %parallel_loop3A_936 : vector<16xf32>
      %parallel_loop3A_939 = arith.addf %parallel_loop3A_745, %parallel_loop3A_938 : vector<16xf32>
      %parallel_loop3A_940 = arith.constant 2 : i32
      %parallel_loop3A_941 = vector.broadcast %parallel_loop3A_940 : i32 to vector<16xi32>
      %parallel_loop3A_942 = arith.addi %parallel_loop3A_38, %parallel_loop3A_941 : vector<16xi32>
      tpu.vector_store_idx %arg7[%parallel_loop3A_942], %parallel_loop3A_773 : memref<16384xf32, #tpu.memory_space<vmem>>[vector<16xi32>], vector<16xf32>,
      %parallel_loop3A_943 = arith.constant 6 : i32
      %parallel_loop3A_944 = vector.broadcast %parallel_loop3A_943 : i32 to vector<16xi32>
      %parallel_loop3A_945 = arith.addi %parallel_loop3A_38, %parallel_loop3A_944 : vector<16xi32>
      tpu.vector_store_idx %arg7[%parallel_loop3A_945], %parallel_loop3A_777 : memref<16384xf32, #tpu.memory_space<vmem>>[vector<16xi32>], vector<16xf32>,
      %parallel_loop3A_946 = arith.constant 10 : i32
      %parallel_loop3A_947 = vector.broadcast %parallel_loop3A_946 : i32 to vector<16xi32>
      %parallel_loop3A_948 = arith.addi %parallel_loop3A_38, %parallel_loop3A_947 : vector<16xi32>
      tpu.vector_store_idx %arg7[%parallel_loop3A_948], %parallel_loop3A_781 : memref<16384xf32, #tpu.memory_space<vmem>>[vector<16xi32>], vector<16xf32>,
      %parallel_loop3A_949 = arith.constant 14 : i32
      %parallel_loop3A_950 = vector.broadcast %parallel_loop3A_949 : i32 to vector<16xi32>
      %parallel_loop3A_951 = arith.addi %parallel_loop3A_38, %parallel_loop3A_950 : vector<16xi32>
      tpu.vector_store_idx %arg7[%parallel_loop3A_951], %parallel_loop3A_785 : memref<16384xf32, #tpu.memory_space<vmem>>[vector<16xi32>], vector<16xf32>,
      %parallel_loop3A_952 = arith.constant 18 : i32
      %parallel_loop3A_953 = vector.broadcast %parallel_loop3A_952 : i32 to vector<16xi32>
      %parallel_loop3A_954 = arith.addi %parallel_loop3A_38, %parallel_loop3A_953 : vector<16xi32>
      tpu.vector_store_idx %arg7[%parallel_loop3A_954], %parallel_loop3A_789 : memref<16384xf32, #tpu.memory_space<vmem>>[vector<16xi32>], vector<16xf32>,
      %parallel_loop3A_955 = arith.constant 22 : i32
      %parallel_loop3A_956 = vector.broadcast %parallel_loop3A_955 : i32 to vector<16xi32>
      %parallel_loop3A_957 = arith.addi %parallel_loop3A_38, %parallel_loop3A_956 : vector<16xi32>
      tpu.vector_store_idx %arg7[%parallel_loop3A_957], %parallel_loop3A_793 : memref<16384xf32, #tpu.memory_space<vmem>>[vector<16xi32>], vector<16xf32>,
      %parallel_loop3A_958 = arith.constant 26 : i32
      %parallel_loop3A_959 = vector.broadcast %parallel_loop3A_958 : i32 to vector<16xi32>
      %parallel_loop3A_960 = arith.addi %parallel_loop3A_38, %parallel_loop3A_959 : vector<16xi32>
      tpu.vector_store_idx %arg7[%parallel_loop3A_960], %parallel_loop3A_892 : memref<16384xf32, #tpu.memory_space<vmem>>[vector<16xi32>], vector<16xf32>,
      %parallel_loop3A_961 = arith.constant 30 : i32
      %parallel_loop3A_962 = vector.broadcast %parallel_loop3A_961 : i32 to vector<16xi32>
      %parallel_loop3A_963 = arith.addi %parallel_loop3A_38, %parallel_loop3A_962 : vector<16xi32>
      tpu.vector_store_idx %arg7[%parallel_loop3A_963], %parallel_loop3A_914 : memref<16384xf32, #tpu.memory_space<vmem>>[vector<16xi32>], vector<16xf32>,
      %parallel_loop3A_964 = arith.constant 3 : i32
      %parallel_loop3A_965 = vector.broadcast %parallel_loop3A_964 : i32 to vector<16xi32>
      %parallel_loop3A_966 = arith.addi %parallel_loop3A_109, %parallel_loop3A_965 : vector<16xi32>
      %parallel_loop3A_967 = tpu.vector_load_idx %arg6[%parallel_loop3A_966] : memref<13392xf32, #tpu.memory_space<vmem>>[vector<16xi32>], vector<16xf32>,
      %parallel_loop3A_968 = arith.constant 3 : i32
      %parallel_loop3A_969 = vector.broadcast %parallel_loop3A_968 : i32 to vector<16xi32>
      %parallel_loop3A_970 = arith.addi %parallel_loop3A_115, %parallel_loop3A_969 : vector<16xi32>
      %parallel_loop3A_971 = tpu.vector_load_idx %arg6[%parallel_loop3A_970] : memref<13392xf32, #tpu.memory_space<vmem>>[vector<16xi32>], vector<16xf32>,
      %parallel_loop3A_972 = arith.constant 3 : i32
      %parallel_loop3A_973 = vector.broadcast %parallel_loop3A_972 : i32 to vector<16xi32>
      %parallel_loop3A_974 = arith.addi %parallel_loop3A_121, %parallel_loop3A_973 : vector<16xi32>
      %parallel_loop3A_975 = tpu.vector_load_idx %arg6[%parallel_loop3A_974] : memref<13392xf32, #tpu.memory_space<vmem>>[vector<16xi32>], vector<16xf32>,
      %parallel_loop3A_976 = arith.constant 3 : i32
      %parallel_loop3A_977 = vector.broadcast %parallel_loop3A_976 : i32 to vector<16xi32>
      %parallel_loop3A_978 = arith.addi %parallel_loop3A_127, %parallel_loop3A_977 : vector<16xi32>
      %parallel_loop3A_979 = tpu.vector_load_idx %arg6[%parallel_loop3A_978] : memref<13392xf32, #tpu.memory_space<vmem>>[vector<16xi32>], vector<16xf32>,
      %parallel_loop3A_980 = arith.constant 3 : i32
      %parallel_loop3A_981 = vector.broadcast %parallel_loop3A_980 : i32 to vector<16xi32>
      %parallel_loop3A_982 = arith.addi %parallel_loop3A_133, %parallel_loop3A_981 : vector<16xi32>
      %parallel_loop3A_983 = tpu.vector_load_idx %arg6[%parallel_loop3A_982] : memref<13392xf32, #tpu.memory_space<vmem>>[vector<16xi32>], vector<16xf32>,
      %parallel_loop3A_984 = arith.constant 3 : i32
      %parallel_loop3A_985 = vector.broadcast %parallel_loop3A_984 : i32 to vector<16xi32>
      %parallel_loop3A_986 = arith.addi %parallel_loop3A_139, %parallel_loop3A_985 : vector<16xi32>
      %parallel_loop3A_987 = tpu.vector_load_idx %arg6[%parallel_loop3A_986] : memref<13392xf32, #tpu.memory_space<vmem>>[vector<16xi32>], vector<16xf32>,
      %parallel_loop3A_988 = arith.constant 3 : i32
      %parallel_loop3A_989 = vector.broadcast %parallel_loop3A_988 : i32 to vector<16xi32>
      %parallel_loop3A_990 = arith.addi %parallel_loop3A_149, %parallel_loop3A_989 : vector<16xi32>
      %parallel_loop3A_991 = tpu.vector_load_idx %arg6[%parallel_loop3A_990] : memref<13392xf32, #tpu.memory_space<vmem>>[vector<16xi32>], vector<16xf32>,
      %parallel_loop3A_992 = arith.constant 3 : i32
      %parallel_loop3A_993 = vector.broadcast %parallel_loop3A_992 : i32 to vector<16xi32>
      %parallel_loop3A_994 = arith.addi %parallel_loop3A_159, %parallel_loop3A_993 : vector<16xi32>
      %parallel_loop3A_995 = tpu.vector_load_idx %arg6[%parallel_loop3A_994] : memref<13392xf32, #tpu.memory_space<vmem>>[vector<16xi32>], vector<16xf32>,
      %parallel_loop3A_996 = arith.addf %parallel_loop3A_991, %parallel_loop3A_995 : vector<16xf32>
      %parallel_loop3A_997 = arith.constant 3 : i32
      %parallel_loop3A_998 = vector.broadcast %parallel_loop3A_997 : i32 to vector<16xi32>
      %parallel_loop3A_999 = arith.addi %parallel_loop3A_169, %parallel_loop3A_998 : vector<16xi32>
      %parallel_loop3A_1000 = tpu.vector_load_idx %arg6[%parallel_loop3A_999] : memref<13392xf32, #tpu.memory_space<vmem>>[vector<16xi32>], vector<16xf32>,
      %parallel_loop3A_1001 = arith.addf %parallel_loop3A_996, %parallel_loop3A_1000 : vector<16xf32>
      %parallel_loop3A_1002 = arith.constant 3 : i32
      %parallel_loop3A_1003 = vector.broadcast %parallel_loop3A_1002 : i32 to vector<16xi32>
      %parallel_loop3A_1004 = arith.addi %parallel_loop3A_179, %parallel_loop3A_1003 : vector<16xi32>
      %parallel_loop3A_1005 = tpu.vector_load_idx %arg6[%parallel_loop3A_1004] : memref<13392xf32, #tpu.memory_space<vmem>>[vector<16xi32>], vector<16xf32>,
      %parallel_loop3A_1006 = arith.addf %parallel_loop3A_1001, %parallel_loop3A_1005 : vector<16xf32>
      %parallel_loop3A_1007 = arith.constant 3 : i32
      %parallel_loop3A_1008 = vector.broadcast %parallel_loop3A_1007 : i32 to vector<16xi32>
      %parallel_loop3A_1009 = arith.addi %parallel_loop3A_189, %parallel_loop3A_1008 : vector<16xi32>
      %parallel_loop3A_1010 = tpu.vector_load_idx %arg6[%parallel_loop3A_1009] : memref<13392xf32, #tpu.memory_space<vmem>>[vector<16xi32>], vector<16xf32>,
      %parallel_loop3A_1011 = arith.addf %parallel_loop3A_1006, %parallel_loop3A_1010 : vector<16xf32>
      %parallel_loop3A_1012 = arith.constant 3 : i32
      %parallel_loop3A_1013 = vector.broadcast %parallel_loop3A_1012 : i32 to vector<16xi32>
      %parallel_loop3A_1014 = arith.addi %parallel_loop3A_199, %parallel_loop3A_1013 : vector<16xi32>
      %parallel_loop3A_1015 = tpu.vector_load_idx %arg6[%parallel_loop3A_1014] : memref<13392xf32, #tpu.memory_space<vmem>>[vector<16xi32>], vector<16xf32>,
      %parallel_loop3A_1016 = arith.addf %parallel_loop3A_1011, %parallel_loop3A_1015 : vector<16xf32>
      %parallel_loop3A_1017 = arith.constant 3 : i32
      %parallel_loop3A_1018 = vector.broadcast %parallel_loop3A_1017 : i32 to vector<16xi32>
      %parallel_loop3A_1019 = arith.addi %parallel_loop3A_209, %parallel_loop3A_1018 : vector<16xi32>
      %parallel_loop3A_1020 = tpu.vector_load_idx %arg6[%parallel_loop3A_1019] : memref<13392xf32, #tpu.memory_space<vmem>>[vector<16xi32>], vector<16xf32>,
      %parallel_loop3A_1021 = arith.addf %parallel_loop3A_1016, %parallel_loop3A_1020 : vector<16xf32>
      %parallel_loop3A_1022 = arith.constant 3 : i32
      %parallel_loop3A_1023 = vector.broadcast %parallel_loop3A_1022 : i32 to vector<16xi32>
      %parallel_loop3A_1024 = arith.addi %parallel_loop3A_219, %parallel_loop3A_1023 : vector<16xi32>
      %parallel_loop3A_1025 = tpu.vector_load_idx %arg6[%parallel_loop3A_1024] : memref<13392xf32, #tpu.memory_space<vmem>>[vector<16xi32>], vector<16xf32>,
      %parallel_loop3A_1026 = arith.addf %parallel_loop3A_1021, %parallel_loop3A_1025 : vector<16xf32>
      %parallel_loop3A_1027 = arith.constant 3 : i32
      %parallel_loop3A_1028 = vector.broadcast %parallel_loop3A_1027 : i32 to vector<16xi32>
      %parallel_loop3A_1029 = arith.addi %parallel_loop3A_229, %parallel_loop3A_1028 : vector<16xi32>
      %parallel_loop3A_1030 = tpu.vector_load_idx %arg6[%parallel_loop3A_1029] : memref<13392xf32, #tpu.memory_space<vmem>>[vector<16xi32>], vector<16xf32>,
      %parallel_loop3A_1031 = arith.addf %parallel_loop3A_1026, %parallel_loop3A_1030 : vector<16xf32>
      %parallel_loop3A_1032 = arith.constant 3 : i32
      %parallel_loop3A_1033 = vector.broadcast %parallel_loop3A_1032 : i32 to vector<16xi32>
      %parallel_loop3A_1034 = arith.addi %parallel_loop3A_239, %parallel_loop3A_1033 : vector<16xi32>
      %parallel_loop3A_1035 = tpu.vector_load_idx %arg6[%parallel_loop3A_1034] : memref<13392xf32, #tpu.memory_space<vmem>>[vector<16xi32>], vector<16xf32>,
      %parallel_loop3A_1036 = arith.addf %parallel_loop3A_1031, %parallel_loop3A_1035 : vector<16xf32>
      %parallel_loop3A_1037 = arith.constant 3 : i32
      %parallel_loop3A_1038 = vector.broadcast %parallel_loop3A_1037 : i32 to vector<16xi32>
      %parallel_loop3A_1039 = arith.addi %parallel_loop3A_249, %parallel_loop3A_1038 : vector<16xi32>
      %parallel_loop3A_1040 = tpu.vector_load_idx %arg6[%parallel_loop3A_1039] : memref<13392xf32, #tpu.memory_space<vmem>>[vector<16xi32>], vector<16xf32>,
      %parallel_loop3A_1041 = arith.addf %parallel_loop3A_1036, %parallel_loop3A_1040 : vector<16xf32>
      %parallel_loop3A_1042 = arith.constant 3 : i32
      %parallel_loop3A_1043 = vector.broadcast %parallel_loop3A_1042 : i32 to vector<16xi32>
      %parallel_loop3A_1044 = arith.addi %parallel_loop3A_259, %parallel_loop3A_1043 : vector<16xi32>
      %parallel_loop3A_1045 = tpu.vector_load_idx %arg6[%parallel_loop3A_1044] : memref<13392xf32, #tpu.memory_space<vmem>>[vector<16xi32>], vector<16xf32>,
      %parallel_loop3A_1046 = arith.addf %parallel_loop3A_1041, %parallel_loop3A_1045 : vector<16xf32>
      %parallel_loop3A_1047 = arith.constant 3 : i32
      %parallel_loop3A_1048 = vector.broadcast %parallel_loop3A_1047 : i32 to vector<16xi32>
      %parallel_loop3A_1049 = arith.addi %parallel_loop3A_269, %parallel_loop3A_1048 : vector<16xi32>
      %parallel_loop3A_1050 = tpu.vector_load_idx %arg6[%parallel_loop3A_1049] : memref<13392xf32, #tpu.memory_space<vmem>>[vector<16xi32>], vector<16xf32>,
      %parallel_loop3A_1051 = arith.addf %parallel_loop3A_1046, %parallel_loop3A_1050 : vector<16xf32>
      %parallel_loop3A_1052 = arith.constant 3 : i32
      %parallel_loop3A_1053 = vector.broadcast %parallel_loop3A_1052 : i32 to vector<16xi32>
      %parallel_loop3A_1054 = arith.addi %parallel_loop3A_279, %parallel_loop3A_1053 : vector<16xi32>
      %parallel_loop3A_1055 = tpu.vector_load_idx %arg6[%parallel_loop3A_1054] : memref<13392xf32, #tpu.memory_space<vmem>>[vector<16xi32>], vector<16xf32>,
      %parallel_loop3A_1056 = arith.addf %parallel_loop3A_1051, %parallel_loop3A_1055 : vector<16xf32>
      %parallel_loop3A_1057 = arith.constant 3 : i32
      %parallel_loop3A_1058 = vector.broadcast %parallel_loop3A_1057 : i32 to vector<16xi32>
      %parallel_loop3A_1059 = arith.addi %parallel_loop3A_289, %parallel_loop3A_1058 : vector<16xi32>
      %parallel_loop3A_1060 = tpu.vector_load_idx %arg6[%parallel_loop3A_1059] : memref<13392xf32, #tpu.memory_space<vmem>>[vector<16xi32>], vector<16xf32>,
      %parallel_loop3A_1061 = arith.addf %parallel_loop3A_1056, %parallel_loop3A_1060 : vector<16xf32>
      %parallel_loop3A_1062 = arith.constant 3 : i32
      %parallel_loop3A_1063 = vector.broadcast %parallel_loop3A_1062 : i32 to vector<16xi32>
      %parallel_loop3A_1064 = arith.addi %parallel_loop3A_299, %parallel_loop3A_1063 : vector<16xi32>
      %parallel_loop3A_1065 = tpu.vector_load_idx %arg6[%parallel_loop3A_1064] : memref<13392xf32, #tpu.memory_space<vmem>>[vector<16xi32>], vector<16xf32>,
      %parallel_loop3A_1066 = arith.addf %parallel_loop3A_1061, %parallel_loop3A_1065 : vector<16xf32>
      %parallel_loop3A_1067 = arith.constant 3 : i32
      %parallel_loop3A_1068 = vector.broadcast %parallel_loop3A_1067 : i32 to vector<16xi32>
      %parallel_loop3A_1069 = arith.addi %parallel_loop3A_309, %parallel_loop3A_1068 : vector<16xi32>
      %parallel_loop3A_1070 = tpu.vector_load_idx %arg6[%parallel_loop3A_1069] : memref<13392xf32, #tpu.memory_space<vmem>>[vector<16xi32>], vector<16xf32>,
      %parallel_loop3A_1071 = arith.addf %parallel_loop3A_1066, %parallel_loop3A_1070 : vector<16xf32>
      %parallel_loop3A_1072 = arith.constant 3 : i32
      %parallel_loop3A_1073 = vector.broadcast %parallel_loop3A_1072 : i32 to vector<16xi32>
      %parallel_loop3A_1074 = arith.addi %parallel_loop3A_319, %parallel_loop3A_1073 : vector<16xi32>
      %parallel_loop3A_1075 = tpu.vector_load_idx %arg6[%parallel_loop3A_1074] : memref<13392xf32, #tpu.memory_space<vmem>>[vector<16xi32>], vector<16xf32>,
      %parallel_loop3A_1076 = arith.addf %parallel_loop3A_1071, %parallel_loop3A_1075 : vector<16xf32>
      %parallel_loop3A_1077 = arith.constant 3 : i32
      %parallel_loop3A_1078 = vector.broadcast %parallel_loop3A_1077 : i32 to vector<16xi32>
      %parallel_loop3A_1079 = arith.addi %parallel_loop3A_329, %parallel_loop3A_1078 : vector<16xi32>
      %parallel_loop3A_1080 = tpu.vector_load_idx %arg6[%parallel_loop3A_1079] : memref<13392xf32, #tpu.memory_space<vmem>>[vector<16xi32>], vector<16xf32>,
      %parallel_loop3A_1081 = arith.addf %parallel_loop3A_1076, %parallel_loop3A_1080 : vector<16xf32>
      %parallel_loop3A_1082 = arith.constant 3 : i32
      %parallel_loop3A_1083 = vector.broadcast %parallel_loop3A_1082 : i32 to vector<16xi32>
      %parallel_loop3A_1084 = arith.addi %parallel_loop3A_339, %parallel_loop3A_1083 : vector<16xi32>
      %parallel_loop3A_1085 = tpu.vector_load_idx %arg6[%parallel_loop3A_1084] : memref<13392xf32, #tpu.memory_space<vmem>>[vector<16xi32>], vector<16xf32>,
      %parallel_loop3A_1086 = arith.addf %parallel_loop3A_1081, %parallel_loop3A_1085 : vector<16xf32>
      %parallel_loop3A_1087 = arith.constant 3 : i32
      %parallel_loop3A_1088 = vector.broadcast %parallel_loop3A_1087 : i32 to vector<16xi32>
      %parallel_loop3A_1089 = arith.addi %parallel_loop3A_349, %parallel_loop3A_1088 : vector<16xi32>
      %parallel_loop3A_1090 = tpu.vector_load_idx %arg6[%parallel_loop3A_1089] : memref<13392xf32, #tpu.memory_space<vmem>>[vector<16xi32>], vector<16xf32>,
      %parallel_loop3A_1091 = arith.constant 3 : i32
      %parallel_loop3A_1092 = vector.broadcast %parallel_loop3A_1091 : i32 to vector<16xi32>
      %parallel_loop3A_1093 = arith.addi %parallel_loop3A_359, %parallel_loop3A_1092 : vector<16xi32>
      %parallel_loop3A_1094 = tpu.vector_load_idx %arg6[%parallel_loop3A_1093] : memref<13392xf32, #tpu.memory_space<vmem>>[vector<16xi32>], vector<16xf32>,
      %parallel_loop3A_1095 = arith.addf %parallel_loop3A_1090, %parallel_loop3A_1094 : vector<16xf32>
      %parallel_loop3A_1096 = arith.constant 3 : i32
      %parallel_loop3A_1097 = vector.broadcast %parallel_loop3A_1096 : i32 to vector<16xi32>
      %parallel_loop3A_1098 = arith.addi %parallel_loop3A_369, %parallel_loop3A_1097 : vector<16xi32>
      %parallel_loop3A_1099 = tpu.vector_load_idx %arg6[%parallel_loop3A_1098] : memref<13392xf32, #tpu.memory_space<vmem>>[vector<16xi32>], vector<16xf32>,
      %parallel_loop3A_1100 = arith.addf %parallel_loop3A_1095, %parallel_loop3A_1099 : vector<16xf32>
      %parallel_loop3A_1101 = arith.constant 3 : i32
      %parallel_loop3A_1102 = vector.broadcast %parallel_loop3A_1101 : i32 to vector<16xi32>
      %parallel_loop3A_1103 = arith.addi %parallel_loop3A_379, %parallel_loop3A_1102 : vector<16xi32>
      %parallel_loop3A_1104 = tpu.vector_load_idx %arg6[%parallel_loop3A_1103] : memref<13392xf32, #tpu.memory_space<vmem>>[vector<16xi32>], vector<16xf32>,
      %parallel_loop3A_1105 = arith.addf %parallel_loop3A_1100, %parallel_loop3A_1104 : vector<16xf32>
      %parallel_loop3A_1106 = arith.constant 2.500000e-01 : f32
      %parallel_loop3A_1107 = vector.broadcast %parallel_loop3A_1106 : f32 to vector<16xf32>
      %parallel_loop3A_1108 = arith.mulf %parallel_loop3A_1105, %parallel_loop3A_1107 : vector<16xf32>
      %parallel_loop3A_1109 = arith.mulf %parallel_loop3A_967, %parallel_loop3A_967 : vector<16xf32>
      %parallel_loop3A_1110 = arith.addf %parallel_loop3A_967, %parallel_loop3A_971 : vector<16xf32>
      %parallel_loop3A_1111 = arith.mulf %parallel_loop3A_971, %parallel_loop3A_971 : vector<16xf32>
      %parallel_loop3A_1112 = arith.addf %parallel_loop3A_1109, %parallel_loop3A_1111 : vector<16xf32>
      %parallel_loop3A_1113 = arith.addf %parallel_loop3A_1110, %parallel_loop3A_975 : vector<16xf32>
      %parallel_loop3A_1114 = arith.mulf %parallel_loop3A_975, %parallel_loop3A_975 : vector<16xf32>
      %parallel_loop3A_1115 = arith.addf %parallel_loop3A_1112, %parallel_loop3A_1114 : vector<16xf32>
      %parallel_loop3A_1116 = arith.addf %parallel_loop3A_1113, %parallel_loop3A_979 : vector<16xf32>
      %parallel_loop3A_1117 = arith.mulf %parallel_loop3A_979, %parallel_loop3A_979 : vector<16xf32>
      %parallel_loop3A_1118 = arith.addf %parallel_loop3A_1115, %parallel_loop3A_1117 : vector<16xf32>
      %parallel_loop3A_1119 = arith.addf %parallel_loop3A_1116, %parallel_loop3A_983 : vector<16xf32>
      %parallel_loop3A_1120 = arith.mulf %parallel_loop3A_983, %parallel_loop3A_983 : vector<16xf32>
      %parallel_loop3A_1121 = arith.addf %parallel_loop3A_1118, %parallel_loop3A_1120 : vector<16xf32>
      %parallel_loop3A_1122 = arith.addf %parallel_loop3A_1119, %parallel_loop3A_987 : vector<16xf32>
      %parallel_loop3A_1123 = arith.mulf %parallel_loop3A_987, %parallel_loop3A_987 : vector<16xf32>
      %parallel_loop3A_1124 = arith.addf %parallel_loop3A_1121, %parallel_loop3A_1123 : vector<16xf32>
      %parallel_loop3A_1125 = arith.addf %parallel_loop3A_1122, %parallel_loop3A_1086 : vector<16xf32>
      %parallel_loop3A_1126 = arith.mulf %parallel_loop3A_1086, %parallel_loop3A_1086 : vector<16xf32>
      %parallel_loop3A_1127 = arith.addf %parallel_loop3A_1124, %parallel_loop3A_1126 : vector<16xf32>
      %parallel_loop3A_1128 = arith.addf %parallel_loop3A_1125, %parallel_loop3A_1108 : vector<16xf32>
      %parallel_loop3A_1129 = arith.mulf %parallel_loop3A_1108, %parallel_loop3A_1108 : vector<16xf32>
      %parallel_loop3A_1130 = arith.addf %parallel_loop3A_1127, %parallel_loop3A_1129 : vector<16xf32>
      %parallel_loop3A_1131 = arith.mulf %parallel_loop3A_1128, %parallel_loop3A_1128 : vector<16xf32>
      %parallel_loop3A_1132 = arith.subf %parallel_loop3A_1131, %parallel_loop3A_1130 : vector<16xf32>
      %parallel_loop3A_1133 = arith.addf %parallel_loop3A_939, %parallel_loop3A_1132 : vector<16xf32>
      %parallel_loop3A_1134 = arith.constant 3 : i32
      %parallel_loop3A_1135 = vector.broadcast %parallel_loop3A_1134 : i32 to vector<16xi32>
      %parallel_loop3A_1136 = arith.addi %parallel_loop3A_38, %parallel_loop3A_1135 : vector<16xi32>
      tpu.vector_store_idx %arg7[%parallel_loop3A_1136], %parallel_loop3A_967 : memref<16384xf32, #tpu.memory_space<vmem>>[vector<16xi32>], vector<16xf32>,
      %parallel_loop3A_1137 = arith.constant 7 : i32
      %parallel_loop3A_1138 = vector.broadcast %parallel_loop3A_1137 : i32 to vector<16xi32>
      %parallel_loop3A_1139 = arith.addi %parallel_loop3A_38, %parallel_loop3A_1138 : vector<16xi32>
      tpu.vector_store_idx %arg7[%parallel_loop3A_1139], %parallel_loop3A_971 : memref<16384xf32, #tpu.memory_space<vmem>>[vector<16xi32>], vector<16xf32>,
      %parallel_loop3A_1140 = arith.constant 11 : i32
      %parallel_loop3A_1141 = vector.broadcast %parallel_loop3A_1140 : i32 to vector<16xi32>
      %parallel_loop3A_1142 = arith.addi %parallel_loop3A_38, %parallel_loop3A_1141 : vector<16xi32>
      tpu.vector_store_idx %arg7[%parallel_loop3A_1142], %parallel_loop3A_975 : memref<16384xf32, #tpu.memory_space<vmem>>[vector<16xi32>], vector<16xf32>,
      %parallel_loop3A_1143 = arith.constant 15 : i32
      %parallel_loop3A_1144 = vector.broadcast %parallel_loop3A_1143 : i32 to vector<16xi32>
      %parallel_loop3A_1145 = arith.addi %parallel_loop3A_38, %parallel_loop3A_1144 : vector<16xi32>
      tpu.vector_store_idx %arg7[%parallel_loop3A_1145], %parallel_loop3A_979 : memref<16384xf32, #tpu.memory_space<vmem>>[vector<16xi32>], vector<16xf32>,
      %parallel_loop3A_1146 = arith.constant 19 : i32
      %parallel_loop3A_1147 = vector.broadcast %parallel_loop3A_1146 : i32 to vector<16xi32>
      %parallel_loop3A_1148 = arith.addi %parallel_loop3A_38, %parallel_loop3A_1147 : vector<16xi32>
      tpu.vector_store_idx %arg7[%parallel_loop3A_1148], %parallel_loop3A_983 : memref<16384xf32, #tpu.memory_space<vmem>>[vector<16xi32>], vector<16xf32>,
      %parallel_loop3A_1149 = arith.constant 23 : i32
      %parallel_loop3A_1150 = vector.broadcast %parallel_loop3A_1149 : i32 to vector<16xi32>
      %parallel_loop3A_1151 = arith.addi %parallel_loop3A_38, %parallel_loop3A_1150 : vector<16xi32>
      tpu.vector_store_idx %arg7[%parallel_loop3A_1151], %parallel_loop3A_987 : memref<16384xf32, #tpu.memory_space<vmem>>[vector<16xi32>], vector<16xf32>,
      %parallel_loop3A_1152 = arith.constant 27 : i32
      %parallel_loop3A_1153 = vector.broadcast %parallel_loop3A_1152 : i32 to vector<16xi32>
      %parallel_loop3A_1154 = arith.addi %parallel_loop3A_38, %parallel_loop3A_1153 : vector<16xi32>
      tpu.vector_store_idx %arg7[%parallel_loop3A_1154], %parallel_loop3A_1086 : memref<16384xf32, #tpu.memory_space<vmem>>[vector<16xi32>], vector<16xf32>,
      %parallel_loop3A_1155 = arith.constant 31 : i32
      %parallel_loop3A_1156 = vector.broadcast %parallel_loop3A_1155 : i32 to vector<16xi32>
      %parallel_loop3A_1157 = arith.addi %parallel_loop3A_38, %parallel_loop3A_1156 : vector<16xi32>
      tpu.vector_store_idx %arg7[%parallel_loop3A_1157], %parallel_loop3A_1108 : memref<16384xf32, #tpu.memory_space<vmem>>[vector<16xi32>], vector<16xf32>,
      %parallel_loop3A_1158 = arith.constant 5.000000e-01 : f32
      %parallel_loop3A_1159 = vector.broadcast %parallel_loop3A_1158 : f32 to vector<16xf32>
      %parallel_loop3A_1160 = arith.mulf %parallel_loop3A_1133, %parallel_loop3A_1159 : vector<16xf32>
      %parallel_loop3A_1161 = arith.constant 33 : i32
      %parallel_loop3A_1162 = vector.broadcast %parallel_loop3A_1161 : i32 to vector<16xi32>
      %parallel_loop3A_1163 = arith.addi %parallel_loop3A_38, %parallel_loop3A_1162 : vector<16xi32>
      tpu.vector_store_idx %arg7[%parallel_loop3A_1163], %parallel_loop3A_1160 : memref<16384xf32, #tpu.memory_space<vmem>>[vector<16xi32>], vector<16xf32>,
    } {sc.loop_unroll_factor = 2 : i64, sc.parallel_access}
    %mul3A_29 = arith.constant 128 : i32
    %mul3A_30 = arith.muli %mul3A_2, %mul3A_29 : i32
    "tpu.region"() ({
      %run_scoped3A = tpu.sem_alloc : memref<!tpu.dma_semaphore, #tpu.memory_space<semaphore_mem>>
      %dma_start3A_31 = tpu.memref_slice %arg4[%mul3A_30] : memref<524288xf32, #tpu.memory_space<hbm>> -> memref<16384xf32, #tpu.memory_space<hbm>>
      %dma_start3A_32 = tpu.memref_slice %arg4[%mul3A_30] : memref<524288xf32, #tpu.memory_space<hbm>> -> memref<16384xf32, #tpu.memory_space<hbm>>
      tpu.enqueue_dma source(%arg7 : memref<16384xf32, #tpu.memory_space<vmem>>) target(%dma_start3A_32 : memref<16384xf32, #tpu.memory_space<hbm>>) target_semaphore(%run_scoped3A : memref<!tpu.dma_semaphore, #tpu.memory_space<semaphore_mem>>)
      %dma_wait3A_33 = tpu.memref_slice %arg4[%mul3A_30] : memref<524288xf32, #tpu.memory_space<hbm>> -> memref<16384xf32, #tpu.memory_space<hbm>>
      %dma_wait3A_34 = tpu.memref_slice %arg4[%mul3A_30] : memref<524288xf32, #tpu.memory_space<hbm>> -> memref<16384xf32, #tpu.memory_space<hbm>>
      tpu.wait_dma2 semaphore(%run_scoped3A : memref<!tpu.dma_semaphore, #tpu.memory_space<semaphore_mem>>) src(%arg7 : memref<16384xf32, #tpu.memory_space<vmem>>) dst(%dma_wait3A_34 : memref<16384xf32, #tpu.memory_space<hbm>>)
      tpu.yield
    }) : () -> ()
    return
  }
}

module attributes {stable_mosaic.version = 14 : i64} {
  func.func @_tc_body(%arg0: memref<524288xf32, #tpu.memory_space<vmem>>, %arg1: memref<32x256xf32, #tpu.memory_space<vmem>>, %arg2: memref<256xf32, #tpu.memory_space<vmem>>, %arg3: memref<256xf32, #tpu.memory_space<vmem>>, %arg4: memref<256xf32, #tpu.memory_space<vmem>>, %arg5: memref<256x128xf32, #tpu.memory_space<vmem>>, %arg6: memref<128xf32, #tpu.memory_space<vmem>>, %arg7: memref<128xf32, #tpu.memory_space<vmem>>, %arg8: memref<128xf32, #tpu.memory_space<vmem>>, %arg9: memref<32x128xf32, #tpu.memory_space<vmem>>, %arg10: memref<32xf32, #tpu.memory_space<vmem>>, %arg11: memref<32xf32, #tpu.memory_space<vmem>>, %arg12: memref<32xf32, #tpu.memory_space<vmem>>, %arg13: memref<5x34xf32, #tpu.memory_space<vmem>>, %arg14: memref<5xf32, #tpu.memory_space<vmem>>, %arg15: memref<5x4096xf32, #tpu.memory_space<vmem>>) attributes {dimension_semantics = [], scalar_prefetch = 0 : i64, scratch_operands = 0 : i64, tpu.core_type = #tpu.core_type<tc>} {
    %broadcast_in_dim3A = arith.constant 2.44140625E-4 : f32
    %broadcast_in_dim3A_0 = vector.broadcast %broadcast_in_dim3A : f32 to vector<1x4096xf32>
    %get3A = arith.constant 0 : index
    %get3A_1 = vector.load %arg0[%get3A] : memref<524288xf32, #tpu.memory_space<vmem>>, vector<524288xf32>
    %reshape3A = vector.shape_cast %get3A_1 : vector<524288xf32> to vector<4096x128xf32>
    %iota3A = tpu.iota {dimensions = array<i32: 1>} : vector<4096x128xi32>
    %lt3A = arith.constant 34 : i32
    %lt3A_2 = vector.broadcast %lt3A : i32 to vector<4096x128xi32>
    %lt3A_3 = arith.cmpi slt, %iota3A, %lt3A_2 : vector<4096x128xi32>
    %jit3A = arith.constant 0.000000e+00 : f32
    %broadcast_in_dim3A_4 = vector.broadcast %jit3A : f32 to vector<4096x128xf32>
    %select_n3A = arith.select %lt3A_3, %reshape3A, %broadcast_in_dim3A_4 : vector<4096x128xi1>, vector<4096x128xf32>
    %get3A_5 = arith.constant 0 : index
    %get3A_6 = arith.constant 0 : index
    %get3A_7 = vector.load %arg1[%get3A_5, %get3A_6] : memref<32x256xf32, #tpu.memory_space<vmem>>, vector<32x256xf32>
    %broadcast_in_dim3A_8 = arith.constant 0.000000e+00 : f32
    %broadcast_in_dim3A_9 = vector.broadcast %broadcast_in_dim3A_8 : f32 to vector<96x256xf32>
    %concatenate3A = tpu.concatenate %get3A_7, %broadcast_in_dim3A_9 in 0 : vector<32x256xf32>, vector<96x256xf32> -> vector<128x256xf32>
    %dot_general3A = arith.constant dense<0.000000e+00> : vector<4096x256xf32>
    %dot_general3A_10 = tpu.matmul %select_n3A, %concatenate3A, %dot_general3A {dimension_numbers = #tpu.dot_dimension_numbers<[1], [0], [0], [1], [0, 0, 1, 1], [], []>, transpose_lhs_hint = false} : vector<4096x128xf32>, vector<128x256xf32>, vector<4096x256xf32> -> vector<4096x256xf32>
    %get3A_11 = arith.constant 0 : index
    %get3A_12 = vector.load %arg2[%get3A_11] : memref<256xf32, #tpu.memory_space<vmem>>, vector<256xf32>
    %get3A_13 = arith.constant 0 : index
    %get3A_14 = vector.load %arg3[%get3A_13] : memref<256xf32, #tpu.memory_space<vmem>>, vector<256xf32>
    %get3A_15 = arith.constant 0 : index
    %get3A_16 = vector.load %arg4[%get3A_15] : memref<256xf32, #tpu.memory_space<vmem>>, vector<256xf32>
    %reshape3A_17 = vector.shape_cast %get3A_12 : vector<256xf32> to vector<1x256xf32>
    %add3A = vector.broadcast %reshape3A_17 : vector<1x256xf32> to vector<4096x256xf32>
    %add3A_18 = arith.addf %dot_general3A_10, %add3A : vector<4096x256xf32>
    %dot_general3A_19 = arith.constant dense<0.000000e+00> : vector<1x256xf32>
    %dot_general3A_20 = tpu.matmul %broadcast_in_dim3A_0, %add3A_18, %dot_general3A_19 {dimension_numbers = #tpu.dot_dimension_numbers<[1], [0], [0], [1], [0, 0, 1, 1], [], []>, transpose_lhs_hint = false} : vector<1x4096xf32>, vector<4096x256xf32>, vector<1x256xf32> -> vector<1x256xf32>
    %mul3A = arith.mulf %add3A_18, %add3A_18 : vector<4096x256xf32>
    %dot_general3A_21 = arith.constant dense<0.000000e+00> : vector<1x256xf32>
    %dot_general3A_22 = tpu.matmul %broadcast_in_dim3A_0, %mul3A, %dot_general3A_21 {dimension_numbers = #tpu.dot_dimension_numbers<[1], [0], [0], [1], [0, 0, 1, 1], [], []>, transpose_lhs_hint = false} : vector<1x4096xf32>, vector<4096x256xf32>, vector<1x256xf32> -> vector<1x256xf32>
    %mul3A_23 = arith.mulf %dot_general3A_20, %dot_general3A_20 : vector<1x256xf32>
    %sub3A = arith.subf %dot_general3A_22, %mul3A_23 : vector<1x256xf32>
    %reshape3A_24 = vector.shape_cast %get3A_14 : vector<256xf32> to vector<1x256xf32>
    %add3A_25 = arith.constant 9.99999974E-6 : f32
    %add3A_26 = vector.broadcast %add3A_25 : f32 to vector<1x256xf32>
    %add3A_27 = arith.addf %sub3A, %add3A_26 : vector<1x256xf32>
    %sqrt3A = math.sqrt %add3A_27 : vector<1x256xf32>
    %div3A = arith.divf %reshape3A_24, %sqrt3A : vector<1x256xf32>
    %reshape3A_28 = vector.shape_cast %get3A_16 : vector<256xf32> to vector<1x256xf32>
    %mul3A_29 = arith.mulf %dot_general3A_20, %div3A : vector<1x256xf32>
    %sub3A_30 = arith.subf %reshape3A_28, %mul3A_29 : vector<1x256xf32>
    %mul3A_31 = vector.broadcast %div3A : vector<1x256xf32> to vector<4096x256xf32>
    %mul3A_32 = arith.mulf %add3A_18, %mul3A_31 : vector<4096x256xf32>
    %add3A_33 = vector.broadcast %sub3A_30 : vector<1x256xf32> to vector<4096x256xf32>
    %add3A_34 = arith.addf %mul3A_32, %add3A_33 : vector<4096x256xf32>
    %max3A = arith.constant 0.000000e+00 : f32
    %max3A_35 = vector.broadcast %max3A : f32 to vector<4096x256xf32>
    %max3A_36 = arith.maximumf %add3A_34, %max3A_35 : vector<4096x256xf32>
    %get3A_37 = arith.constant 0 : index
    %get3A_38 = arith.constant 0 : index
    %get3A_39 = vector.load %arg5[%get3A_37, %get3A_38] : memref<256x128xf32, #tpu.memory_space<vmem>>, vector<256x128xf32>
    %dot_general3A_40 = arith.constant dense<0.000000e+00> : vector<4096x128xf32>
    %dot_general3A_41 = tpu.matmul %max3A_36, %get3A_39, %dot_general3A_40 {dimension_numbers = #tpu.dot_dimension_numbers<[1], [0], [0], [1], [0, 0, 1, 1], [], []>, transpose_lhs_hint = false} : vector<4096x256xf32>, vector<256x128xf32>, vector<4096x128xf32> -> vector<4096x128xf32>
    %get3A_42 = arith.constant 0 : index
    %get3A_43 = vector.load %arg6[%get3A_42] : memref<128xf32, #tpu.memory_space<vmem>>, vector<128xf32>
    %get3A_44 = arith.constant 0 : index
    %get3A_45 = vector.load %arg7[%get3A_44] : memref<128xf32, #tpu.memory_space<vmem>>, vector<128xf32>
    %get3A_46 = arith.constant 0 : index
    %get3A_47 = vector.load %arg8[%get3A_46] : memref<128xf32, #tpu.memory_space<vmem>>, vector<128xf32>
    %reshape3A_48 = vector.shape_cast %get3A_43 : vector<128xf32> to vector<1x128xf32>
    %add3A_49 = vector.broadcast %reshape3A_48 : vector<1x128xf32> to vector<4096x128xf32>
    %add3A_50 = arith.addf %dot_general3A_41, %add3A_49 : vector<4096x128xf32>
    %dot_general3A_51 = arith.constant dense<0.000000e+00> : vector<1x128xf32>
    %dot_general3A_52 = tpu.matmul %broadcast_in_dim3A_0, %add3A_50, %dot_general3A_51 {dimension_numbers = #tpu.dot_dimension_numbers<[1], [0], [0], [1], [0, 0, 1, 1], [], []>, transpose_lhs_hint = false} : vector<1x4096xf32>, vector<4096x128xf32>, vector<1x128xf32> -> vector<1x128xf32>
    %mul3A_53 = arith.mulf %add3A_50, %add3A_50 : vector<4096x128xf32>
    %dot_general3A_54 = arith.constant dense<0.000000e+00> : vector<1x128xf32>
    %dot_general3A_55 = tpu.matmul %broadcast_in_dim3A_0, %mul3A_53, %dot_general3A_54 {dimension_numbers = #tpu.dot_dimension_numbers<[1], [0], [0], [1], [0, 0, 1, 1], [], []>, transpose_lhs_hint = false} : vector<1x4096xf32>, vector<4096x128xf32>, vector<1x128xf32> -> vector<1x128xf32>
    %mul3A_56 = arith.mulf %dot_general3A_52, %dot_general3A_52 : vector<1x128xf32>
    %sub3A_57 = arith.subf %dot_general3A_55, %mul3A_56 : vector<1x128xf32>
    %reshape3A_58 = vector.shape_cast %get3A_45 : vector<128xf32> to vector<1x128xf32>
    %add3A_59 = arith.constant 9.99999974E-6 : f32
    %add3A_60 = vector.broadcast %add3A_59 : f32 to vector<1x128xf32>
    %add3A_61 = arith.addf %sub3A_57, %add3A_60 : vector<1x128xf32>
    %sqrt3A_62 = math.sqrt %add3A_61 : vector<1x128xf32>
    %div3A_63 = arith.divf %reshape3A_58, %sqrt3A_62 : vector<1x128xf32>
    %reshape3A_64 = vector.shape_cast %get3A_47 : vector<128xf32> to vector<1x128xf32>
    %mul3A_65 = arith.mulf %dot_general3A_52, %div3A_63 : vector<1x128xf32>
    %sub3A_66 = arith.subf %reshape3A_64, %mul3A_65 : vector<1x128xf32>
    %mul3A_67 = vector.broadcast %div3A_63 : vector<1x128xf32> to vector<4096x128xf32>
    %mul3A_68 = arith.mulf %add3A_50, %mul3A_67 : vector<4096x128xf32>
    %add3A_69 = vector.broadcast %sub3A_66 : vector<1x128xf32> to vector<4096x128xf32>
    %add3A_70 = arith.addf %mul3A_68, %add3A_69 : vector<4096x128xf32>
    %max3A_71 = arith.constant 0.000000e+00 : f32
    %max3A_72 = vector.broadcast %max3A_71 : f32 to vector<4096x128xf32>
    %max3A_73 = arith.maximumf %add3A_70, %max3A_72 : vector<4096x128xf32>
    %get3A_74 = arith.constant 0 : index
    %get3A_75 = arith.constant 0 : index
    %get3A_76 = vector.load %arg9[%get3A_74, %get3A_75] : memref<32x128xf32, #tpu.memory_space<vmem>>, vector<32x128xf32>
    %dot_general3A_77 = arith.constant dense<0.000000e+00> : vector<4096x32xf32>
    %dot_general3A_78 = tpu.matmul %max3A_73, %get3A_76, %dot_general3A_77 {dimension_numbers = #tpu.dot_dimension_numbers<[1], [1], [0], [0], [0, 0, 1, 0], [], []>, transpose_lhs_hint = false} : vector<4096x128xf32>, vector<32x128xf32>, vector<4096x32xf32> -> vector<4096x32xf32>
    %get3A_79 = arith.constant 0 : index
    %get3A_80 = vector.load %arg10[%get3A_79] : memref<32xf32, #tpu.memory_space<vmem>>, vector<32xf32>
    %get3A_81 = arith.constant 0 : index
    %get3A_82 = vector.load %arg11[%get3A_81] : memref<32xf32, #tpu.memory_space<vmem>>, vector<32xf32>
    %get3A_83 = arith.constant 0 : index
    %get3A_84 = vector.load %arg12[%get3A_83] : memref<32xf32, #tpu.memory_space<vmem>>, vector<32xf32>
    %reshape3A_85 = vector.shape_cast %get3A_80 : vector<32xf32> to vector<1x32xf32>
    %add3A_86 = vector.broadcast %reshape3A_85 : vector<1x32xf32> to vector<4096x32xf32>
    %add3A_87 = arith.addf %dot_general3A_78, %add3A_86 : vector<4096x32xf32>
    %dot_general3A_88 = arith.constant dense<0.000000e+00> : vector<1x32xf32>
    %dot_general3A_89 = tpu.matmul %broadcast_in_dim3A_0, %add3A_87, %dot_general3A_88 {dimension_numbers = #tpu.dot_dimension_numbers<[1], [0], [0], [1], [0, 0, 1, 1], [], []>, transpose_lhs_hint = false} : vector<1x4096xf32>, vector<4096x32xf32>, vector<1x32xf32> -> vector<1x32xf32>
    %mul3A_90 = arith.mulf %add3A_87, %add3A_87 : vector<4096x32xf32>
    %dot_general3A_91 = arith.constant dense<0.000000e+00> : vector<1x32xf32>
    %dot_general3A_92 = tpu.matmul %broadcast_in_dim3A_0, %mul3A_90, %dot_general3A_91 {dimension_numbers = #tpu.dot_dimension_numbers<[1], [0], [0], [1], [0, 0, 1, 1], [], []>, transpose_lhs_hint = false} : vector<1x4096xf32>, vector<4096x32xf32>, vector<1x32xf32> -> vector<1x32xf32>
    %mul3A_93 = arith.mulf %dot_general3A_89, %dot_general3A_89 : vector<1x32xf32>
    %sub3A_94 = arith.subf %dot_general3A_92, %mul3A_93 : vector<1x32xf32>
    %reshape3A_95 = vector.shape_cast %get3A_82 : vector<32xf32> to vector<1x32xf32>
    %add3A_96 = arith.constant 9.99999974E-6 : f32
    %add3A_97 = vector.broadcast %add3A_96 : f32 to vector<1x32xf32>
    %add3A_98 = arith.addf %sub3A_94, %add3A_97 : vector<1x32xf32>
    %sqrt3A_99 = math.sqrt %add3A_98 : vector<1x32xf32>
    %div3A_100 = arith.divf %reshape3A_95, %sqrt3A_99 : vector<1x32xf32>
    %reshape3A_101 = vector.shape_cast %get3A_84 : vector<32xf32> to vector<1x32xf32>
    %mul3A_102 = arith.mulf %dot_general3A_89, %div3A_100 : vector<1x32xf32>
    %sub3A_103 = arith.subf %reshape3A_101, %mul3A_102 : vector<1x32xf32>
    %mul3A_104 = vector.broadcast %div3A_100 : vector<1x32xf32> to vector<4096x32xf32>
    %mul3A_105 = arith.mulf %add3A_87, %mul3A_104 : vector<4096x32xf32>
    %add3A_106 = vector.broadcast %sub3A_103 : vector<1x32xf32> to vector<4096x32xf32>
    %add3A_107 = arith.addf %mul3A_105, %add3A_106 : vector<4096x32xf32>
    %max3A_108 = arith.constant 0.000000e+00 : f32
    %max3A_109 = vector.broadcast %max3A_108 : f32 to vector<4096x32xf32>
    %max3A_110 = arith.maximumf %add3A_107, %max3A_109 : vector<4096x32xf32>
    %get3A_111 = arith.constant 0 : index
    %get3A_112 = arith.constant 0 : index
    %get3A_113 = vector.load %arg13[%get3A_111, %get3A_112] : memref<5x34xf32, #tpu.memory_space<vmem>>, vector<5x34xf32>
    %broadcast_in_dim3A_114 = arith.constant 0.000000e+00 : f32
    %broadcast_in_dim3A_115 = vector.broadcast %broadcast_in_dim3A_114 : f32 to vector<5x32xf32>
    %slice3A = vector.extract_strided_slice %get3A_113 {offsets = [0, 32], sizes = [5, 2], strides = [1, 1]} : vector<5x34xf32> to vector<5x2xf32>
    %broadcast_in_dim3A_116 = arith.constant 0.000000e+00 : f32
    %broadcast_in_dim3A_117 = vector.broadcast %broadcast_in_dim3A_116 : f32 to vector<5x94xf32>
    %concatenate3A_118 = tpu.concatenate %broadcast_in_dim3A_115, %slice3A, %broadcast_in_dim3A_117 in 1 : vector<5x32xf32>, vector<5x2xf32>, vector<5x94xf32> -> vector<5x128xf32>
    %slice3A_119 = vector.extract_strided_slice %get3A_113 {offsets = [0, 0], sizes = [5, 32], strides = [1, 1]} : vector<5x34xf32> to vector<5x32xf32>
    %dot_general3A_120 = arith.constant dense<0.000000e+00> : vector<5x4096xf32>
    %dot_general3A_121 = tpu.matmul %slice3A_119, %max3A_110, %dot_general3A_120 {dimension_numbers = #tpu.dot_dimension_numbers<[1], [1], [0], [0], [0, 0, 1, 0], [], []>, transpose_lhs_hint = false} : vector<5x32xf32>, vector<4096x32xf32>, vector<5x4096xf32> -> vector<5x4096xf32>
    %dot_general3A_122 = arith.constant dense<0.000000e+00> : vector<5x4096xf32>
    %dot_general3A_123 = tpu.matmul %concatenate3A_118, %select_n3A, %dot_general3A_122 {dimension_numbers = #tpu.dot_dimension_numbers<[1], [1], [0], [0], [0, 0, 1, 0], [], []>, transpose_lhs_hint = false} : vector<5x128xf32>, vector<4096x128xf32>, vector<5x4096xf32> -> vector<5x4096xf32>
    %add3A_124 = arith.addf %dot_general3A_121, %dot_general3A_123 : vector<5x4096xf32>
    %get3A_125 = arith.constant 0 : index
    %get3A_126 = vector.load %arg14[%get3A_125] : memref<5xf32, #tpu.memory_space<vmem>>, vector<5xf32>
    %broadcast_in_dim3A_127 = vector.shape_cast %get3A_126 : vector<5xf32> to vector<5x1xf32>
    %broadcast_in_dim3A_128 = vector.broadcast %broadcast_in_dim3A_127 : vector<5x1xf32> to vector<5x4096xf32>
    %add3A_129 = arith.addf %add3A_124, %broadcast_in_dim3A_128 : vector<5x4096xf32>
    %swap3A = arith.constant 0 : index
    %swap3A_130 = arith.constant 0 : index
    %swap3A_131 = vector.load %arg15[%swap3A, %swap3A_130] : memref<5x4096xf32, #tpu.memory_space<vmem>>, vector<5x4096xf32>
    tpu.vector_store %arg15[%swap3A, %swap3A_130], %add3A_129 {strides = array<i32>} : memref<5x4096xf32, #tpu.memory_space<vmem>>, vector<5x4096xf32>,
    return
  }
}

</mosaic_0001>

<sc_bundles>
// kernel: kernel.4.cloned.1.call-start
scs
__scs_entry_jumppad:
0x0: {  	(pc) =	sbr.rel $0x88, $3  }
0x1: {  	(tag) =	ssettag $0x0;
	lr =	simm.s32 $0x1  }
0x2: {  	[smem:$0x3F7E] =	sst lr;
	_ =	strace $0xD0000000  }
0x3: {  	_ = 	snop  }
0x4: {  	_ = 	snop  }
0x5: {  	_ = 	snop  }
0x6: {  	_ = 	snop  }
0x7: {  	_ = 	snop  }
__scs_overlays_trampoline_lowered:
0x8: {  	[smem:$0x3F8D] =	sst s0  }
0x9: {  	[smem:$0x3F8E] =	sst s1  }
0xa: {  	[smem:$0x3F8F] =	sst s2  }
0xb: {  	[smem:$0x3F90] =	sst s3  }
0xc: {  	[smem:$0x3F91] =	sst s4  }
0xd: {  	[smem:$0x3F92] =	sst s5  }
0xe: {  	[smem:$0x3F93] =	sst s6  }
0xf: {  	[smem:$0x3F94] =	sst s7  }
0x10: {  	[smem:$0x3F95] =	sst s8  }
0x11: {  	[smem:$0x3F96] =	sst s9;
	s0 =	simm.s32 @!p0 $0x0  }
0x12: {  	s1 =	sld [smem:$0x3F7C];
	s0 =	simm.s32 @p0 $0x1  }
0x13: {  	[smem:$0x3F97] =	sst s0;
	s0 =	simm.s32 @!p1 $0x0  }
0x14: {  	s2 =	sld [smem:$0x3F7B];
	s0 =	simm.s32 @p1 $0x1  }
0x15: {  	[smem:$0x3F98] =	sst s0;
	s0 =	simm.s32 @!p2 $0x0  }
0x16: {  	s3 =	sld [smem:$0x3FDB];
	s0 =	simm.s32 @p2 $0x1  }
0x17: {  	s4 =	simm.s32 $0x1BF5;
	[smem:$0x3F9A] =	sst s0  }
0x18: {  	s0 =	sld [smem:$0x3F7D];
	_ =	swait.ge [sflag:s4], $0x0  }
0x19: {  	s7 =	sld [smem:$0x3F7E]  }
0x1a: {  	s8 =	sadd.s32 $0xFFFFE003, lr  }
0x1b: {  	s9 =	sadd.s32 $0xFFFFFEF7, lr;
	s5 =	simm.s32 $0xFFFFFFFF;
	p2 =	slt.u32 s8, $0xFFFFF086  }
0x1c: {  	p1 =	slt.u32 s9, $0xF7A;
	s5 =	simm.s32 @!p2 $0x0  }
0x1d: {  	s5 =	simm.s32 @p1 $0x1;
	p0 =	seq.s32 s7, s2  }
0x1e: {  	s7 =	smul.u32 @!p0 $0xF7A, s2;
	p2 =	seq.s32 @!p0 s5, $0x0  }
0x1f: {  	s9 =	smul.u32 $0xF7A, s1;
	s8 =	simm.s32 @!p0 $0x1BF5;
	p2 =	por !p2, p0  }
0x20: {  	[sflag:s8] =	ssyncset.s32 @!p0 $0xFFFFF086;
	s6 =	sadd.s32 @!p0 s3, s7;
	s7 =	simm.s32 @!p0 $0x108  }
0x21: {  	s3 =	sadd.s32 s3, s9;
	s6 =	sadd.s32 @!p0 $0x88, s6;
	s7 =	simm.s32 @p2 $0x1082  }
0x22: {  	[simem:s7], [sflag:s8] =	dma.local @!p0 [hbm:s6], $0xF7A  }
0x23: {  	s9 =	sor.u32 $0xD0000000, s2;
	s6 =	simm.s32 $0x108;
	_ =	swait.ge @!p0 [sflag:s8], $0x0  }
0x24: {  	s3 =	sadd.s32 $0x88, s3;
	s6 =	simm.s32 @!p1 $0x1082;
	[sflag:s4] =	ssyncset.s32 $0xFFFFF086  }
0x25: {  	[simem:s6], [sflag:s4] =	dma.local [hbm:s3], $0xF7A  }
0x26: {  	[smem:$0x3F7E] =	sst s1;
	(tag) =	ssettag s2;
	_ =	strace s9  }
0x27: {  	s1 =	sld [smem:$0x3F8E]  }
0x28: {  	s2 =	sld [smem:$0x3F8F]  }
0x29: {  	s4 =	sld [smem:$0x3F91]  }
0x2a: {  	p0 =	seq.s32 s5, $0x0;
	s5 =	sld [smem:$0x3F92]  }
0x2b: {  	s6 =	sld [smem:$0x3F93]  }
0x2c: {  	s7 =	sld [smem:$0x3F94]  }
0x2d: {  	s3 =	simm.s32 $0x108;
	s8 =	sld [smem:$0x3F95]  }
0x2e: {  	s3 =	simm.s32 @!p0 $0x1082;
	s9 =	sld [smem:$0x3F96]  }
0x2f: {  	lr =	sadd.s32 s0, s3;
	s0 =	sld [smem:$0x3F8D]  }
0x30: {  	s3 =	sld [smem:$0x3F90]  }
0x31: {  	[smem:$0x3F99] =	sst s10  }
0x32: {  	s10 =	sld [smem:$0x3F97];
	_ =	sdelay $0x3  }
0x33: {  	p0 =	seq.s32 s10, $0x1;
	s10 =	sld [smem:$0x3F99];
	_ =	sdelay $0x3  }
0x34: {  	[smem:$0x3F99] =	sst s10  }
0x35: {  	s10 =	sld [smem:$0x3F98];
	_ =	sdelay $0x3  }
0x36: {  	p1 =	seq.s32 s10, $0x1;
	s10 =	sld [smem:$0x3F99];
	_ =	sdelay $0x3  }
0x37: {  	[smem:$0x3F99] =	sst s10  }
0x38: {  	s10 =	sld [smem:$0x3F9A]  }
0x39: {  	_ = 	snop;
	(pc) =	sbr.ind lr, $3  }
0x3a: {  	_ = 	snop  }
0x3b: {  	_ = 	snop  }
0x3c: {  	p2 =	seq.s32 s10, $0x1;
	s10 =	sld [smem:$0x3F99]  }
0x3d: {  	_ =	shalt  }
0x3e: {  	_ =	shalt  }
0x3f: {  	_ =	shalt  }
0x40: {  	_ =	shalt  }
0x41: {  	_ =	shalt  }
0x42: {  	_ =	shalt  }
0x43: {  	_ =	shalt  }
0x44: {  	_ =	shalt  }
0x45: {  	_ =	shalt  }
0x46: {  	_ =	shalt  }
0x47: {  	_ =	shalt  }
0x48: {  	_ =	shalt  }
0x49: {  	_ =	shalt  }
0x4a: {  	_ =	shalt  }
0x4b: {  	_ =	shalt  }
0x4c: {  	_ =	shalt  }
0x4d: {  	_ =	shalt  }
0x4e: {  	_ =	shalt  }
0x4f: {  	_ =	shalt  }
0x50: {  	_ =	shalt  }
0x51: {  	_ =	shalt  }
0x52: {  	_ =	shalt  }
0x53: {  	_ =	shalt  }
0x54: {  	_ =	shalt  }
0x55: {  	_ =	shalt  }
0x56: {  	_ =	shalt  }
0x57: {  	_ =	shalt  }
0x58: {  	_ =	shalt  }
0x59: {  	_ =	shalt  }
0x5a: {  	_ =	shalt  }
0x5b: {  	_ =	shalt  }
0x5c: {  	_ =	shalt  }
0x5d: {  	_ =	shalt  }
0x5e: {  	_ =	shalt  }
0x5f: {  	_ =	shalt  }
0x60: {  	_ =	shalt  }
0x61: {  	_ =	shalt  }
0x62: {  	_ =	shalt  }
0x63: {  	_ =	shalt  }
0x64: {  	_ =	shalt  }
0x65: {  	_ =	shalt  }
0x66: {  	_ =	shalt  }
0x67: {  	_ =	shalt  }
0x68: {  	_ =	shalt  }
0x69: {  	_ =	shalt  }
0x6a: {  	_ =	shalt  }
0x6b: {  	_ =	shalt  }
0x6c: {  	_ =	shalt  }
0x6d: {  	_ =	shalt  }
0x6e: {  	_ =	shalt  }
0x6f: {  	_ =	shalt  }
0x70: {  	_ =	shalt  }
0x71: {  	_ =	shalt  }
0x72: {  	_ =	shalt  }
0x73: {  	_ =	shalt  }
0x74: {  	_ =	shalt  }
0x75: {  	_ =	shalt  }
0x76: {  	_ =	shalt  }
0x77: {  	_ =	shalt  }
0x78: {  	_ =	shalt  }
0x79: {  	_ =	shalt  }
0x7a: {  	_ =	shalt  }
0x7b: {  	_ =	shalt  }
0x7c: {  	_ =	shalt  }
0x7d: {  	_ =	shalt  }
0x7e: {  	_ =	shalt  }
0x7f: {  	_ =	shalt  }
0x80: {  	_ =	shalt  }
0x81: {  	_ =	shalt  }
0x82: {  	_ =	shalt  }
0x83: {  	_ =	shalt  }
0x84: {  	_ =	shalt  }
0x85: {  	_ =	shalt  }
0x86: {  	_ =	shalt  }
0x87: {  	_ =	shalt  }
.Lfunc_end0:
.L_simem_size_0:
called_computation_lowered:
.L_overlay_start_0:
0x88: {  	s2 =	sld [smem:$0x3FD9]  }
0x89: {  	s3 =	sld [smem:$0x3FFE];
	_ =	sdelay $0x1  }
0x8a: {  	s1 =	srdreg.scid  }
0x8b: {  	s0 =	sand.u32 $0x1, s1  }
0x8c: {  	s17 =	sshll.u32 s0, $0xA;
	s2 =	sadd.s32 s3, s2  }
0x8d: {  	s2 =	sadd.s32 s2, s17  }
0x8e: {  	[smem:$0x3FA5] =	sst s2  }
0x8f: {  	_ = 	snop  }
0x90: {  	s2 =	sld [smem:$0x3FD0];
	(tm) =	ssettm $0x1  }
0x91: {  	s18 =	sld [smem:$0x3FFB];
	_ =	sdelay $0x3  }
0x92: {  	_ =	strace s18  }
0x93: {  	s3 =	sld [smem:$0x3FFC];
	_ =	sdelay $0x3  }
0x94: {  	_ =	strace s3  }
0x95: {  	s3 =	sld [smem:$0x3FFD];
	_ =	sdelay $0x3  }
0x96: {  	_ =	strace s3  }
0x97: {  	_ =	strace $0x8FFFFFFF  }
0x98: {  	s19 =	sld [smem:$0x3FDB];
	_ =	sdelay $0x1  }
0x99: {  	s4 =	simm.s32 $_scs_section_size  }
0x9a: {  	s5 =	simm.s32 $_size__tile_overlayer_lowered;
	s6 =	simm.s32 $_tile_overlayer_lowered  }
0x9b: {  	s22 =	simm.s32 $0x1BFF;
	s21 =	sshll.u32 s6, $0x1;
	s3 =	sadd.s32 s4, s19  }
0x9c: {  	s7 =	simm.s32 $0x0;
	s20 =	sshll.u32 s5, $0x1;
	s5 =	sadd.s32 s21, s3  }
0x9d: {  	[timem:s7], [sflag:s22] =	dma.local [hbm:s5], s20  }
0x9e: {  	_ =	swait.ge [sflag:s22], s20  }
0x9f: {  	s4 =	ssub.s32 $0x0, s20;
	[sflag:s22] =	ssyncset.done $0x0  }
0xa0: {  	[sflag:s22] =	ssyncadd.s32 s4;
	_ =	sdelay $0x1  }
0xa1: {  	s23 =	simm.s32 $0x1B8B  }
0xa2: {  	_ =	swait.ge [sflag:s23], $0x1  }
0xa3: {  	[sflag:s23] =	ssyncset.done $0x0  }
0xa4: {  	s25 =	simm.s32 $0x1B8E;
	s24 =	sld [smem:$0x3FFE];
	[sflag:s23] =	ssyncadd.s32 $0xFFFFFFFF  }
0xa5: {  	s26 =	simm.s32 $execute0_lowered;
	[smem:$0x3FD2] =	sst s25  }
0xa6: {  	s5 =	sshll.u32 s26, $0x1;
	_ =	strace $0x80000046;
	[dreg:$0x1] =	wrdreg $0xFFFFFFFF  }
0xa7: {  	s28 =	simm.s32 $_size_execute0_lowered;
	s3 =	sadd.s32 s3, s5;
	[dreg:$0x0] =	wrdreg $0x0  }
0xa8: {  	s5 =	sshll.u32 s28, $0x1;
	[dreg:$0x2] =	wrdreg s3  }
0xa9: {  	[dreg:$0x3] =	wrdreg s5  }
0xaa: {  	[dreg:$0x4] =	wrdreg $0xC0  }
0xab: {  	_ =	task [dreg:s7], $0x5FFFF  }
0xac: {  	[dreg:$0x1] =	wrdreg $0xFFFFFFFF  }
0xad: {  	[dreg:$0x0] =	wrdreg $0x60  }
0xae: {  	[dreg:$0x2] =	wrdreg s24  }
0xaf: {  	[dreg:$0x3] =	wrdreg s2  }
0xb0: {  	[dreg:$0x4] =	wrdreg $0x9  }
0xb1: {  	_ =	task.clear_ibuf [dreg:s7], $0x5FFFF;
	_ =	strace $0x90000046  }
0xb2: {  	s29 =	simm.s32 $0x9;
	_ =	strace $0x80000048  }
0xb3: {  	_ =	swait.ge [sflag:s29], $0x1  }
0xb4: {  	[sflag:s29] =	ssyncadd.s32 $0xFFFFFFFF  }
0xb5: {  	_ =	strace $0x90000048  }
0xb6: {  	_ =	sfence  }
0xb7: {  	s30 =	sld [smem:$0x0];
	_ =	sdelay $0x2  }
0xb8: {  	s31 =	sshll.u32 s1, $0xD;
	s1 =	sshrl.u32 s1, $0x2  }
0xb9: {  	s3 =	sand.u32 $0x4000, s31;
	s1 =	sadd.s32 s1, s30  }
0xba: {  	s0 =	sor.u32 s3, s0;
	s1 =	sshll.u32 s1, $0x11  }
0xbb: {  	s0 =	sor.u32 s1, s0  }
0xbc: {  	s0 =	sadd.s32 $0x8F2B, s0  }
0xbd: {  	[sflag:s0] =	ssyncadd.remote.s32 $0x1  }
0xbe: {  	_ =	sfence.sel $0xFFFF  }
0xbf: {  	[dreg:$0x0] =	wrdreg $0xFFFFFFFF;
	(pc) =	sbr.abs _section_cstart, $3  }
0xc0: {  	[dreg:$0x1] =	wrdreg $0xFFFFFFFF  }
0xc1: {  	_ =	task.clear_ibuf [dreg:s7], $0x2FFFF;
	_ =	strace $0x9FFFFFFF  }
0xc2: {  	(tm) =	ssettm $0x7FFFFFFF  }
0xc3: {  	_ =	shalt  }
tec
execute0_lowered:
.L_overlay_start_1:
0x0: {  	(tag) =	ssettag $0x1  }
0x1: {  	v0 =	vlaneseq.u32  }
0x2: {  	s4 =	rddreg [dreg:$0x0];
	v0 =	vand.u32 $0x3, v0  }
0x3: {  	s1 =	rddreg [dreg:$0x1];
	s3 =	simm.s32 $0x0;
	v0 =	vmul.u32 $0x20, v0  }
0x4: {  	[smem:$0x7FF] =	sst s3  }
0x5: {  	s0 =	rddreg [dreg:$0x2];
	_ =	strace $0x80000047;
	v29 =	vor.u32 $0x18, v0;
	[tilespmem:$0x1FE20] =	vst v0  }
0x6: {  	v61 =	vor.u32 $0x19, v0;
	[tilespmem:$0x1FE30] =	vst v29  }
0x7: {  	v32 =	vor.u32 $0x1A, v0;
	[tilespmem:$0x1FE40] =	vst v61  }
0x8: {  	v33 =	vor.u32 $0x1B, v0;
	[tilespmem:$0x1FE50] =	vst v32  }
0x9: {  	v36 =	vor.u32 $0x1C, v0;
	[tilespmem:$0x1FE60] =	vst v33  }
0xa: {  	v37 =	vor.u32 $0x1D, v0;
	[tilespmem:$0x1FE70] =	vst v36  }
0xb: {  	v50 =	vor.u32 $0x1, v0;
	[tilespmem:$0x1FE80] =	vst v37  }
0xc: {  	v60 =	vor.u32 $0x2, v0;
	[tilespmem:$0x1FE90] =	vst v50  }
0xd: {  	v55 =	vor.u32 $0x3, v0;
	[tilespmem:$0x1FEA0] =	vst v60  }
0xe: {  	v59 =	vor.u32 $0x4, v0;
	[tilespmem:$0x1FEB0] =	vst v55  }
0xf: {  	v57 =	vor.u32 $0x5, v0;
	[tilespmem:$0x1FEC0] =	vst v59  }
0x10: {  	v46 =	vor.u32 $0x6, v0;
	[tilespmem:$0x1FED0] =	vst v57  }
0x11: {  	v8 =	vor.u32 $0x7, v0;
	[tilespmem:$0x1FEE0] =	vst v46  }
0x12: {  	v11 =	vor.u32 $0x8, v0;
	[tilespmem:$0x1FEF0] =	vst v8  }
0x13: {  	v16 =	vor.u32 $0x9, v0;
	[tilespmem:$0x1FF00] =	vst v11  }
0x14: {  	v13 =	vor.u32 $0xA, v0;
	[tilespmem:$0x1FF10] =	vst v16  }
0x15: {  	v18 =	vor.u32 $0xB, v0;
	[tilespmem:$0x1FF20] =	vst v13  }
0x16: {  	v19 =	vor.u32 $0xC, v0;
	[tilespmem:$0x1FF30] =	vst v18  }
0x17: {  	v12 =	vor.u32 $0xD, v0;
	[tilespmem:$0x1FF40] =	vst v19  }
0x18: {  	v17 =	vor.u32 $0xE, v0;
	[tilespmem:$0x1FF50] =	vst v12  }
0x19: {  	v22 =	vor.u32 $0xF, v0;
	[tilespmem:$0x1FF60] =	vst v17  }
0x1a: {  	v23 =	vor.u32 $0x10, v0;
	[tilespmem:$0x1FF70] =	vst v22  }
0x1b: {  	v24 =	vor.u32 $0x11, v0;
	[tilespmem:$0x1FF80] =	vst v23  }
0x1c: {  	s5 =	srdreg.scid;
	s2 =	stileid.u32;
	v25 =	vor.u32 $0x12, v0;
	[tilespmem:$0x1FF90] =	vst v24  }
0x1d: {  	s9 =	simm.s32 $0x4480;
	s5 =	sand.u32 $0x1, s5;
	s6 =	sshll.u32 s2, $0x1;
	v26 =	vor.u32 $0x13, v0;
	[tilespmem:$0x1FFA0] =	vst v25  }
0x1e: {  	s10 =	simm.s32 $0x2;
	s11 =	simm.s32 $0x0;
	s6 =	sor.u32 s5, s6;
	v27 =	vor.u32 $0x14, v0;
	[tilespmem:$0x1FFB0] =	vst v26  }
0x1f: {  	s5 =	ssub.s32 $0x2, s5;
	s7 =	sshll.u32 s6, $0x9;
	s6 =	sshll.u32 s6, $0xB;
	v35 =	vor.u32 $0x15, v0;
	[tilespmem:$0x1FFC0] =	vst v27  }
0x20: {  	s31 =	sshrl.u32 s5, $0x1;
	s7 =	sadd.s32 s7, s4;
	s6 =	sadd.s32 s6, s4;
	v38 =	vor.u32 $0x16, v0;
	[tilespmem:$0x1FFD0] =	vst v35  }
0x21: {  	s8 =	ssub.s32 s5, s31;
	v39 =	vor.u32 $0x17, v0;
	s4 =	sadd.s32 $0x3A00, s7;
	s5 =	sadd.s32 $0x7A00, s6;
	[tilespmem:$0x1FFE0] =	vst v38  }
0x22: {  	v62 =	vmov v0;
	s6 =	smax.u32 s8, $0x1;
	s7 =	simm.s32 $0x1000;
	s8 =	simm.s32 $0x1;
	[tilespmem:$0x1FFF0] =	vst v39  }
.LBB2_1:
0x23: {  	[tilespmem:s3], [sflag:$0x1] =	stream.linear.gather [hbm4b:s4+s3], $0x1000, $0x38;
	[tilespmem:$0x8480] =	vst v63  }
0x24: {  	_ = 	snop  }
0x25: {  	[tilespmem:s7], [sflag:$0x1] =	stream.linear.gather [hbm4b:s1+s3], $0x3480, $0x38;
	[tilespmem:$0x8480] =	vst v63  }
0x26: {  	_ =	swait.ge [sflag:s8], $0x1000  }
0x27: {  	[sflag:s8] =	ssyncset.done $0x0  }
0x28: {  	[sflag:s8] =	ssyncadd.s32 $0xFFFFF000  }
0x29: {  	_ =	swait.ge [sflag:s8], $0x3480  }
0x2a: {  	[sflag:s8] =	ssyncset.done $0x0  }
0x2b: {  	s12 =	simm.s32 $0xFFFFFFFE;
	s13 =	simm.s32 $0x10;
	[sflag:s8] =	ssyncadd.s32 $0xFFFFCB80  }
.LBB2_2:
0x2c: {  	s14 =	sadd.s32 $0xFFFFFFF0, s13;
	v30 =	vlaneseq.u32  }
0x2d: {  	v1 =	vor.u32 s14, v30  }
0x2e: {  	v0 =	vshll.u32 v1, $0x5  }
0x2f: {  	v2 =	vand.u32 $0xD80, v0  }
0x30: {  	v0 =	vor.u32 v61, v2  }
0x31: {  	v3 =	vor.u32 v29, v2  }
0x32: {  	v4 =	vor.u32 v32, v2;
	_ =	sdelay $0x1  }
0x33: {  	v5 =	vor.u32 v33, v2  }
0x34: {  	v0 =	vld.idx.msk [tilespmem:v0+s3+$0x0], $0xffff  }
0x35: {  	v16 =	vor.u32 v36, v2;
	v7 =	vld.idx.msk [tilespmem:v3+s3+$0x0], $0xffff  }
0x36: {  	v4 =	vld.idx.msk [tilespmem:v4+s3+$0x0], $0xffff  }
0x37: {  	v6 =	vor.u32 v37, v2  }
0x38: {  	v5 =	vld.idx.msk [tilespmem:v5+s3+$0x0], $0xffff  }
0x39: {  	v8 =	vadd.s32 $0x3B0, v0  }
0x3a: {  	v3 =	vld.idx.msk [tilespmem:v16+s3+$0x0], $0xffff  }
0x3b: {  	v9 =	vadd.s32 $0xA43, v4  }
0x3c: {  	v10 =	vld.idx.msk [tilespmem:v6+s3+$0x0], $0xffff  }
0x3d: {  	v11 =	vadd.s32 $0xA59, v5;
	v17 =	vld.idx.msk [tilespmem:v7+s7+$0x0], $0xffff  }
0x3e: {  	v8 =	vld.idx.msk [tilespmem:v8+s7+$0x0], $0xffff  }
0x3f: {  	v12 =	vadd.s32 $0xA5B, v3  }
0x40: {  	v9 =	vld.idx.msk [tilespmem:v9+s7+$0x0], $0xffff  }
0x41: {  	v13 =	vadd.s32 $0xA60, v10  }
0x42: {  	v11 =	vld.idx.msk [tilespmem:v11+s7+$0x0], $0xffff  }
0x43: {  	v6 =	vadd.f32 v8, v17  }
0x44: {  	v18 =	vld.idx.msk [tilespmem:v12+s7+$0x0], $0xffff  }
0x45: {  	v14 =	vld [tilespmem:$0x1FEF0];
	v6 =	vadd.f32 v9, v6  }
0x46: {  	v19 =	vld.idx.msk [tilespmem:v13+s7+$0x0], $0xffff  }
0x47: {  	v15 =	vld [tilespmem:$0x1FF00];
	v31 =	vshll.u32 v1, $0x7;
	v6 =	vadd.f32 v11, v6  }
0x48: {  	v20 =	vld [tilespmem:$0x1FF50];
	v1 =	vor.u32 $0x20, v31  }
0x49: {  	v21 =	vld [tilespmem:$0x1FF60];
	v34 =	vor.u32 v62, v2;
	v6 =	vadd.f32 v18, v6  }
0x4a: {  	v40 =	vor.u32 v50, v2;
	v16 =	vld [tilespmem:$0x1FF10]  }
0x4b: {  	v41 =	vor.u32 v60, v2;
	v17 =	vld [tilespmem:$0x1FF20];
	v6 =	vadd.f32 v19, v6  }
0x4c: {  	v42 =	vor.u32 v55, v2;
	v18 =	vld [tilespmem:$0x1FF30]  }
0x4d: {  	v43 =	vor.u32 v59, v2;
	v19 =	vld [tilespmem:$0x1FF40];
	[tilespmem:v1+s9+$0x0] =	vst.idx.msk $0xffff, v6  }
0x4e: {  	v45 =	vor.u32 v57, v2;
	v6 =	vld.idx.msk [tilespmem:v34+s3+$0x0], $0xffff  }
0x4f: {  	v46 =	vor.u32 v46, v2;
	v11 =	vld.idx.msk [tilespmem:v40+s3+$0x0], $0xffff  }
0x50: {  	v14 =	vor.u32 v14, v2;
	v9 =	vld.idx.msk [tilespmem:v41+s3+$0x0], $0xffff  }
0x51: {  	v15 =	vor.u32 v15, v2;
	v12 =	vld.idx.msk [tilespmem:v42+s3+$0x0], $0xffff  }
0x52: {  	v16 =	vor.u32 v16, v2;
	v1 =	vld.idx.msk [tilespmem:v43+s3+$0x0], $0xffff  }
0x53: {  	v21 =	vor.u32 v21, v2;
	v8 =	vld.idx.msk [tilespmem:v45+s3+$0x0], $0xffff  }
0x54: {  	v17 =	vor.u32 v17, v2;
	v13 =	vld.idx.msk [tilespmem:v46+s3+$0x0], $0xffff  }
0x55: {  	v18 =	vor.u32 v18, v2;
	v14 =	vld.idx.msk [tilespmem:v14+s3+$0x0], $0xffff  }
0x56: {  	v20 =	vor.u32 v20, v2;
	v15 =	vld.idx.msk [tilespmem:v15+s3+$0x0], $0xffff  }
0x57: {  	v47 =	vor.u32 v22, v2;
	v16 =	vld.idx.msk [tilespmem:v16+s3+$0x0], $0xffff  }
0x58: {  	v58 =	vmov v50;
	v57 =	vor.u32 v24, v2;
	v21 =	vld.idx.msk [tilespmem:v21+s3+$0x0], $0xffff;
	v50 =	vshll.u32 v6, $0x2  }
0x59: {  	v6 =	vld.idx.msk [tilespmem:v17+s3+$0x0], $0xffff;
	v49 =	vshll.u32 v11, $0x2;
	v22 =	vadd.s32 $0x1925, v50  }
0x5a: {  	v11 =	vld.idx.msk [tilespmem:v18+s3+$0x0], $0xffff;
	v56 =	vadd.s32 $0x1925, v49  }
0x5b: {  	v44 =	vmov v59;
	v59 =	vor.u32 v25, v2;
	v53 =	vshll.u32 v9, $0x2;
	v9 =	vld.idx.msk [tilespmem:v20+s3+$0x0], $0xffff  }
0x5c: {  	v20 =	vor.u32 v23, v2;
	v52 =	vshll.u32 v12, $0x2;
	v12 =	vld.idx.msk [tilespmem:v47+s3+$0x0], $0xffff;
	v23 =	vadd.s32 $0x1925, v53  }
0x5d: {  	v34 =	vor.u32 v26, v2;
	v17 =	vld.idx.msk [tilespmem:v57+s3+$0x0], $0xffff  }
0x5e: {  	v24 =	vadd.s32 $0x1925, v52;
	v22 =	vld.idx.msk [tilespmem:v22+s7+$0x0], $0xffff  }
0x5f: {  	v45 =	vor.u32 v27, v2;
	v51 =	vshll.u32 v1, $0x2;
	v18 =	vld.idx.msk [tilespmem:v56+s7+$0x0], $0xffff  }
0x60: {  	v1 =	vld.idx.msk [tilespmem:v59+s3+$0x0], $0xffff;
	v25 =	vadd.s32 $0x1925, v51  }
0x61: {  	v46 =	vor.u32 v35, v2;
	v28 =	vshll.u32 v8, $0x2;
	v23 =	vld.idx.msk [tilespmem:v23+s7+$0x0], $0xffff  }
0x62: {  	v8 =	vld.idx.msk [tilespmem:v34+s3+$0x0], $0xffff;
	v26 =	vadd.s32 $0x1925, v28  }
0x63: {  	v19 =	vor.u32 v19, v2;
	v42 =	vshll.u32 v13, $0x2;
	v24 =	vld.idx.msk [tilespmem:v24+s7+$0x0], $0xffff  }
0x64: {  	v13 =	vld.idx.msk [tilespmem:v45+s3+$0x0], $0xffff;
	v27 =	vadd.s32 $0x1925, v42;
	v18 =	vadd.f32 v18, v22  }
0x65: {  	v48 =	vor.u32 v38, v2;
	v40 =	vshll.u32 v14, $0x2;
	v22 =	vld.idx.msk [tilespmem:v25+s7+$0x0], $0xffff  }
0x66: {  	v14 =	vld.idx.msk [tilespmem:v46+s3+$0x0], $0xffff;
	v25 =	vadd.s32 $0x1925, v40;
	v18 =	vadd.f32 v23, v18  }
0x67: {  	v47 =	vshll.u32 v15, $0x2;
	v23 =	vld.idx.msk [tilespmem:v26+s7+$0x0], $0xffff  }
0x68: {  	v19 =	vld.idx.msk [tilespmem:v19+s3+$0x0], $0xffff;
	v45 =	vshll.u32 v6, $0x2;
	v26 =	vadd.s32 $0x1925, v47;
	v18 =	vadd.f32 v24, v18  }
0x69: {  	v54 =	vld.idx.msk [tilespmem:v27+s7+$0x0], $0xffff;
	v56 =	vadd.s32 $0x1925, v45;
	v24 =	vshll.u32 v16, $0x2  }
0x6a: {  	v63 =	vmov v55;
	v15 =	vld.idx.msk [tilespmem:v48+s3+$0x0], $0xffff;
	v55 =	vadd.s32 $0x1925, v24;
	v18 =	vadd.f32 v22, v18  }
0x6b: {  	v2 =	vor.u32 v39, v2;
	v59 =	vshll.u32 v4, $0x2;
	v27 =	vmov v24;
	v24 =	vld.idx.msk [tilespmem:v25+s7+$0x0], $0xffff  }
0x6c: {  	v57 =	vshll.u32 v5, $0x2;
	v20 =	vld.idx.msk [tilespmem:v20+s3+$0x0], $0xffff;
	v22 =	vadd.s32 $0x33C1, v59;
	v18 =	vadd.f32 v23, v18  }
0x6d: {  	v38 =	vmov v47;
	v47 =	vshll.u32 v11, $0x2;
	v11 =	vld.idx.msk [tilespmem:v26+s7+$0x0], $0xffff;
	v23 =	vadd.s32 $0x3419, v57  }
0x6e: {  	v48 =	vshll.u32 v19, $0x2;
	v39 =	vld.idx.msk [tilespmem:v56+s7+$0x0], $0xffff;
	v25 =	vadd.s32 $0x1925, v47;
	v16 =	vadd.f32 v54, v18  }
0x6f: {  	v43 =	vshll.u32 v3, $0x2;
	v41 =	vshll.u32 v10, $0x2;
	v10 =	vadd.s32 $0x1925, v48;
	v19 =	vld.idx.msk [tilespmem:v55+s7+$0x0], $0xffff  }
0x70: {  	v26 =	vld.idx.msk [tilespmem:v2+s3+$0x0], $0xffff;
	v18 =	vadd.s32 $0x3421, v43;
	v16 =	vadd.f32 v24, v16  }
0x71: {  	v46 =	vshll.u32 v7, $0x2;
	v34 =	vld.idx.msk [tilespmem:v22+s7+$0x0], $0xffff;
	v22 =	vadd.s32 $0x3435, v41;
	v24 =	vshll.u32 v9, $0x2  }
0x72: {  	v5 =	vshll.u32 v13, $0x2;
	v7 =	vadd.s32 $0x1925, v24;
	v54 =	vld.idx.msk [tilespmem:v23+s7+$0x0], $0xffff;
	v11 =	vadd.f32 v11, v16  }
0x73: {  	v13 =	vadd.s32 $0x3371, v5;
	v23 =	vshll.u32 v21, $0x2;
	v21 =	vld.idx.msk [tilespmem:v25+s7+$0x0], $0xffff  }
0x74: {  	v10 =	vld.idx.msk [tilespmem:v10+s7+$0x0], $0xffff;
	v55 =	vshll.u32 v0, $0x2;
	v56 =	vadd.s32 $0x1925, v23;
	v11 =	vadd.f32 v19, v11  }
0x75: {  	v35 =	vld.idx.msk [tilespmem:v18+s7+$0x0], $0xffff;
	v18 =	vadd.s32 $0x1925, v55;
	v19 =	vshll.u32 v12, $0x2  }
0x76: {  	v2 =	vshll.u32 v26, $0x2;
	v25 =	vld.idx.msk [tilespmem:v22+s7+$0x0], $0xffff;
	v12 =	vadd.s32 $0x1925, v19;
	v9 =	vadd.f32 v39, v11  }
0x77: {  	v6 =	vshll.u32 v20, $0x2;
	v20 =	vshll.u32 v8, $0x2;
	v8 =	vadd.s32 $0x3371, v2;
	v7 =	vld.idx.msk [tilespmem:v7+s7+$0x0], $0xffff  }
0x78: {  	v3 =	vshll.u32 v14, $0x2;
	v39 =	vadd.s32 $0x1925, v6;
	v11 =	vld.idx.msk [tilespmem:v13+s7+$0x0], $0xffff;
	v9 =	vadd.f32 v21, v9  }
0x79: {  	v17 =	vshll.u32 v17, $0x2;
	v14 =	vadd.s32 $0x3371, v3;
	v0 =	vld.idx.msk [tilespmem:v56+s7+$0x0], $0xffff  }
0x7a: {  	v4 =	vshll.u32 v15, $0x2;
	v56 =	vadd.s32 $0x1925, v17;
	v21 =	vld.idx.msk [tilespmem:v18+s7+$0x0], $0xffff;
	v9 =	vadd.f32 v10, v9  }
0x7b: {  	v18 =	vshll.u32 v1, $0x2;
	v1 =	vadd.s32 $0x3371, v4;
	v10 =	vld.idx.msk [tilespmem:v12+s7+$0x0], $0xffff  }
0x7c: {  	[tilespmem:$0x1F920] =	vst v50;
	v8 =	vld.idx.msk [tilespmem:v8+s7+$0x0], $0xffff;
	v12 =	vadd.s32 $0x1925, v18;
	v7 =	vadd.f32 v7, v9  }
0x7d: {  	[tilespmem:$0x1F930] =	vst v49;
	v16 =	vadd.s32 $0xA65, v46;
	v9 =	vld.idx.msk [tilespmem:v39+s7+$0x0], $0xffff  }
0x7e: {  	[tilespmem:$0x1F940] =	vst v53;
	v13 =	vadd.s32 $0x1925, v20;
	v39 =	vld.idx.msk [tilespmem:v14+s7+$0x0], $0xffff;
	v0 =	vadd.f32 v0, v7  }
0x7f: {  	[tilespmem:$0x1F970] =	vst v52;
	v56 =	vld.idx.msk [tilespmem:v56+s7+$0x0], $0xffff  }
0x80: {  	[tilespmem:$0x1F990] =	vst v51;
	v1 =	vld.idx.msk [tilespmem:v1+s7+$0x0], $0xffff;
	v0 =	vadd.f32 v10, v0;
	v10 =	vor.u32 $0x4, v31  }
0x81: {  	v15 =	vor.u32 $0x8, v31;
	[tilespmem:$0x1F950] =	vst v34;
	v12 =	vld.idx.msk [tilespmem:v12+s7+$0x0], $0xffff  }
0x82: {  	[tilespmem:$0x1F960] =	vst v54;
	v22 =	vld.idx.msk [tilespmem:v16+s7+$0x0], $0xffff;
	v0 =	vadd.f32 v9, v0;
	v9 =	vor.u32 $0xC, v31  }
0x83: {  	[tilespmem:$0x1F980] =	vst v35;
	v13 =	vld.idx.msk [tilespmem:v13+s7+$0x0], $0xffff;
	v7 =	vadd.f32 v39, v11;
	v39 =	vor.u32 $0x10, v31  }
0x84: {  	[tilespmem:v31+s9+$0x0] =	vst.idx.msk $0xffff, v34;
	v0 =	vadd.f32 v56, v0;
	v56 =	vor.u32 $0x14, v31  }
0x85: {  	v16 =	vor.u32 $0x18, v31;
	v1 =	vadd.f32 v1, v7;
	[tilespmem:v10+s9+$0x0] =	vst.idx.msk $0xffff, v54  }
0x86: {  	v34 =	vor.u32 $0x1C, v31;
	v0 =	vadd.f32 v12, v0;
	[tilespmem:v15+s9+$0x0] =	vst.idx.msk $0xffff, v35  }
0x87: {  	v1 =	vadd.f32 v8, v1;
	v35 =	vadd.s32 $0x1926, v50;
	[tilespmem:v9+s9+$0x0] =	vst.idx.msk $0xffff, v25  }
0x88: {  	v12 =	vadd.f32 v13, v0;
	[tilespmem:v39+s9+$0x0] =	vst.idx.msk $0xffff, v22;
	v39 =	vadd.s32 $0x1926, v49  }
0x89: {  	v54 =	vmul.f32 $2.500000000e-01, v1;
	[tilespmem:v56+s9+$0x0] =	vst.idx.msk $0xffff, v21  }
0x8a: {  	v56 =	vadd.s32 $0x1926, v53;
	[tilespmem:v16+s9+$0x0] =	vst.idx.msk $0xffff, v12  }
0x8b: {  	[tilespmem:v34+s9+$0x0] =	vst.idx.msk $0xffff, v54  }
0x8c: {  	[tilespmem:$0x1F9E0] =	vst v12;
	v12 =	vadd.s32 $0x1926, v52;
	v7 =	vld.idx.msk [tilespmem:v35+s7+$0x0], $0xffff  }
0x8d: {  	[tilespmem:$0x1F9B0] =	vst v28;
	v0 =	vld.idx.msk [tilespmem:v39+s7+$0x0], $0xffff  }
0x8e: {  	[tilespmem:$0x1F9A0] =	vst v25;
	v13 =	vadd.s32 $0x1926, v51  }
0x8f: {  	[tilespmem:$0x1F9C0] =	vst v22;
	v1 =	vld.idx.msk [tilespmem:v56+s7+$0x0], $0xffff  }
0x90: {  	v14 =	vadd.s32 $0x1926, v28;
	[tilespmem:$0x1F9D0] =	vst v21  }
0x91: {  	[tilespmem:$0x1FA00] =	vst v54;
	v8 =	vld.idx.msk [tilespmem:v12+s7+$0x0], $0xffff  }
0x92: {  	v15 =	vadd.s32 $0x1926, v42;
	[tilespmem:$0x1FAB0] =	vst v42;
	v0 =	vadd.f32 v0, v7  }
0x93: {  	v9 =	vld.idx.msk [tilespmem:v13+s7+$0x0], $0xffff  }
0x94: {  	v16 =	vadd.s32 $0x1926, v40;
	v0 =	vadd.f32 v1, v0  }
0x95: {  	v10 =	vld.idx.msk [tilespmem:v14+s7+$0x0], $0xffff  }
0x96: {  	v34 =	vadd.s32 $0x1926, v38;
	v0 =	vadd.f32 v8, v0  }
0x97: {  	v7 =	vld.idx.msk [tilespmem:v15+s7+$0x0], $0xffff  }
0x98: {  	v35 =	vadd.s32 $0x1926, v27;
	v0 =	vadd.f32 v9, v0  }
0x99: {  	v12 =	vadd.s32 $0xA66, v46;
	v1 =	vld.idx.msk [tilespmem:v16+s7+$0x0], $0xffff  }
0x9a: {  	v21 =	vmov v53;
	v53 =	vadd.s32 $0x1926, v45;
	v0 =	vadd.f32 v10, v0  }
0x9b: {  	v39 =	vadd.s32 $0x33C2, v59;
	v8 =	vld.idx.msk [tilespmem:v34+s7+$0x0], $0xffff  }
0x9c: {  	v56 =	vadd.s32 $0x1926, v47;
	v0 =	vadd.f32 v7, v0  }
0x9d: {  	v54 =	vadd.s32 $0x341A, v57;
	v9 =	vld.idx.msk [tilespmem:v35+s7+$0x0], $0xffff  }
0x9e: {  	v22 =	vld.idx.msk [tilespmem:v12+s7+$0x0], $0xffff;
	v0 =	vadd.f32 v1, v0;
	v1 =	vadd.s32 $0x1926, v48  }
0x9f: {  	v16 =	vadd.s32 $0x3422, v43;
	v10 =	vld.idx.msk [tilespmem:v53+s7+$0x0], $0xffff  }
0xa0: {  	v34 =	vld.idx.msk [tilespmem:v39+s7+$0x0], $0xffff;
	v35 =	vadd.s32 $0x1926, v24;
	v0 =	vadd.f32 v8, v0  }
0xa1: {  	[tilespmem:$0x1FB10] =	vst v48;
	v12 =	vadd.s32 $0x3372, v3;
	v7 =	vld.idx.msk [tilespmem:v56+s7+$0x0], $0xffff  }
0xa2: {  	[tilespmem:$0x1FB20] =	vst v24;
	v39 =	vld.idx.msk [tilespmem:v54+s7+$0x0], $0xffff;
	v0 =	vadd.f32 v9, v0;
	v9 =	vadd.s32 $0x1926, v23  }
0xa3: {  	v25 =	vmov v48;
	[tilespmem:$0x1FB30] =	vst v23;
	v48 =	vadd.s32 $0x3436, v41;
	v1 =	vld.idx.msk [tilespmem:v1+s7+$0x0], $0xffff  }
0xa4: {  	v26 =	vmov v24;
	[tilespmem:$0x1FB50] =	vst v19;
	v24 =	vld.idx.msk [tilespmem:v16+s7+$0x0], $0xffff;
	v0 =	vadd.f32 v10, v0;
	v10 =	vadd.s32 $0x1926, v19  }
0xa5: {  	[tilespmem:$0x1FBD0] =	vst v5;
	v16 =	vadd.s32 $0x1926, v55;
	v8 =	vld.idx.msk [tilespmem:v35+s7+$0x0], $0xffff  }
0xa6: {  	v11 =	vadd.s32 $0x1926, v6;
	[tilespmem:$0x1FBF0] =	vst v3;
	v12 =	vld.idx.msk [tilespmem:v12+s7+$0x0], $0xffff;
	v0 =	vadd.f32 v7, v0  }
0xa7: {  	[tilespmem:$0x1FB80] =	vst v17;
	v7 =	vadd.s32 $0x3372, v5;
	v9 =	vld.idx.msk [tilespmem:v9+s7+$0x0], $0xffff  }
0xa8: {  	v54 =	vmovc v23;
	v53 =	vmovc v3;
	v3 =	vmov v17;
	v17 =	vadd.s32 $0x1926, v17;
	v23 =	vld.idx.msk [tilespmem:v48+s7+$0x0], $0xffff;
	v0 =	vadd.f32 v1, v0  }
0xa9: {  	[tilespmem:$0x1FB90] =	vst v18;
	v13 =	vadd.s32 $0x3372, v4;
	v10 =	vld.idx.msk [tilespmem:v10+s7+$0x0], $0xffff  }
0xaa: {  	v56 =	vmovc v5;
	v48 =	vmovc v19;
	v19 =	vld.idx.msk [tilespmem:v16+s7+$0x0], $0xffff;
	v5 =	vmov v18;
	v18 =	vadd.s32 $0x1926, v18;
	v0 =	vadd.f32 v8, v0  }
0xab: {  	v14 =	vadd.s32 $0x3372, v2;
	v8 =	vld.idx.msk [tilespmem:v11+s7+$0x0], $0xffff  }
0xac: {  	v7 =	vld.idx.msk [tilespmem:v7+s7+$0x0], $0xffff;
	v0 =	vadd.f32 v9, v0;
	v9 =	vadd.s32 $0x1926, v20  }
0xad: {  	v15 =	vor.u32 $0x1, v31;
	v1 =	vld.idx.msk [tilespmem:v17+s7+$0x0], $0xffff  }
0xae: {  	v0 =	vadd.f32 v10, v0;
	v10 =	vld.idx.msk [tilespmem:v13+s7+$0x0], $0xffff;
	v13 =	vor.u32 $0x5, v31  }
0xaf: {  	v16 =	vor.u32 $0x9, v31;
	v11 =	vld.idx.msk [tilespmem:v18+s7+$0x0], $0xffff  }
0xb0: {  	[tilespmem:$0x1FA10] =	vst v34;
	v17 =	vld.idx.msk [tilespmem:v14+s7+$0x0], $0xffff;
	v18 =	vor.u32 $0xD, v31;
	v0 =	vadd.f32 v8, v0  }
0xb1: {  	[tilespmem:$0x1FA20] =	vst v39;
	v7 =	vadd.f32 v12, v7;
	v12 =	vor.u32 $0x11, v31;
	v9 =	vld.idx.msk [tilespmem:v9+s7+$0x0], $0xffff  }
0xb2: {  	[tilespmem:v15+s9+$0x0] =	vst.idx.msk $0xffff, v34;
	v0 =	vadd.f32 v1, v0;
	v1 =	vor.u32 $0x15, v31  }
0xb3: {  	v7 =	vadd.f32 v10, v7;
	[tilespmem:v13+s9+$0x0] =	vst.idx.msk $0xffff, v39;
	v10 =	vor.u32 $0x19, v31  }
0xb4: {  	v0 =	vadd.f32 v11, v0;
	[tilespmem:v16+s9+$0x0] =	vst.idx.msk $0xffff, v24;
	v16 =	vor.u32 $0x1D, v31  }
0xb5: {  	v7 =	vadd.f32 v17, v7;
	[tilespmem:v18+s9+$0x0] =	vst.idx.msk $0xffff, v23;
	v17 =	vadd.s32 $0x33C3, v59  }
0xb6: {  	v34 =	vadd.s32 $0x341B, v57;
	v18 =	vadd.f32 v9, v0;
	[tilespmem:v12+s9+$0x0] =	vst.idx.msk $0xffff, v22  }
0xb7: {  	v13 =	vadd.s32 $0x3437, v41;
	v39 =	vmul.f32 $2.500000000e-01, v7;
	[tilespmem:v1+s9+$0x0] =	vst.idx.msk $0xffff, v19  }
0xb8: {  	v14 =	vadd.s32 $0xA67, v46;
	[tilespmem:v10+s9+$0x0] =	vst.idx.msk $0xffff, v18  }
0xb9: {  	v11 =	vadd.s32 $0x1927, v51;
	v51 =	vadd.s32 $0x1927, v40;
	[tilespmem:v16+s9+$0x0] =	vst.idx.msk $0xffff, v39  }
0xba: {  	v12 =	vadd.s32 $0x3423, v43;
	v8 =	vld.idx.msk [tilespmem:v17+s7+$0x0], $0xffff  }
0xbb: {  	v16 =	vadd.s32 $0x1927, v50;
	v34 =	vld.idx.msk [tilespmem:v34+s7+$0x0], $0xffff  }
0xbc: {  	[tilespmem:$0x1FB40] =	vst v39;
	v39 =	vadd.s32 $0x1927, v28;
	v7 =	vld.idx.msk [tilespmem:v13+s7+$0x0], $0xffff  }
0xbd: {  	[tilespmem:$0x1FA30] =	vst v24;
	v15 =	vadd.s32 $0x1927, v55;
	v9 =	vld.idx.msk [tilespmem:v14+s7+$0x0], $0xffff  }
0xbe: {  	[tilespmem:$0x1FAA0] =	vst v18;
	v18 =	vadd.s32 $0x1927, v21;
	v24 =	vld.idx.msk [tilespmem:v51+s7+$0x0], $0xffff  }
0xbf: {  	v17 =	vadd.s32 $0x1927, v49;
	v1 =	vld.idx.msk [tilespmem:v12+s7+$0x0], $0xffff  }
0xc0: {  	[tilespmem:$0x1FA80] =	vst v19;
	v19 =	vadd.s32 $0x1927, v52;
	v13 =	vld.idx.msk [tilespmem:v16+s7+$0x0], $0xffff  }
0xc1: {  	v21 =	vld.idx.msk [tilespmem:v39+s7+$0x0], $0xffff  }
0xc2: {  	v49 =	vadd.s32 $0x1927, v42;
	[tilespmem:$0x1F910] =	vst v8;
	v8 =	vld.idx.msk [tilespmem:v15+s7+$0x0], $0xffff  }
0xc3: {  	v39 =	vadd.s32 $0x1927, v27;
	v15 =	vld.idx.msk [tilespmem:v18+s7+$0x0], $0xffff  }
0xc4: {  	v42 =	vadd.s32 $0x1927, v45;
	[tilespmem:$0x1FBE0] =	vst v1;
	v1 =	vld.idx.msk [tilespmem:v17+s7+$0x0], $0xffff  }
0xc5: {  	[tilespmem:$0x1FAF0] =	vst v45;
	v45 =	vadd.s32 $0x1927, v47;
	v18 =	vld.idx.msk [tilespmem:v19+s7+$0x0], $0xffff  }
0xc6: {  	v14 =	vor.u32 s13, v30;
	v51 =	vadd.s32 $0x1927, v54;
	v19 =	vld.idx.msk [tilespmem:v11+s7+$0x0], $0xffff  }
0xc7: {  	[tilespmem:$0x1FA60] =	vst v22;
	v50 =	vshll.u32 v14, $0x5;
	v22 =	vld.idx.msk [tilespmem:v49+s7+$0x0], $0xffff  }
0xc8: {  	v28 =	vld.idx.msk [tilespmem:v39+s7+$0x0], $0xffff;
	[tilespmem:$0x1FC50] =	vst v8;
	v8 =	vand.u32 $0x7FFFFF80, v50  }
0xc9: {  	v52 =	vor.u32 v61, v8;
	v0 =	vor.u32 v29, v8;
	v29 =	vld.idx.msk [tilespmem:v42+s7+$0x0], $0xffff;
	v13 =	vadd.f32 v1, v13  }
0xca: {  	[tilespmem:$0x1FAC0] =	vst v40;
	v61 =	vadd.s32 $0x1927, v38;
	v40 =	vor.u32 v33, v8;
	v33 =	vld.idx.msk [tilespmem:v45+s7+$0x0], $0xffff  }
0xcb: {  	[tilespmem:$0x1FAD0] =	vst v38;
	v45 =	vld.idx.msk [tilespmem:v51+s7+$0x0], $0xffff;
	v13 =	vadd.f32 v15, v13  }
0xcc: {  	[tilespmem:$0x1FC20] =	vst v7;
	v38 =	vor.u32 v32, v8;
	v7 =	vor.u32 v63, v8;
	v63 =	vld [tilespmem:$0x1FEF0]  }
0xcd: {  	[tilespmem:$0x1FAE0] =	vst v27;
	v13 =	vadd.f32 v18, v13;
	v18 =	vld [tilespmem:$0x1FF40]  }
0xce: {  	[tilespmem:$0x1FA40] =	vst v23;
	v23 =	vor.u32 v36, v8;
	v30 =	vld.idx.msk [tilespmem:v52+s3+$0x0], $0xffff  }
0xcf: {  	[tilespmem:$0x1FB00] =	vst v47;
	v47 =	vor.u32 v37, v8;
	v27 =	vld.idx.msk [tilespmem:v61+s7+$0x0], $0xffff  }
0xd0: {  	[tilespmem:$0x1FB60] =	vst v6;
	v50 =	vadd.s32 $0x1927, v26;
	v10 =	vld.idx.msk [tilespmem:v0+s3+$0x0], $0xffff  }
0xd1: {  	[tilespmem:$0x1FC30] =	vst v2;
	v54 =	vadd.s32 $0x1927, v48;
	v16 =	vld.idx.msk [tilespmem:v38+s3+$0x0], $0xffff  }
0xd2: {  	[tilespmem:$0x1FBA0] =	vst v20;
	v35 =	vmov v6;
	v6 =	vmov v2;
	v2 =	vmov v20;
	v20 =	vld.idx.msk [tilespmem:v40+s3+$0x0], $0xffff  }
0xd3: {  	v11 =	vld.idx.msk [tilespmem:v23+s3+$0x0], $0xffff  }
0xd4: {  	v23 =	vadd.s32 $0x1927, v25;
	v12 =	vld.idx.msk [tilespmem:v47+s3+$0x0], $0xffff  }
0xd5: {  	v40 =	vld.idx.msk [tilespmem:v50+s7+$0x0], $0xffff;
	v0 =	vadd.s32 $0x1927, v35  }
0xd6: {  	v3 =	vadd.s32 $0x1927, v3;
	v38 =	vld.idx.msk [tilespmem:v54+s7+$0x0], $0xffff  }
0xd7: {  	v35 =	vld [tilespmem:$0x1FEE0]  }
0xd8: {  	v19 =	vadd.f32 v19, v13;
	v13 =	vld [tilespmem:$0x1FF30];
	v49 =	vadd.s32 $0x3B0, v30  }
0xd9: {  	v47 =	vadd.s32 $0x1927, v5;
	v5 =	vadd.s32 $0x3373, v6;
	v37 =	vld.idx.msk [tilespmem:v23+s7+$0x0], $0xffff  }
0xda: {  	v25 =	vadd.s32 $0xA43, v16;
	v42 =	vld.idx.msk [tilespmem:v0+s7+$0x0], $0xffff  }
0xdb: {  	v0 =	vadd.s32 $0x3373, v53;
	v53 =	vld.idx.msk [tilespmem:v3+s7+$0x0], $0xffff  }
0xdc: {  	v26 =	vadd.s32 $0xA59, v20;
	v52 =	vld.idx.msk [tilespmem:v10+s7+$0x0], $0xffff  }
0xdd: {  	v17 =	vld.idx.msk [tilespmem:v49+s7+$0x0], $0xffff  }
0xde: {  	v19 =	vadd.f32 v21, v19;
	v23 =	vadd.s32 $0xA5B, v11;
	v39 =	vld.idx.msk [tilespmem:v5+s7+$0x0], $0xffff  }
0xdf: {  	v61 =	vadd.s32 $0xA60, v12;
	v25 =	vld.idx.msk [tilespmem:v25+s7+$0x0], $0xffff  }
0xe0: {  	v5 =	vld [tilespmem:$0x1FF00];
	v19 =	vadd.f32 v22, v19  }
0xe1: {  	v26 =	vld.idx.msk [tilespmem:v26+s7+$0x0], $0xffff  }
0xe2: {  	v21 =	vor.u32 v13, v8;
	v13 =	vld [tilespmem:$0x1FF60];
	v19 =	vadd.f32 v24, v19;
	v17 =	vadd.f32 v17, v52  }
0xe3: {  	v23 =	vld.idx.msk [tilespmem:v23+s7+$0x0], $0xffff  }
0xe4: {  	v19 =	vadd.f32 v27, v19;
	v51 =	vld.idx.msk [tilespmem:v61+s7+$0x0], $0xffff;
	v17 =	vadd.f32 v25, v17;
	v25 =	vadd.s32 $0x1927, v2  }
0xe5: {  	[tilespmem:$0x1FC40] =	vst v9;
	v9 =	vadd.s32 $0x3373, v56;
	v49 =	vld.idx.msk [tilespmem:v47+s7+$0x0], $0xffff  }
0xe6: {  	v32 =	vshll.u32 v14, $0x7;
	v28 =	vadd.f32 v28, v19;
	v19 =	vld [tilespmem:$0x1FF80];
	v61 =	vadd.f32 v26, v17  }
0xe7: {  	v3 =	vor.u32 $0x20, v32;
	v2 =	vadd.s32 $0x3373, v4;
	v26 =	vld.idx.msk [tilespmem:v0+s7+$0x0], $0xffff  }
0xe8: {  	[tilespmem:$0x1FC10] =	vst v4;
	v4 =	vor.u32 v62, v8;
	v17 =	vld [tilespmem:$0x1FF70];
	v23 =	vadd.f32 v23, v61  }
0xe9: {  	v58 =	vor.u32 v58, v8;
	v47 =	vld.idx.msk [tilespmem:v25+s7+$0x0], $0xffff  }
0xea: {  	v6 =	vor.u32 v60, v8;
	v25 =	vadd.f32 v51, v23;
	v23 =	vld.idx.msk [tilespmem:v9+s7+$0x0], $0xffff  }
0xeb: {  	v9 =	vld [tilespmem:$0x1FED0]  }
0xec: {  	v52 =	vor.u32 v44, v8;
	v44 =	vor.u32 v35, v8;
	[tilespmem:v3+s9+$0x0] =	vst.idx.msk $0xffff, v25;
	v25 =	vld.idx.msk [tilespmem:v2+s7+$0x0], $0xffff  }
0xed: {  	v36 =	vld.idx.msk [tilespmem:v4+s3+$0x0], $0xffff  }
0xee: {  	v56 =	vld.idx.msk [tilespmem:v58+s3+$0x0], $0xffff  }
0xef: {  	v14 =	vld.idx.msk [tilespmem:v6+s3+$0x0], $0xffff;
	v4 =	vor.u32 v63, v8  }
0xf0: {  	v63 =	vld.idx.msk [tilespmem:v7+s3+$0x0], $0xffff;
	v6 =	vor.u32 v5, v8  }
0xf1: {  	v51 =	vld.idx.msk [tilespmem:v44+s3+$0x0], $0xffff  }
0xf2: {  	v58 =	vor.u32 v9, v8;
	v9 =	vld [tilespmem:$0x1FF10]  }
0xf3: {  	v7 =	vshll.u32 v36, $0x2;
	v36 =	vld.idx.msk [tilespmem:v52+s3+$0x0], $0xffff  }
0xf4: {  	v15 =	vshll.u32 v56, $0x2;
	v62 =	vld.idx.msk [tilespmem:v4+s3+$0x0], $0xffff;
	v35 =	vadd.s32 $0x1925, v7  }
0xf5: {  	v4 =	vld.idx.msk [tilespmem:v6+s3+$0x0], $0xffff;
	v44 =	vadd.s32 $0x1925, v15  }
0xf6: {  	v61 =	vshll.u32 v63, $0x2;
	[tilespmem:$0x1FCC0] =	vst v7;
	v7 =	vld [tilespmem:$0x1FF20]  }
0xf7: {  	v54 =	vshll.u32 v14, $0x2;
	v14 =	vadd.s32 $0x1925, v61;
	v56 =	vld.idx.msk [tilespmem:v58+s3+$0x0], $0xffff  }
0xf8: {  	v52 =	vor.u32 v9, v8;
	v58 =	vld [tilespmem:$0x1FFD0]  }
0xf9: {  	v9 =	vadd.s32 $0x1925, v54;
	v63 =	vld.idx.msk [tilespmem:v35+s7+$0x0], $0xffff  }
0xfa: {  	[tilespmem:$0x1FCD0] =	vst v15;
	v15 =	vld.idx.msk [tilespmem:v44+s7+$0x0], $0xffff  }
0xfb: {  	v0 =	vor.u32 v7, v8;
	v7 =	vld [tilespmem:$0x1FF50]  }
0xfc: {  	v50 =	vshll.u32 v36, $0x2;
	v35 =	vor.u32 v18, v8;
	v2 =	vld.idx.msk [tilespmem:v14+s7+$0x0], $0xffff  }
0xfd: {  	[tilespmem:$0x1FCE0] =	vst v54;
	v54 =	vshll.u32 v51, $0x2;
	v44 =	vadd.s32 $0x1925, v50;
	v52 =	vld.idx.msk [tilespmem:v52+s3+$0x0], $0xffff  }
0xfe: {  	v14 =	vadd.s32 $0x1925, v54;
	v1 =	vld.idx.msk [tilespmem:v9+s7+$0x0], $0xffff  }
0xff: {  	v60 =	vshll.u32 v56, $0x2;
	v56 =	vld.idx.msk [tilespmem:v21+s3+$0x0], $0xffff  }
0x100: {  	v18 =	vor.u32 v17, v8;
	v5 =	vld.idx.msk [tilespmem:v0+s3+$0x0], $0xffff  }
0x101: {  	v51 =	vld.idx.msk [tilespmem:v35+s3+$0x0], $0xffff  }
0x102: {  	v0 =	vld.idx.msk [tilespmem:v44+s7+$0x0], $0xffff  }
0x103: {  	v28 =	vadd.f32 v29, v28;
	v29 =	vld.idx.msk [tilespmem:v14+s7+$0x0], $0xffff  }
0x104: {  	v9 =	vadd.s32 $0x1925, v60;
	v35 =	vld [tilespmem:$0x1FF90]  }
0x105: {  	v28 =	vadd.f32 v33, v28;
	v24 =	vor.u32 v7, v8;
	v7 =	vld.idx.msk [tilespmem:v18+s3+$0x0], $0xffff  }
0x106: {  	v27 =	vor.u32 v13, v8;
	v36 =	vadd.f32 v15, v63;
	v14 =	vld [tilespmem:$0x1FFA0];
	v33 =	vshll.u32 v52, $0x2  }
0x107: {  	v28 =	vadd.f32 v37, v28;
	v18 =	vld [tilespmem:$0x1FFB0];
	v48 =	vadd.s32 $0x1925, v33  }
0x108: {  	v15 =	vshll.u32 v62, $0x2;
	v62 =	vld [tilespmem:$0x1FFC0];
	v1 =	vadd.f32 v1, v36  }
0x109: {  	v28 =	vadd.f32 v40, v28;
	v22 =	vshll.u32 v4, $0x2;
	v4 =	vor.u32 v19, v8;
	v3 =	vld.idx.msk [tilespmem:v9+s7+$0x0], $0xffff  }
0x10a: {  	v17 =	vshll.u32 v56, $0x2;
	v1 =	vadd.f32 v2, v1;
	v6 =	vld.idx.msk [tilespmem:v24+s3+$0x0], $0xffff;
	v24 =	vadd.s32 $0x1925, v15  }
0x10b: {  	v2 =	vld.idx.msk [tilespmem:v27+s3+$0x0], $0xffff;
	v44 =	vor.u32 v35, v8;
	v35 =	vadd.s32 $0x1925, v17  }
0x10c: {  	v40 =	vadd.f32 v45, v28;
	v0 =	vadd.f32 v0, v1;
	v45 =	vld.idx.msk [tilespmem:v48+s7+$0x0], $0xffff  }
0x10d: {  	v27 =	vadd.s32 $0x1925, v22;
	v48 =	vld [tilespmem:$0x1FFF0]  }
0x10e: {  	v0 =	vadd.f32 v3, v0;
	v3 =	vld.idx.msk [tilespmem:v4+s3+$0x0], $0xffff  }
0x10f: {  	v38 =	vadd.f32 v38, v40;
	v36 =	vmov v15;
	v15 =	vor.u32 v14, v8;
	v13 =	vld.idx.msk [tilespmem:v24+s7+$0x0], $0xffff  }
0x110: {  	v63 =	vshll.u32 v5, $0x2;
	v19 =	vor.u32 v18, v8;
	v9 =	vor.u32 v62, v8;
	v62 =	vld.idx.msk [tilespmem:v35+s7+$0x0], $0xffff  }
0x111: {  	v28 =	vshll.u32 v20, $0x2;
	v38 =	vadd.f32 v42, v38;
	v4 =	vadd.s32 $0x1925, v63;
	v35 =	vld [tilespmem:$0x1FFE0]  }
0x112: {  	v27 =	vld.idx.msk [tilespmem:v27+s7+$0x0], $0xffff;
	v24 =	vmovc v63;
	v63 =	vshll.u32 v51, $0x2;
	v40 =	vshll.u32 v6, $0x2;
	v6 =	vadd.s32 $0x3419, v28  }
0x113: {  	v1 =	vld.idx.msk [tilespmem:v44+s3+$0x0], $0xffff;
	v37 =	vadd.s32 $0x1925, v63  }
0x114: {  	v38 =	vadd.f32 v53, v38;
	[tilespmem:$0x1FD40] =	vst v60;
	v0 =	vadd.f32 v29, v0;
	v14 =	vld.idx.msk [tilespmem:v15+s3+$0x0], $0xffff  }
0x115: {  	v60 =	vor.u32 v58, v8;
	v58 =	vadd.f32 v26, v23;
	[tilespmem:$0x1F9F0] =	vst v17;
	v17 =	vld.idx.msk [tilespmem:v19+s3+$0x0], $0xffff  }
0x116: {  	v4 =	vld.idx.msk [tilespmem:v4+s7+$0x0], $0xffff;
	v0 =	vadd.f32 v13, v0;
	v44 =	vor.u32 v35, v8;
	v8 =	vor.u32 v48, v8  }
0x117: {  	v53 =	vadd.f32 v49, v38;
	v38 =	vshll.u32 v12, $0x2;
	v13 =	vadd.f32 v25, v58;
	v15 =	vld.idx.msk [tilespmem:v6+s7+$0x0], $0xffff  }
0x118: {  	v35 =	vshll.u32 v11, $0x2;
	v48 =	vadd.s32 $0x3435, v38;
	v20 =	vld.idx.msk [tilespmem:v37+s7+$0x0], $0xffff;
	v0 =	vadd.f32 v27, v0  }
0x119: {  	v56 =	vadd.s32 $0x3421, v35;
	v13 =	vadd.f32 v39, v13;
	v39 =	vld [tilespmem:$0x1FC40]  }
0x11a: {  	v27 =	vadd.s32 $0x1925, v40;
	v0 =	vadd.f32 v45, v0;
	v45 =	vshll.u32 v16, $0x2;
	v16 =	vld.idx.msk [tilespmem:v9+s3+$0x0], $0xffff  }
0x11b: {  	v29 =	vld.idx.msk [tilespmem:v8+s3+$0x0], $0xffff  }
0x11c: {  	v37 =	vadd.s32 $0x33C1, v45;
	v0 =	vadd.f32 v4, v0;
	v4 =	vld.idx.msk [tilespmem:v60+s3+$0x0], $0xffff  }
0x11d: {  	v26 =	vld.idx.msk [tilespmem:v48+s7+$0x0], $0xffff  }
0x11e: {  	v52 =	vld.idx.msk [tilespmem:v56+s7+$0x0], $0xffff  }
0x11f: {  	v21 =	vshll.u32 v10, $0x2;
	v42 =	vshll.u32 v7, $0x2;
	v49 =	vld.idx.msk [tilespmem:v27+s7+$0x0], $0xffff;
	v0 =	vadd.f32 v62, v0  }
0x120: {  	v58 =	vor.u32 $0x2, v31;
	v60 =	vshll.u32 v2, $0x2;
	v56 =	vadd.s32 $0x1925, v42;
	v27 =	vld.idx.msk [tilespmem:v44+s3+$0x0], $0xffff  }
0x121: {  	v62 =	vadd.s32 $0xA65, v21;
	v0 =	vadd.f32 v20, v0;
	v19 =	vld.idx.msk [tilespmem:v37+s7+$0x0], $0xffff;
	v37 =	vshll.u32 v4, $0x2  }
0x122: {  	v20 =	vshll.u32 v30, $0x2;
	v30 =	vadd.s32 $0x1925, v60;
	[tilespmem:$0x1FA70] =	vst v37;
	v2 =	vadd.s32 $0x3371, v37;
	v37 =	vld [tilespmem:$0x1F910]  }
0x123: {  	v48 =	vor.u32 $0x6, v31;
	v44 =	vld [tilespmem:$0x1FBE0];
	v12 =	vshll.u32 v16, $0x2  }
0x124: {  	v16 =	vld [tilespmem:$0x1FC50];
	v18 =	vadd.s32 $0x1925, v20;
	v11 =	vadd.f32 v49, v0;
	v49 =	vshll.u32 v3, $0x2  }
0x125: {  	[tilespmem:$0x1FBB0] =	vst v34;
	v9 =	vld.idx.msk [tilespmem:v56+s7+$0x0], $0xffff;
	v0 =	vadd.s32 $0x1925, v49  }
0x126: {  	[tilespmem:$0x1FBC0] =	vst v54;
	v23 =	vld.idx.msk [tilespmem:v62+s7+$0x0], $0xffff;
	v62 =	vadd.s32 $0x3371, v12  }
0x127: {  	v51 =	vmovc v45;
	v45 =	vshll.u32 v1, $0x2;
	v1 =	vor.u32 $0xA, v31;
	v27 =	vshll.u32 v27, $0x2;
	v30 =	vld.idx.msk [tilespmem:v30+s7+$0x0], $0xffff;
	[tilespmem:v58+s9+$0x0] =	vst.idx.msk $0xffff, v37  }
0x128: {  	v6 =	vor.u32 $0xE, v31;
	v5 =	vadd.s32 $0x3371, v27;
	[tilespmem:v48+s9+$0x0] =	vst.idx.msk $0xffff, v34;
	v34 =	vld [tilespmem:$0x1FC20]  }
0x129: {  	v10 =	vadd.s32 $0x1925, v45;
	[tilespmem:$0x1FA50] =	vst v49;
	v49 =	vshll.u32 v14, $0x2;
	v14 =	vor.u32 $0x12, v31;
	v25 =	vld.idx.msk [tilespmem:v18+s7+$0x0], $0xffff  }
0x12a: {  	[tilespmem:$0x1FD20] =	vst v26;
	v3 =	vadd.s32 $0x1925, v49;
	v58 =	vshll.u32 v29, $0x2;
	v7 =	vld.idx.msk [tilespmem:v0+s7+$0x0], $0xffff;
	v0 =	vor.u32 $0x16, v31  }
0x12b: {  	v8 =	vor.u32 $0x1A, v31;
	[tilespmem:$0x1FA90] =	vst v49;
	v4 =	vld.idx.msk [tilespmem:v62+s7+$0x0], $0xffff;
	v62 =	vadd.s32 $0x3371, v58  }
0x12c: {  	v56 =	vor.u32 $0x1E, v31;
	v2 =	vld.idx.msk [tilespmem:v2+s7+$0x0], $0xffff;
	v48 =	vshll.u32 v17, $0x2;
	[tilespmem:v1+s9+$0x0] =	vst.idx.msk $0xffff, v44  }
0x12d: {  	v5 =	vld.idx.msk [tilespmem:v5+s7+$0x0], $0xffff;
	v49 =	vadd.f32 v30, v11;
	v30 =	vadd.s32 $0x1925, v48;
	[tilespmem:v6+s9+$0x0] =	vst.idx.msk $0xffff, v34  }
0x12e: {  	v43 =	vadd.s32 $0x3424, v43;
	v44 =	vadd.f32 v47, v53;
	v47 =	vor.u32 $0x4, v32;
	v6 =	vld.idx.msk [tilespmem:v10+s7+$0x0], $0xffff;
	[tilespmem:v14+s9+$0x0] =	vst.idx.msk $0xffff, v39  }
0x12f: {  	v18 =	vld.idx.msk [tilespmem:v3+s7+$0x0], $0xffff;
	v53 =	vor.u32 $0x8, v32;
	v9 =	vadd.f32 v9, v49;
	v49 =	vmul.f32 $2.500000000e-01, v13;
	[tilespmem:v0+s9+$0x0] =	vst.idx.msk $0xffff, v16  }
0x130: {  	[tilespmem:v8+s9+$0x0] =	vst.idx.msk $0xffff, v44;
	v8 =	vld.idx.msk [tilespmem:v62+s7+$0x0], $0xffff;
	v62 =	vor.u32 $0xC, v32  }
0x131: {  	v7 =	vadd.f32 v7, v9;
	v16 =	vld [tilespmem:$0x1FD40];
	[tilespmem:v56+s9+$0x0] =	vst.idx.msk $0xffff, v49  }
0x132: {  	v2 =	vadd.f32 v2, v4;
	v56 =	vadd.s32 $0x33C4, v59;
	v59 =	vld.idx.msk [tilespmem:v30+s7+$0x0], $0xffff;
	[tilespmem:v32+s9+$0x0] =	vst.idx.msk $0xffff, v19  }
0x133: {  	v34 =	vor.u32 $0x10, v32;
	v6 =	vadd.f32 v6, v7;
	v7 =	vadd.s32 $0x341C, v57;
	[tilespmem:v47+s9+$0x0] =	vst.idx.msk $0xffff, v15;
	v57 =	vld [tilespmem:$0x1FCD0]  }
0x134: {  	v39 =	vor.u32 $0x14, v32;
	v43 =	vld.idx.msk [tilespmem:v43+s7+$0x0], $0xffff;
	[tilespmem:v53+s9+$0x0] =	vst.idx.msk $0xffff, v52  }
0x135: {  	v2 =	vadd.f32 v5, v2;
	[tilespmem:v62+s9+$0x0] =	vst.idx.msk $0xffff, v26;
	v62 =	vld [tilespmem:$0x1FCC0]  }
0x136: {  	[tilespmem:$0x1FD10] =	vst v52;
	v47 =	vor.u32 $0x18, v32;
	v52 =	vadd.s32 $0x3438, v41;
	v0 =	vadd.f32 v18, v6;
	v26 =	vld [tilespmem:$0x1FCE0]  }
0x137: {  	[tilespmem:$0x1FCF0] =	vst v19;
	v53 =	vor.u32 $0x1C, v32;
	v19 =	vld.idx.msk [tilespmem:v56+s7+$0x0], $0xffff  }
0x138: {  	v54 =	vadd.s32 $0x1926, v54;
	v2 =	vadd.f32 v8, v2;
	v6 =	vadd.f32 v59, v0;
	[tilespmem:v34+s9+$0x0] =	vst.idx.msk $0xffff, v23;
	v59 =	vld [tilespmem:$0x1F930]  }
0x139: {  	[tilespmem:v39+s9+$0x0] =	vst.idx.msk $0xffff, v25;
	v1 =	vld.idx.msk [tilespmem:v7+s7+$0x0], $0xffff  }
0x13a: {  	v34 =	vadd.s32 $0x1926, v57;
	v41 =	vmul.f32 $2.500000000e-01, v2;
	[tilespmem:$0x1FE10] =	vst v43;
	v43 =	vld [tilespmem:$0x1F940]  }
0x13b: {  	v39 =	vadd.s32 $0xA68, v46;
	[tilespmem:v47+s9+$0x0] =	vst.idx.msk $0xffff, v6;
	v47 =	vld.idx.msk [tilespmem:v52+s7+$0x0], $0xffff  }
0x13c: {  	v52 =	vadd.s32 $0x1928, v55;
	v55 =	vld [tilespmem:$0x1F920];
	[tilespmem:v53+s9+$0x0] =	vst.idx.msk $0xffff, v41  }
0x13d: {  	v9 =	vld.idx.msk [tilespmem:v54+s7+$0x0], $0xffff  }
0x13e: {  	[tilespmem:$0x1FB70] =	vst v61;
	v53 =	vadd.s32 $0x1926, v61;
	v61 =	vadd.s32 $0x1928, v59;
	v59 =	vld [tilespmem:$0x1F990]  }
0x13f: {  	v0 =	vld.idx.msk [tilespmem:v34+s7+$0x0], $0xffff  }
0x140: {  	[tilespmem:$0x1FE00] =	vst v19;
	v19 =	vld.idx.msk [tilespmem:v39+s7+$0x0], $0xffff  }
0x141: {  	[tilespmem:$0x1FDA0] =	vst v41;
	v41 =	vadd.s32 $0x1926, v16;
	v11 =	vadd.s32 $0x1928, v43;
	v43 =	vld [tilespmem:$0x1F980]  }
0x142: {  	v18 =	vadd.s32 $0x1926, v62;
	v39 =	vld.idx.msk [tilespmem:v52+s7+$0x0], $0xffff  }
0x143: {  	v46 =	vadd.s32 $0x1926, v26;
	v52 =	vld [tilespmem:$0x1F960]  }
0x144: {  	v56 =	vadd.s32 $0x1928, v55;
	v55 =	vld [tilespmem:$0x1F970]  }
0x145: {  	v7 =	vld.idx.msk [tilespmem:v53+s7+$0x0], $0xffff  }
0x146: {  	v3 =	vld.idx.msk [tilespmem:v41+s7+$0x0], $0xffff  }
0x147: {  	v34 =	vadd.s32 $0x1926, v50;
	v5 =	vld.idx.msk [tilespmem:v18+s7+$0x0], $0xffff  }
0x148: {  	v2 =	vld.idx.msk [tilespmem:v46+s7+$0x0], $0xffff  }
0x149: {  	v46 =	vld [tilespmem:$0x1F950]  }
0x14a: {  	v18 =	vld [tilespmem:$0x1F9B0]  }
0x14b: {  	v10 =	vld.idx.msk [tilespmem:v61+s7+$0x0], $0xffff  }
0x14c: {  	v4 =	vld.idx.msk [tilespmem:v34+s7+$0x0], $0xffff  }
0x14d: {  	v34 =	vadd.s32 $0x1928, v59;
	v14 =	vld.idx.msk [tilespmem:v11+s7+$0x0], $0xffff  }
0x14e: {  	[tilespmem:$0x1FCA0] =	vst v19;
	v11 =	vadd.s32 $0x1926, v22;
	v19 =	vld [tilespmem:$0x1F9C0]  }
0x14f: {  	v59 =	vadd.s32 $0x33C2, v51;
	v8 =	vld.idx.msk [tilespmem:v56+s7+$0x0], $0xffff  }
0x150: {  	v56 =	vadd.s32 $0x1928, v55;
	v0 =	vadd.f32 v0, v5;
	v5 =	vld [tilespmem:$0x1F9A0]  }
0x151: {  	v17 =	vadd.s32 $0x3422, v35;
	v53 =	vmul.f32 v52, v52;
	v30 =	vadd.f32 v52, v46;
	v52 =	vld [tilespmem:$0x1FA00]  }
0x152: {  	v55 =	vld.idx.msk [tilespmem:v34+s7+$0x0], $0xffff  }
0x153: {  	[tilespmem:$0x1FC90] =	vst v47;
	v47 =	vmul.f32 v46, v46;
	v11 =	vld.idx.msk [tilespmem:v11+s7+$0x0], $0xffff  }
0x154: {  	[tilespmem:$0x1FD70] =	vst v25;
	v25 =	vld.idx.msk [tilespmem:v59+s7+$0x0], $0xffff  }
0x155: {  	[tilespmem:$0x1FCB0] =	vst v39;
	v46 =	vmul.f32 v43, v43;
	v39 =	vadd.s32 $0x1928, v18;
	v13 =	vadd.f32 v53, v47;
	v54 =	vld.idx.msk [tilespmem:v56+s7+$0x0], $0xffff  }
0x156: {  	v30 =	vadd.f32 v43, v30;
	v47 =	vadd.s32 $0x1926, v36;
	v56 =	vld.idx.msk [tilespmem:v17+s7+$0x0], $0xffff  }
0x157: {  	v0 =	vadd.f32 v2, v0;
	v13 =	vadd.f32 v46, v13;
	v46 =	vld [tilespmem:$0x1F9D0]  }
0x158: {  	v8 =	vadd.f32 v10, v8;
	v10 =	vld [tilespmem:$0x1FAD0];
	v30 =	vadd.f32 v5, v30  }
0x159: {  	v59 =	vmov v63;
	v63 =	vadd.s32 $0x1926, v63;
	v0 =	vadd.f32 v7, v0;
	v7 =	vld [tilespmem:$0x1FA20]  }
0x15a: {  	v29 =	vld.idx.msk [tilespmem:v39+s7+$0x0], $0xffff;
	v30 =	vadd.f32 v19, v30  }
0x15b: {  	[tilespmem:$0x1FD80] =	vst v6;
	v17 =	vadd.s32 $0x1926, v60;
	v6 =	vmul.f32 v5, v5;
	v2 =	vld.idx.msk [tilespmem:v47+s7+$0x0], $0xffff  }
0x15c: {  	v47 =	vmul.f32 v46, v46;
	v30 =	vadd.f32 v46, v30;
	v46 =	vld [tilespmem:$0x1F9E0]  }
0x15d: {  	v61 =	vmov v36;
	v36 =	vmul.f32 v19, v19;
	v5 =	vld [tilespmem:$0x1FA10];
	v13 =	vadd.f32 v6, v13  }
0x15e: {  	v0 =	vadd.f32 v4, v0;
	v39 =	vld.idx.msk [tilespmem:v63+s7+$0x0], $0xffff  }
0x15f: {  	v8 =	vadd.f32 v14, v8;
	v4 =	vadd.s32 $0x1926, v33;
	v19 =	vld [tilespmem:$0x1FA40];
	v13 =	vadd.f32 v36, v13  }
0x160: {  	[tilespmem:$0x1FDB0] =	vst v51;
	v18 =	vmovc v51;
	v51 =	vadd.s32 $0x341A, v28;
	v0 =	vadd.f32 v3, v0;
	v3 =	vadd.s32 $0x1926, v24;
	v17 =	vld.idx.msk [tilespmem:v17+s7+$0x0], $0xffff  }
0x161: {  	v8 =	vadd.f32 v54, v8;
	v36 =	vld [tilespmem:$0x1F9F0];
	v13 =	vadd.f32 v47, v13;
	v47 =	vmul.f32 v46, v46  }
0x162: {  	[tilespmem:$0x1FC70] =	vst v1;
	v0 =	vadd.f32 v9, v0;
	v6 =	vmul.f32 v5, v5;
	v1 =	vadd.f32 v7, v5;
	v5 =	vld [tilespmem:$0x1FAB0]  }
0x163: {  	v53 =	vmul.f32 v52, v52;
	v8 =	vadd.f32 v55, v8;
	v55 =	vld [tilespmem:$0x1FB80];
	v13 =	vadd.f32 v47, v13  }
0x164: {  	v4 =	vld.idx.msk [tilespmem:v4+s7+$0x0], $0xffff  }
0x165: {  	[tilespmem:$0x1FD00] =	vst v15;
	v0 =	vadd.f32 v2, v0;
	v15 =	vadd.f32 v53, v13;
	v53 =	vld [tilespmem:$0x1FA30]  }
0x166: {  	v2 =	vadd.s32 $0x1926, v20;
	v8 =	vadd.f32 v29, v8;
	v29 =	vld [tilespmem:$0x1FCA0];
	v30 =	vadd.f32 v46, v30  }
0x167: {  	v3 =	vld.idx.msk [tilespmem:v3+s7+$0x0], $0xffff;
	v9 =	vadd.s32 $0x1926, v36;
	v0 =	vadd.f32 v11, v0  }
0x168: {  	v11 =	vadd.s32 $0x1926, v40;
	v43 =	vadd.f32 v52, v30;
	v52 =	vld.idx.msk [tilespmem:v51+s7+$0x0], $0xffff;
	v13 =	vmul.f32 v7, v7  }
0x169: {  	v51 =	vld [tilespmem:$0x1FA50]  }
0x16a: {  	[tilespmem:$0x1FDF0] =	vst v21;
	v47 =	vadd.s32 $0xA66, v21;
	v30 =	vld [tilespmem:$0x1FA70];
	v34 =	vadd.f32 v13, v6;
	v7 =	vmul.f32 v53, v53  }
0x16b: {  	[tilespmem:$0x1FD50] =	vst v23;
	v23 =	vmov v21;
	v21 =	vld.idx.msk [tilespmem:v2+s7+$0x0], $0xffff;
	v2 =	vadd.s32 $0x3372, v27  }
0x16c: {  	v46 =	vadd.s32 $0x3436, v38;
	v9 =	vld.idx.msk [tilespmem:v9+s7+$0x0], $0xffff;
	v13 =	vadd.f32 v7, v34;
	v34 =	vmul.f32 v19, v19  }
0x16d: {  	v0 =	vadd.f32 v4, v0;
	v11 =	vld.idx.msk [tilespmem:v11+s7+$0x0], $0xffff  }
0x16e: {  	v41 =	vadd.f32 v34, v13;
	v13 =	vld [tilespmem:$0x1FA60]  }
0x16f: {  	v0 =	vadd.f32 v3, v0;
	v63 =	vld.idx.msk [tilespmem:v47+s7+$0x0], $0xffff  }
0x170: {  	v2 =	vld.idx.msk [tilespmem:v2+s7+$0x0], $0xffff;
	v1 =	vadd.f32 v53, v1  }
0x171: {  	v4 =	vadd.s32 $0x1926, v51;
	v53 =	vld.idx.msk [tilespmem:v46+s7+$0x0], $0xffff;
	v0 =	vadd.f32 v9, v0  }
0x172: {  	v3 =	vadd.s32 $0x3372, v30;
	v1 =	vadd.f32 v19, v1;
	v34 =	vld [tilespmem:$0x1FA80]  }
0x173: {  	v46 =	vadd.s32 $0x1926, v42;
	v7 =	vld [tilespmem:$0x1FAC0];
	v0 =	vadd.f32 v39, v0;
	v19 =	vmul.f32 v13, v13  }
0x174: {  	v9 =	vadd.s32 $0x3372, v12;
	v1 =	vadd.f32 v13, v1;
	v13 =	vld [tilespmem:$0x1FAA0]  }
0x175: {  	v0 =	vadd.f32 v11, v0;
	v41 =	vadd.f32 v19, v41;
	v19 =	vld [tilespmem:$0x1FA90]  }
0x176: {  	v39 =	vadd.s32 $0x1926, v45;
	v6 =	vld.idx.msk [tilespmem:v4+s7+$0x0], $0xffff  }
0x177: {  	[tilespmem:$0x1FC60] =	vst v12;
	v3 =	vld.idx.msk [tilespmem:v3+s7+$0x0], $0xffff;
	v0 =	vadd.f32 v17, v0;
	v17 =	vadd.s32 $0x1926, v48;
	v12 =	vmul.f32 v34, v34  }
0x178: {  	v46 =	vld.idx.msk [tilespmem:v46+s7+$0x0], $0xffff;
	v1 =	vadd.f32 v34, v1;
	v34 =	vadd.s32 $0x3372, v58  }
0x179: {  	[tilespmem:$0x1FDC0] =	vst v28;
	v9 =	vld.idx.msk [tilespmem:v9+s7+$0x0], $0xffff;
	v41 =	vadd.f32 v12, v41;
	v47 =	vmul.f32 v13, v13  }
0x17a: {  	[tilespmem:$0x1FDE0] =	vst v38;
	v12 =	vadd.f32 v13, v1;
	v13 =	vld [tilespmem:$0x1FAE0];
	v11 =	vadd.s32 $0x1926, v19  }
0x17b: {  	[tilespmem:$0x1FC00] =	vst v22;
	v22 =	vmovc v28;
	v28 =	vmov v35;
	v39 =	vld.idx.msk [tilespmem:v39+s7+$0x0], $0xffff;
	v41 =	vadd.f32 v47, v41;
	v47 =	vadd.s32 $0x1928, v5  }
0x17c: {  	[tilespmem:$0x1FDD0] =	vst v35;
	v35 =	vmovc v38;
	v38 =	vmovc v60;
	v60 =	vmov v20;
	v20 =	vmov v48;
	v48 =	vor.u32 $0x1, v32;
	v14 =	vld.idx.msk [tilespmem:v17+s7+$0x0], $0xffff  }
0x17d: {  	v1 =	vor.u32 $0x5, v32;
	v4 =	vld.idx.msk [tilespmem:v34+s7+$0x0], $0xffff  }
0x17e: {  	v5 =	vor.u32 $0x9, v32;
	v34 =	vld [tilespmem:$0x1FAF0]  }
0x17f: {  	v0 =	vadd.f32 v46, v0;
	v46 =	vadd.s32 $0x1928, v7;
	v7 =	vadd.s32 $0x1928, v13;
	v11 =	vld.idx.msk [tilespmem:v11+s7+$0x0], $0xffff  }
0x180: {  	v3 =	vadd.f32 v3, v9;
	v17 =	vld.idx.msk [tilespmem:v47+s7+$0x0], $0xffff  }
0x181: {  	[tilespmem:v48+s9+$0x0] =	vst.idx.msk $0xffff, v25;
	v47 =	vld [tilespmem:$0x1FB00]  }
0x182: {  	v10 =	vadd.s32 $0x1928, v10;
	v2 =	vadd.f32 v2, v3;
	v48 =	vld [tilespmem:$0x1FB10];
	[tilespmem:v1+s9+$0x0] =	vst.idx.msk $0xffff, v52  }
0x183: {  	[tilespmem:v5+s9+$0x0] =	vst.idx.msk $0xffff, v56;
	v5 =	vld [tilespmem:$0x1FB20]  }
0x184: {  	v2 =	vadd.f32 v4, v2;
	v4 =	vld.idx.msk [tilespmem:v7+s7+$0x0], $0xffff  }
0x185: {  	v0 =	vadd.f32 v6, v0;
	v6 =	vor.u32 $0xD, v32;
	v9 =	vadd.s32 $0x1928, v34;
	v7 =	vld [tilespmem:$0x1FB30]  }
0x186: {  	v34 =	vld [tilespmem:$0x1FB40]  }
0x187: {  	v10 =	vld.idx.msk [tilespmem:v10+s7+$0x0], $0xffff;
	v0 =	vadd.f32 v39, v0;
	v39 =	vadd.s32 $0x1928, v47  }
0x188: {  	[tilespmem:$0x1FC80] =	vst v27;
	v27 =	vld [tilespmem:$0x1FC70];
	v3 =	vadd.s32 $0x1928, v48  }
0x189: {  	v13 =	vld.idx.msk [tilespmem:v46+s7+$0x0], $0xffff;
	v46 =	vor.u32 $0x15, v32;
	v47 =	vor.u32 $0x11, v32;
	v0 =	vadd.f32 v11, v0  }
0x18a: {  	[tilespmem:v6+s9+$0x0] =	vst.idx.msk $0xffff, v53;
	v48 =	vor.u32 $0x19, v32;
	v9 =	vld.idx.msk [tilespmem:v9+s7+$0x0], $0xffff;
	v11 =	vadd.s32 $0x1928, v5;
	v6 =	vadd.s32 $0x1928, v7  }
0x18b: {  	v7 =	vadd.f32 v34, v12;
	v12 =	vmul.f32 v34, v34;
	v34 =	vadd.f32 v14, v0;
	v14 =	vld [tilespmem:$0x1FB70]  }
0x18c: {  	[tilespmem:$0x1FD60] =	vst v25;
	v5 =	vor.u32 $0x1D, v32;
	v0 =	vld.idx.msk [tilespmem:v39+s7+$0x0], $0xffff  }
0x18d: {  	[tilespmem:$0x1FD90] =	vst v21;
	v1 =	vadd.s32 $0x1927, v62;
	v25 =	vmul.f32 $2.500000000e-01, v2;
	v2 =	vadd.f32 v17, v8;
	v3 =	vld.idx.msk [tilespmem:v3+s7+$0x0], $0xffff  }
0x18e: {  	v8 =	vadd.s32 $0x1927, v16;
	v16 =	vmov v37;
	[tilespmem:v47+s9+$0x0] =	vst.idx.msk $0xffff, v63;
	v47 =	vmul.f32 v37, v37;
	v37 =	vld [tilespmem:$0x1FC20]  }
0x18f: {  	[tilespmem:v46+s9+$0x0] =	vst.idx.msk $0xffff, v21;
	v21 =	vld [tilespmem:$0x1FB50]  }
0x190: {  	[tilespmem:v48+s9+$0x0] =	vst.idx.msk $0xffff, v34;
	v11 =	vld.idx.msk [tilespmem:v11+s7+$0x0], $0xffff  }
0x191: {  	v39 =	vadd.s32 $0x1927, v57;
	v48 =	vmul.f32 v43, v43;
	[tilespmem:v5+s9+$0x0] =	vst.idx.msk $0xffff, v25;
	v6 =	vld.idx.msk [tilespmem:v6+s7+$0x0], $0xffff  }
0x192: {  	v12 =	vadd.f32 v12, v41;
	v41 =	vadd.s32 $0x1927, v50;
	v1 =	vld.idx.msk [tilespmem:v1+s7+$0x0], $0xffff  }
0x193: {  	v5 =	vsub.f32 v48, v15;
	v15 =	vadd.s32 $0x1928, v55;
	v55 =	vld [tilespmem:$0x1FBA0]  }
0x194: {  	v8 =	vld.idx.msk [tilespmem:v8+s7+$0x0], $0xffff;
	v62 =	vadd.s32 $0x1928, v21  }
0x195: {  	v57 =	vadd.s32 $0x1927, v26;
	v21 =	vld [tilespmem:$0x1FB60]  }
0x196: {  	v7 =	vmul.f32 v7, v7;
	v39 =	vld.idx.msk [tilespmem:v39+s7+$0x0], $0xffff  }
0x197: {  	v41 =	vld.idx.msk [tilespmem:v41+s7+$0x0], $0xffff  }
0x198: {  	v7 =	vsub.f32 v7, v12;
	v17 =	vadd.s32 $0x1928, v55;
	v55 =	vld [tilespmem:$0x1FBD0]  }
0x199: {  	v12 =	vld.idx.msk [tilespmem:v62+s7+$0x0], $0xffff  }
0x19a: {  	v43 =	vadd.s32 $0x1928, v21;
	v62 =	vmov v50;
	v50 =	vld.idx.msk [tilespmem:v57+s7+$0x0], $0xffff;
	v57 =	vadd.f32 v7, v5  }
0x19b: {  	v54 =	vadd.s32 $0x1927, v14;
	v21 =	vld [tilespmem:$0x1FB90]  }
0x19c: {  	[tilespmem:$0x1FD30] =	vst v57;
	v57 =	vld [tilespmem:$0x1FBB0]  }
0x19d: {  	v5 =	vadd.f32 v13, v2;
	v13 =	vld.idx.msk [tilespmem:v15+s7+$0x0], $0xffff  }
0x19e: {  	v2 =	vld [tilespmem:$0x1FBC0]  }
0x19f: {  	v7 =	vld.idx.msk [tilespmem:v43+s7+$0x0], $0xffff  }
0x1a0: {  	v48 =	vadd.s32 $0x1928, v21;
	v43 =	vld.idx.msk [tilespmem:v54+s7+$0x0], $0xffff  }
0x1a1: {  	v1 =	vadd.f32 v39, v1;
	v46 =	vmul.f32 v57, v57;
	v39 =	vadd.f32 v57, v16;
	v57 =	vld [tilespmem:$0x1FBE0]  }
0x1a2: {  	v5 =	vadd.f32 v10, v5;
	v54 =	vadd.s32 $0x3374, v55;
	v55 =	vld [tilespmem:$0x1FBF0]  }
0x1a3: {  	v21 =	vld [tilespmem:$0x1FC00]  }
0x1a4: {  	v4 =	vadd.f32 v4, v5;
	v5 =	vld.idx.msk [tilespmem:v17+s7+$0x0], $0xffff;
	v15 =	vadd.s32 $0x1927, v2  }
0x1a5: {  	v1 =	vadd.f32 v50, v1;
	v10 =	vld.idx.msk [tilespmem:v48+s7+$0x0], $0xffff;
	v48 =	vadd.s32 $0x1927, v61  }
0x1a6: {  	v47 =	vadd.f32 v46, v47;
	v39 =	vadd.f32 v57, v39;
	v46 =	vmul.f32 v57, v57;
	v57 =	vld [tilespmem:$0x1FC10]  }
0x1a7: {  	v4 =	vadd.f32 v9, v4;
	v55 =	vadd.s32 $0x3374, v55;
	v9 =	vld.idx.msk [tilespmem:v54+s7+$0x0], $0xffff  }
0x1a8: {  	v1 =	vadd.f32 v43, v1;
	v17 =	vadd.s32 $0x1927, v21;
	v54 =	vld [tilespmem:$0x1FC30]  }
0x1a9: {  	v15 =	vld.idx.msk [tilespmem:v15+s7+$0x0], $0xffff  }
0x1aa: {  	v0 =	vadd.f32 v0, v4;
	v1 =	vadd.f32 v41, v1;
	v41 =	vadd.s32 $0x1927, v33;
	v48 =	vld.idx.msk [tilespmem:v48+s7+$0x0], $0xffff  }
0x1ab: {  	v43 =	vadd.f32 v46, v47;
	v47 =	vadd.s32 $0x3374, v57;
	v57 =	vmov v33;
	v33 =	vld [tilespmem:$0x1FC40]  }
0x1ac: {  	v0 =	vadd.f32 v3, v0;
	v1 =	vadd.f32 v8, v1;
	v8 =	vadd.s32 $0x1927, v24;
	v4 =	vld.idx.msk [tilespmem:v55+s7+$0x0], $0xffff  }
0x1ad: {  	v46 =	vmul.f32 v37, v37;
	v39 =	vadd.f32 v37, v39;
	v50 =	vadd.s32 $0x3374, v54;
	v17 =	vld.idx.msk [tilespmem:v17+s7+$0x0], $0xffff  }
0x1ae: {  	v54 =	vadd.s32 $0x341B, v22;
	v22 =	vld [tilespmem:$0x1FC60];
	v1 =	vadd.f32 v15, v1;
	v15 =	vadd.s32 $0x1927, v36  }
0x1af: {  	v26 =	vmovc v24;
	v0 =	vadd.f32 v11, v0;
	v24 =	vmov v36;
	v36 =	vadd.s32 $0x1927, v40;
	v41 =	vld.idx.msk [tilespmem:v41+s7+$0x0], $0xffff  }
0x1b0: {  	v43 =	vadd.f32 v46, v43;
	v39 =	vadd.f32 v33, v39;
	v46 =	vmul.f32 v33, v33;
	v33 =	vld [tilespmem:$0x1FC50]  }
0x1b1: {  	v8 =	vld.idx.msk [tilespmem:v8+s7+$0x0], $0xffff  }
0x1b2: {  	v0 =	vadd.f32 v6, v0;
	v1 =	vadd.f32 v48, v1;
	v11 =	vld.idx.msk [tilespmem:v50+s7+$0x0], $0xffff;
	v48 =	vadd.s32 $0x1927, v59  }
0x1b3: {  	v50 =	vadd.s32 $0x3437, v35;
	v35 =	vadd.s32 $0x1927, v42;
	v15 =	vld.idx.msk [tilespmem:v15+s7+$0x0], $0xffff  }
0x1b4: {  	v0 =	vadd.f32 v12, v0;
	v6 =	vld.idx.msk [tilespmem:v36+s7+$0x0], $0xffff;
	v1 =	vadd.f32 v17, v1  }
0x1b5: {  	v55 =	vadd.s32 $0x33C3, v18;
	v3 =	vld.idx.msk [tilespmem:v47+s7+$0x0], $0xffff;
	v18 =	vmul.f32 v33, v33;
	v33 =	vadd.f32 v33, v39  }
0x1b6: {  	v0 =	vadd.f32 v7, v0;
	v47 =	vadd.s32 $0x3423, v28;
	v28 =	vld [tilespmem:$0x1FC90];
	v1 =	vadd.f32 v41, v1  }
0x1b7: {  	v43 =	vadd.f32 v46, v43;
	v48 =	vld.idx.msk [tilespmem:v48+s7+$0x0], $0xffff;
	v46 =	vadd.f32 v44, v33  }
0x1b8: {  	v37 =	vmovc v59;
	v59 =	vadd.s32 $0x1927, v38;
	v0 =	vadd.f32 v13, v0;
	v7 =	vld.idx.msk [tilespmem:v35+s7+$0x0], $0xffff;
	v1 =	vadd.f32 v8, v1  }
0x1b9: {  	v43 =	vadd.f32 v18, v43;
	v18 =	vmul.f32 v49, v49;
	v8 =	vadd.f32 v49, v46;
	v49 =	vld [tilespmem:$0x1FE00]  }
0x1ba: {  	v13 =	vadd.s32 $0x3373, v22;
	v39 =	vld.idx.msk [tilespmem:v55+s7+$0x0], $0xffff;
	v55 =	vmul.f32 v44, v44  }
0x1bb: {  	v0 =	vadd.f32 v10, v0;
	v10 =	vadd.s32 $0x1927, v45;
	v35 =	vld [tilespmem:$0x1FC80]  }
0x1bc: {  	v1 =	vadd.f32 v15, v1;
	v16 =	vadd.f32 v55, v43;
	v55 =	vld [tilespmem:$0x1FE10]  }
0x1bd: {  	v4 =	vadd.f32 v4, v9;
	v9 =	vadd.s32 $0x1927, v19;
	v12 =	vld.idx.msk [tilespmem:v59+s7+$0x0], $0xffff  }
0x1be: {  	v41 =	vld.idx.msk [tilespmem:v54+s7+$0x0], $0xffff;
	v54 =	vmul.f32 v27, v27;
	v1 =	vadd.f32 v48, v1;
	v46 =	vmul.f32 v49, v49  }
0x1bf: {  	v36 =	vadd.s32 $0x1927, v51;
	v13 =	vld.idx.msk [tilespmem:v13+s7+$0x0], $0xffff;
	v3 =	vadd.f32 v3, v4  }
0x1c0: {  	v10 =	vld.idx.msk [tilespmem:v10+s7+$0x0], $0xffff;
	v1 =	vadd.f32 v6, v1;
	v15 =	vadd.f32 v54, v46;
	v46 =	vadd.s32 $0x3373, v35  }
0x1c1: {  	v33 =	vadd.s32 $0xA67, v23;
	v43 =	vld.idx.msk [tilespmem:v47+s7+$0x0], $0xffff;
	v59 =	vmul.f32 v55, v55  }
0x1c2: {  	v3 =	vadd.f32 v11, v3;
	v47 =	vld.idx.msk [tilespmem:v50+s7+$0x0], $0xffff;
	v50 =	vadd.s32 $0x3373, v30;
	v1 =	vadd.f32 v12, v1  }
0x1c3: {  	v11 =	vld.idx.msk [tilespmem:v9+s7+$0x0], $0xffff;
	v16 =	vadd.f32 v18, v16;
	v15 =	vadd.f32 v59, v15;
	v59 =	vmul.f32 v28, v28  }
0x1c4: {  	v44 =	vmovc v51;
	v51 =	vmovc v60;
	v6 =	vld.idx.msk [tilespmem:v36+s7+$0x0], $0xffff;
	v18 =	vadd.s32 $0x3373, v58;
	v12 =	vadd.s32 $0x1927, v60;
	v1 =	vadd.f32 v7, v1  }
0x1c5: {  	v60 =	vadd.f32 v59, v15;
	v59 =	vadd.f32 v27, v49;
	v7 =	vld.idx.msk [tilespmem:v46+s7+$0x0], $0xffff;
	v46 =	vmul.f32 v29, v29  }
0x1c6: {  	v0 =	vadd.f32 v5, v0;
	v48 =	vld.idx.msk [tilespmem:v33+s7+$0x0], $0xffff  }
0x1c7: {  	v5 =	vld.idx.msk [tilespmem:v50+s7+$0x0], $0xffff;
	v15 =	vadd.s32 $0x1927, v20;
	v4 =	vadd.f32 v46, v60;
	v60 =	vadd.f32 v55, v59  }
0x1c8: {  	v23 =	vmovc v30;
	v30 =	vmov v58;
	v58 =	vor.u32 $0x2, v32;
	v49 =	vmov v27;
	v27 =	vld [tilespmem:$0x1FCB0]  }
0x1c9: {  	v54 =	vor.u32 $0x6, v32;
	v1 =	vadd.f32 v6, v1;
	v6 =	vld.idx.msk [tilespmem:v18+s7+$0x0], $0xffff;
	v55 =	vadd.f32 v28, v60  }
0x1ca: {  	v17 =	vor.u32 $0xA, v32;
	v9 =	vld.idx.msk [tilespmem:v12+s7+$0x0], $0xffff  }
0x1cb: {  	v12 =	vor.u32 $0xE, v32;
	v60 =	vadd.f32 v29, v55;
	v55 =	vld [tilespmem:$0x1FCC0]  }
0x1cc: {  	v18 =	vor.u32 $0x12, v32;
	v1 =	vadd.f32 v10, v1;
	v5 =	vadd.f32 v5, v13;
	v10 =	vld.idx.msk [tilespmem:v15+s7+$0x0], $0xffff  }
0x1cd: {  	v13 =	vor.u32 $0x16, v32;
	v46 =	vmul.f32 v27, v27;
	[tilespmem:v58+s9+$0x0] =	vst.idx.msk $0xffff, v39  }
0x1ce: {  	v1 =	vadd.f32 v11, v1;
	v11 =	vor.u32 $0x1A, v32;
	v5 =	vadd.f32 v7, v5;
	[tilespmem:v54+s9+$0x0] =	vst.idx.msk $0xffff, v41  }
0x1cf: {  	v4 =	vadd.f32 v46, v4;
	[tilespmem:v17+s9+$0x0] =	vst.idx.msk $0xffff, v43;
	v46 =	vor.u32 $0x1E, v32  }
0x1d0: {  	v5 =	vadd.f32 v6, v5;
	[tilespmem:v12+s9+$0x0] =	vst.idx.msk $0xffff, v47;
	v12 =	vadd.s32 $0x1928, v55  }
0x1d1: {  	v8 =	vmul.f32 v8, v8;
	[tilespmem:v18+s9+$0x0] =	vst.idx.msk $0xffff, v48;
	v17 =	vadd.f32 v10, v1  }
0x1d2: {  	[tilespmem:v13+s9+$0x0] =	vst.idx.msk $0xffff, v9;
	v15 =	vmul.f32 $2.500000000e-01, v5  }
0x1d3: {  	v8 =	vsub.f32 v8, v16;
	v16 =	vld [tilespmem:$0x1FCF0];
	[tilespmem:v11+s9+$0x0] =	vst.idx.msk $0xffff, v17  }
0x1d4: {  	v18 =	vld [tilespmem:$0x1FD00];
	[tilespmem:v46+s9+$0x0] =	vst.idx.msk $0xffff, v15  }
0x1d5: {  	v6 =	vadd.f32 v27, v60;
	v11 =	vld.idx.msk [tilespmem:v12+s7+$0x0], $0xffff  }
0x1d6: {  	v59 =	vmul.f32 v0, v0;
	v12 =	vadd.s32 $0x1928, v14;
	v14 =	vld [tilespmem:$0x1FD10]  }
0x1d7: {  	v1 =	vmul.f32 $2.500000000e-01, v3;
	v13 =	vadd.f32 v0, v6  }
0x1d8: {  	v4 =	vadd.f32 v59, v4;
	v6 =	vmul.f32 v16, v16  }
0x1d9: {  	v36 =	vmovc v19;
	v19 =	vld [tilespmem:$0x1FCE0];
	v3 =	vadd.f32 v1, v13;
	v13 =	vmul.f32 v1, v1;
	v16 =	vadd.f32 v18, v16  }
0x1da: {  	v10 =	vld [tilespmem:$0x1FCD0]  }
0x1db: {  	v4 =	vadd.f32 v13, v4;
	v13 =	vadd.f32 v14, v16;
	v16 =	vld [tilespmem:$0x1FD20]  }
0x1dc: {  	v46 =	vmul.f32 v18, v18;
	_ =	sdelay $0x1  }
0x1dd: {  	v6 =	vadd.f32 v46, v6;
	v46 =	vmul.f32 v14, v14  }
0x1de: {  	v5 =	vadd.s32 $0x1928, v19;
	v19 =	vld [tilespmem:$0x1FD30];
	v10 =	vadd.s32 $0x1928, v10  }
0x1df: {  	v18 =	vadd.s32 $0x1928, v62;
	v6 =	vadd.f32 v46, v6;
	v62 =	vmul.f32 v16, v16  }
0x1e0: {  	v46 =	vld [tilespmem:$0x1FD40]  }
0x1e1: {  	v3 =	vmul.f32 v3, v3;
	v6 =	vadd.f32 v62, v6;
	v62 =	vld [tilespmem:$0x1FD50];
	_ =	sdelay $0x1  }
0x1e2: {  	v8 =	vadd.f32 v8, v19;
	v3 =	vsub.f32 v3, v4;
	v7 =	vld.idx.msk [tilespmem:v10+s7+$0x0], $0xffff  }
0x1e3: {  	v16 =	vadd.f32 v16, v13  }
0x1e4: {  	v5 =	vld.idx.msk [tilespmem:v5+s7+$0x0], $0xffff;
	v13 =	vadd.f32 v3, v8  }
0x1e5: {  	v4 =	vadd.s32 $0x1928, v46;
	v46 =	vmul.f32 v62, v62;
	v3 =	vadd.f32 v62, v16;
	v62 =	vld [tilespmem:$0x1FD60];
	_ =	sdelay $0x1  }
0x1e6: {  	v10 =	vld.idx.msk [tilespmem:v12+s7+$0x0], $0xffff;
	v7 =	vadd.f32 v7, v11  }
0x1e7: {  	v12 =	vadd.s32 $0x1928, v2  }
0x1e8: {  	v8 =	vld.idx.msk [tilespmem:v18+s7+$0x0], $0xffff;
	v5 =	vadd.f32 v5, v7  }
0x1e9: {  	v7 =	vadd.s32 $0x1928, v61;
	v14 =	vmul.f32 v62, v62;
	v16 =	vadd.f32 v52, v62;
	v62 =	vld [tilespmem:$0x1FD70]  }
0x1ea: {  	v4 =	vld.idx.msk [tilespmem:v4+s7+$0x0], $0xffff  }
0x1eb: {  	v33 =	vmov v20;
	v20 =	vld [tilespmem:$0x1FDD0];
	v5 =	vadd.f32 v10, v5;
	v16 =	vadd.f32 v56, v16  }
0x1ec: {  	v21 =	vadd.s32 $0x1928, v21;
	v12 =	vld.idx.msk [tilespmem:v12+s7+$0x0], $0xffff  }
0x1ed: {  	v61 =	vmul.f32 v52, v52;
	v5 =	vadd.f32 v8, v5;
	v52 =	vadd.f32 v53, v16  }
0x1ee: {  	v7 =	vld.idx.msk [tilespmem:v7+s7+$0x0], $0xffff;
	v6 =	vadd.f32 v46, v6;
	v10 =	vmul.f32 v62, v62  }
0x1ef: {  	v2 =	vmul.f32 v56, v56;
	v4 =	vadd.f32 v4, v5;
	v5 =	vadd.f32 v63, v52;
	v52 =	vld [tilespmem:$0x1FD90]  }
0x1f0: {  	v11 =	vadd.f32 v61, v14;
	v6 =	vadd.f32 v10, v6;
	v10 =	vadd.s32 $0x1928, v57;
	v57 =	vld [tilespmem:$0x1FD80]  }
0x1f1: {  	v20 =	vadd.s32 $0x3424, v20;
	v4 =	vadd.f32 v12, v4  }
0x1f2: {  	v18 =	vadd.s32 $0x1928, v26;
	v56 =	vmul.f32 v53, v53;
	v12 =	vld.idx.msk [tilespmem:v21+s7+$0x0], $0xffff;
	v14 =	vadd.f32 v2, v11  }
0x1f3: {  	v50 =	vld [tilespmem:$0x1FE90];
	v2 =	vmul.f32 v63, v63;
	v4 =	vadd.f32 v7, v4;
	v3 =	vadd.f32 v62, v3  }
0x1f4: {  	v54 =	vmovc v29;
	v29 =	vld [tilespmem:$0x1FE30];
	v8 =	vadd.f32 v56, v14;
	v14 =	vadd.s32 $0x1928, v24;
	v63 =	vadd.s32 $0x1928, v37  }
0x1f5: {  	v5 =	vadd.f32 v52, v5;
	v3 =	vadd.f32 v57, v3;
	v16 =	vmul.f32 v57, v57;
	v57 =	vld [tilespmem:$0x1FDA0]  }
0x1f6: {  	v37 =	vmul.f32 v34, v34;
	v8 =	vadd.f32 v2, v8;
	v53 =	vmul.f32 v52, v52;
	v10 =	vld.idx.msk [tilespmem:v10+s7+$0x0], $0xffff  }
0x1f7: {  	v20 =	vld.idx.msk [tilespmem:v20+s7+$0x0], $0xffff;
	v4 =	vadd.f32 v12, v4;
	v12 =	vadd.s32 $0x1928, v38;
	v5 =	vadd.f32 v34, v5  }
0x1f8: {  	v18 =	vld.idx.msk [tilespmem:v18+s7+$0x0], $0xffff;
	v52 =	vadd.s32 $0x1928, v40;
	v7 =	vadd.f32 v53, v8;
	v34 =	vmul.f32 v41, v41  }
0x1f9: {  	v6 =	vadd.f32 v16, v6;
	v2 =	vadd.f32 v25, v5;
	v5 =	vld.idx.msk [tilespmem:v63+s7+$0x0], $0xffff;
	v63 =	vmul.f32 v39, v39  }
0x1fa: {  	v53 =	vld.idx.msk [tilespmem:v14+s7+$0x0], $0xffff;
	v7 =	vadd.f32 v37, v7;
	v3 =	vadd.f32 v57, v3;
	v11 =	vmul.f32 v57, v57  }
0x1fb: {  	v56 =	vmul.f32 v25, v25;
	v4 =	vadd.f32 v10, v4;
	v10 =	vadd.f32 v34, v63;
	v63 =	vld [tilespmem:$0x1FDC0]  }
0x1fc: {  	v12 =	vld.idx.msk [tilespmem:v12+s7+$0x0], $0xffff;
	v34 =	vadd.s32 $0x1928, v45;
	v6 =	vadd.f32 v11, v6;
	v3 =	vmul.f32 v3, v3  }
0x1fd: {  	v40 =	vadd.s32 $0x1928, v36;
	v4 =	vadd.f32 v18, v4;
	v11 =	vld.idx.msk [tilespmem:v52+s7+$0x0], $0xffff;
	v52 =	vadd.f32 v41, v39  }
0x1fe: {  	v3 =	vsub.f32 v3, v6;
	v6 =	vadd.f32 v56, v7;
	v7 =	vadd.s32 $0x1928, v42;
	v42 =	vld [tilespmem:$0x1FDB0]  }
0x1ff: {  	v4 =	vadd.f32 v53, v4;
	v18 =	vadd.f32 v43, v52;
	v52 =	vld [tilespmem:$0x1FDF0]  }
0x200: {  	v53 =	vadd.s32 $0x1928, v44;
	v19 =	vadd.s32 $0x341C, v63;
	v63 =	vadd.s32 $0x3374, v30;
	v30 =	vld [tilespmem:$0x1FE00]  }
0x201: {  	v21 =	vadd.s32 $0x1928, v33;
	v56 =	vmul.f32 v43, v43;
	v4 =	vadd.f32 v5, v4;
	v5 =	vld.idx.msk [tilespmem:v34+s7+$0x0], $0xffff  }
0x202: {  	v38 =	vmul.f32 v47, v47;
	v43 =	vadd.s32 $0x3374, v23;
	v18 =	vadd.f32 v47, v18;
	v47 =	vld.idx.msk [tilespmem:v40+s7+$0x0], $0xffff  }
0x203: {  	v10 =	vadd.f32 v56, v10;
	v16 =	vadd.s32 $0x33C4, v42;
	v42 =	vadd.s32 $0x3374, v22;
	v22 =	vld [tilespmem:$0x1FDE0]  }
0x204: {  	v7 =	vld.idx.msk [tilespmem:v7+s7+$0x0], $0xffff  }
0x205: {  	v41 =	vmul.f32 v48, v48;
	v4 =	vadd.f32 v11, v4;
	v10 =	vadd.f32 v38, v10;
	v8 =	vld.idx.msk [tilespmem:v53+s7+$0x0], $0xffff  }
0x206: {  	v13 =	vmul.f32 $5.000000000e-01, v13;
	v18 =	vadd.f32 v48, v18;
	v48 =	vadd.s32 $0x3374, v35;
	v53 =	vld.idx.msk [tilespmem:v21+s7+$0x0], $0xffff  }
0x207: {  	v44 =	vmul.f32 v9, v9;
	v34 =	vld.idx.msk [tilespmem:v43+s7+$0x0], $0xffff;
	v4 =	vadd.f32 v12, v4;
	v10 =	vadd.f32 v41, v10  }
0x208: {  	v2 =	vmul.f32 v2, v2;
	v12 =	vld.idx.msk [tilespmem:v19+s7+$0x0], $0xffff;
	v45 =	vadd.f32 v9, v18;
	v22 =	vadd.s32 $0x3438, v22  }
0x209: {  	v11 =	vld.idx.msk [tilespmem:v16+s7+$0x0], $0xffff;
	v4 =	vadd.f32 v7, v4;
	v7 =	vadd.f32 v44, v10;
	v10 =	vadd.s32 $0xA68, v52  }
0x20a: {  	v23 =	vadd.s32 $0x1928, v51;
	v2 =	vsub.f32 v2, v6;
	v35 =	vmul.f32 v15, v15;
	v56 =	vld.idx.msk [tilespmem:v42+s7+$0x0], $0xffff  }
0x20b: {  	v21 =	vor.u32 $0x3, v31;
	v6 =	vadd.f32 v17, v45;
	v40 =	vld.idx.msk [tilespmem:v48+s7+$0x0], $0xffff;
	v4 =	vadd.f32 v8, v4  }
0x20c: {  	v17 =	vmul.f32 v17, v17;
	v45 =	vmul.f32 v20, v20;
	v48 =	vor.u32 $0xF, v31;
	v44 =	vld.idx.msk [tilespmem:v63+s7+$0x0], $0xffff  }
0x20d: {  	v6 =	vadd.f32 v15, v6;
	v52 =	vor.u32 $0x13, v31;
	v4 =	vadd.f32 v5, v4;
	v15 =	vld.idx.msk [tilespmem:v22+s7+$0x0], $0xffff  }
0x20e: {  	v42 =	vmul.f32 v12, v12;
	v41 =	vmul.f32 v11, v11;
	v10 =	vld.idx.msk [tilespmem:v10+s7+$0x0], $0xffff;
	v43 =	vadd.f32 v12, v11  }
0x20f: {  	v23 =	vld.idx.msk [tilespmem:v23+s7+$0x0], $0xffff;
	v22 =	vor.u32 $0x7, v31;
	v5 =	vadd.f32 v34, v56;
	v4 =	vadd.f32 v47, v4  }
0x210: {  	[tilespmem:v21+s9+$0x0] =	vst.idx.msk $0xffff, v30;
	v30 =	vld [tilespmem:$0x1FE10];
	v47 =	vor.u32 $0xB, v31;
	v16 =	vadd.f32 v42, v41;
	v14 =	vadd.f32 v20, v43  }
0x211: {  	v60 =	vld [tilespmem:$0x1FEA0];
	v21 =	vor.u32 $0x17, v31;
	v7 =	vadd.f32 v17, v7;
	v5 =	vadd.f32 v40, v5  }
0x212: {  	v58 =	vmovc v28;
	v59 =	vld [tilespmem:$0x1FEC0];
	v16 =	vadd.f32 v45, v16;
	v51 =	vmul.f32 v15, v15;
	v14 =	vadd.f32 v15, v14  }
0x213: {  	v28 =	vmovc v27;
	v27 =	vld [tilespmem:$0x1FFC0];
	v4 =	vadd.f32 v53, v4;
	v5 =	vadd.f32 v44, v5;
	v53 =	vmul.f32 v10, v10  }
0x214: {  	v55 =	vld [tilespmem:$0x1FEB0];
	v44 =	vor.u32 $0x3, v32;
	[tilespmem:v22+s9+$0x0] =	vst.idx.msk $0xffff, v49;
	v16 =	vadd.f32 v51, v16;
	v14 =	vadd.f32 v10, v14  }
0x215: {  	v26 =	vld [tilespmem:$0x1FFB0];
	v7 =	vadd.f32 v35, v7;
	v56 =	vor.u32 $0x1B, v31;
	v40 =	vmul.f32 v23, v23;
	[tilespmem:v47+s9+$0x0] =	vst.idx.msk $0xffff, v30  }
0x216: {  	v46 =	vld [tilespmem:$0x1FEE0];
	v63 =	vor.u32 $0x1F, v31;
	[tilespmem:v48+s9+$0x0] =	vst.idx.msk $0xffff, v58;
	v16 =	vadd.f32 v53, v16;
	v14 =	vadd.f32 v23, v14  }
0x217: {  	v61 =	vld [tilespmem:$0x1FE40];
	v41 =	vor.u32 $0x21, v31;
	v43 =	vmul.f32 v4, v4;
	v5 =	vmul.f32 $2.500000000e-01, v5;
	[tilespmem:v52+s9+$0x0] =	vst.idx.msk $0xffff, v54  }
0x218: {  	v33 =	vld [tilespmem:$0x1FE60];
	[tilespmem:v21+s9+$0x0] =	vst.idx.msk $0xffff, v28;
	v21 =	vor.u32 $0x7, v32;
	v42 =	vadd.f32 v40, v16;
	v14 =	vadd.f32 v4, v14  }
0x219: {  	v62 =	vld [tilespmem:$0x1FE20];
	v45 =	vmul.f32 v6, v6;
	v48 =	vor.u32 $0xB, v32;
	v51 =	vmul.f32 v5, v5;
	[tilespmem:v44+s9+$0x0] =	vst.idx.msk $0xffff, v11  }
0x21a: {  	v24 =	vld [tilespmem:$0x1FF90];
	v52 =	vor.u32 $0xF, v32;
	[tilespmem:v56+s9+$0x0] =	vst.idx.msk $0xffff, v0;
	v47 =	vadd.f32 v43, v42;
	v49 =	vadd.f32 v5, v14  }
0x21b: {  	v36 =	vld [tilespmem:$0x1FE70];
	v2 =	vadd.f32 v2, v3;
	v53 =	vor.u32 $0x13, v32;
	v0 =	vsub.f32 v45, v7;
	[tilespmem:v63+s9+$0x0] =	vst.idx.msk $0xffff, v1  }
0x21c: {  	v25 =	vld [tilespmem:$0x1FFA0];
	v54 =	vor.u32 $0x17, v32;
	[tilespmem:v41+s9+$0x0] =	vst.idx.msk $0xffff, v13;
	v6 =	vadd.f32 v51, v47;
	v1 =	vmul.f32 v49, v49  }
0x21d: {  	v37 =	vld [tilespmem:$0x1FE80];
	v56 =	vor.u32 $0x1B, v32;
	[tilespmem:v21+s9+$0x0] =	vst.idx.msk $0xffff, v12  }
0x21e: {  	s12 =	sadd.s32 $0x2, s12;
	v57 =	vld [tilespmem:$0x1FED0];
	v58 =	vor.u32 $0x1F, v32;
	v0 =	vadd.f32 v0, v2;
	[tilespmem:v48+s9+$0x0] =	vst.idx.msk $0xffff, v20;
	v1 =	vsub.f32 v1, v6  }
0x21f: {  	p0 =	slt.u32 s12, $0x6;
	v39 =	vld [tilespmem:$0x1FFF0];
	v63 =	vor.u32 $0x21, v32;
	[tilespmem:v52+s9+$0x0] =	vst.idx.msk $0xffff, v15  }
.Ltmp0:
0x220: {  	v38 =	vld [tilespmem:$0x1FFE0];
	[tilespmem:v53+s9+$0x0] =	vst.idx.msk $0xffff, v10;
	v0 =	vadd.f32 v1, v0;
	(pc) =	sbr.rel @p0 .LBB2_2-.Ltmp0, $4  }
0x221: {  	v35 =	vld [tilespmem:$0x1FFD0];
	[tilespmem:v54+s9+$0x0] =	vst.idx.msk $0xffff, v23  }
0x222: {  	v22 =	vld [tilespmem:$0x1FF70];
	[tilespmem:v56+s9+$0x0] =	vst.idx.msk $0xffff, v4;
	v0 =	vmul.f32 $5.000000000e-01, v0  }
0x223: {  	v32 =	vld [tilespmem:$0x1FE50];
	[tilespmem:v58+s9+$0x0] =	vst.idx.msk $0xffff, v5  }
0x224: {  	s13 =	sadd.s32 $0x20, s13;
	v23 =	vld [tilespmem:$0x1FF80];
	[tilespmem:v63+s9+$0x0] =	vst.idx.msk $0xffff, v0  }
0x225: {  	s11 =	sadd.s32 $0x1, s11  }
0x226: {  	p0 =	sne.s32 s11, s6  }
.Ltmp1:
0x227: {  	_ = 	snop;
	(pc) =	sbr.rel @p0 .LBB2_1-.Ltmp1, $4  }
0x228: {  	[hbm4b:s5+s3] =	stream.linear.scatter [tilespmem:s9], [sflag:$0x2], $0x4000, $0x38;
	[tilespmem:$0x8480] =	vst v63  }
0x229: {  	_ =	swait.ge [sflag:s10], $0x4000  }
0x22a: {  	[sflag:s10] =	ssyncset.done $0x0  }
0x22b: {  	[sflag:s10] =	ssyncadd.s32 $0xFFFFC000  }
0x22c: {  	_ =	sfence.sel $0x180000  }
0x22d: {  	[bflag:$0x0] =	sbarrier.arrive $0xFFFF  }
0x22e: {  	p0 =	sne.s32 s2, $0x0;
	_ =	strace $0x90000047  }
0x22f: {  	s0 =	sadd.s32 @!p0 $0x100000, s0;
	[bflag:$0x2] =	sbarrier.arrive $0xFFFF  }
0x230: {  	[sflag:s0] =	ssyncadd.tile.s32 @!p0 $0x1;
	_ =	shalt  }
.Lfunc_end2:
_tile_overlayer_lowered:
.L_overlay_start_2:
0x231: {  	(tag) =	ssettag $0x2  }
0x232: {  	s0 =	rddreg [dreg:$0x0];
	s2 =	stileid.u32  }
0x233: {  	s1 =	rddreg [dreg:$0x1];
	p0 =	sne.s32 s2, $0x0  }
0x234: {  	s3 =	rddreg [dreg:$0x2];
	[bflag:$0x3] =	sbarrier.arrive $0xFFFF;
	s2 =	simm.s32 @!p0 $0x1C02  }
0x235: {  	[timem:s3], [sflag:s2] =	dma.local @!p0 [hbm:s0], s1  }
0x236: {  	s0 =	simm.s32 @!p0 $0x2  }
0x237: {  	_ =	swait.ge @!p0 [sflag:s0], s1  }
0x238: {  	s1 =	ssub.s32 @!p0 $0x0, s1;
	[sflag:s0] =	ssyncset.done @!p0 $0x0  }
0x239: {  	[sflag:s0] =	ssyncadd.s32 @!p0 s1  }
0x23a: {  	[bflag:$0x3] =	sbarrier.arrive $0xFFFF  }
0x23b: {  	_ =	shalt  }

</sc_bundles>
